<compile_context>
chip_gen: v7x
topology: tpu7x:2x2x1
jax: 0.10.2.dev20260603
libtpu: 0.0.44.dev20260713+nightly
codegen_flags: <defaults>
</compile_context>

<pallas_src>
import functools

import jax
import jax.numpy as jnp
from jax import lax
from jax.experimental import pallas as pl
from jax.experimental.pallas import tpu as pltpu
from jax.experimental.pallas import tpu_sc as plsc

N = 10000
E = 320000
D_IN = 128
D_H = 64
D_O = 2

NC = 2
NS = 16
NW = NC * NS
CHUNK = 128
NCHT = E // CHUNK
BASE_CH = NCHT // NW
REM_CH = NCHT % NW
NBUF = 2
IDX_ROWS = BASE_CH + 1 + NBUF

NROW = 10240
ROWS_PER_TILE = NROW // NS
W2P = 16
ROWS_STAGE = N // NS

_mesh = plsc.VectorSubcoreMesh(
    core_axis_name="c", subcore_axis_name="s", num_cores=NC, num_subcores=NS
)


def _tile_schedule(c, s):
    tile = c * NS + s
    start = tile * BASE_CH + jnp.minimum(tile, REM_CH)
    has_tail = tile < REM_CH
    off = jnp.where(tile == NW - 1, 1, 0)
    return start, has_tail, off


def _zero_vmem_2d(ref, rows, width):
    def body(r, carry):
        for k in range(width // 16):
            ref[r, pl.ds(k * 16, 16)] = jnp.zeros((16,), jnp.float32)
        return carry
    lax.fori_loop(0, rows, body, 0)


@functools.partial(
    pl.kernel,
    out_type=jax.ShapeDtypeStruct((NC, NROW), jnp.float32),
    mesh=_mesh,
    compiler_params=pltpu.CompilerParams(use_tc_tiling_on_sc=False),
    scratch_types=[
        pltpu.VMEM((BASE_CH + 1, CHUNK), jnp.int32),
        pltpu.VMEM((CHUNK,), jnp.float32),
        pltpu.VMEM_SHARED((NROW,), jnp.float32),
        pltpu.SemaphoreType.DMA,
    ],
)
def _deg_kernel(e_hbm, out_hbm, idx_d, ones_v, deg_sh, sem):
    c = lax.axis_index("c")
    s = lax.axis_index("s")
    start, has_tail, off = _tile_schedule(c, s)
    cnt = BASE_CH + has_tail.astype(jnp.int32)
    pltpu.sync_copy(e_hbm.at[1, pl.ds(start - off, BASE_CH + 1)], idx_d)
    for k in range(CHUNK // 16):
        ones_v[pl.ds(k * 16, 16)] = jnp.zeros((16,), jnp.float32)
    for r in range(ROWS_PER_TILE // CHUNK):
        pltpu.sync_copy(ones_v, deg_sh.at[pl.ds(s * ROWS_PER_TILE + r * CHUNK, CHUNK)])
    for k in range(CHUNK // 16):
        ones_v[pl.ds(k * 16, 16)] = jnp.ones((16,), jnp.float32)
    plsc.subcore_barrier()

    def fire(j, carry):
        pltpu.async_copy(ones_v, deg_sh.at[idx_d.at[j + off]], sem, add=True)
        return carry

    lax.fori_loop(0, cnt, fire, 0)

    def drain(j, carry):
        pltpu.make_async_copy(ones_v, deg_sh.at[idx_d.at[0]], sem).wait()
        return carry

    lax.fori_loop(0, cnt, drain, 0)
    plsc.subcore_barrier()
    pltpu.sync_copy(
        deg_sh.at[pl.ds(s * ROWS_PER_TILE, ROWS_PER_TILE)],
        out_hbm.at[c, pl.ds(s * ROWS_PER_TILE, ROWS_PER_TILE)],
    )


def _make_spmm(width):

    @functools.partial(
        pl.kernel,
        out_type=jax.ShapeDtypeStruct((NC, NROW, width), jnp.float32),
        mesh=_mesh,
        compiler_params=pltpu.CompilerParams(use_tc_tiling_on_sc=False),
        scratch_types=[
            pltpu.VMEM((IDX_ROWS, CHUNK), jnp.int32),
            pltpu.VMEM((BASE_CH + 1, CHUNK), jnp.int32),
            *[pltpu.VMEM((CHUNK, width), jnp.float32) for _ in range(NBUF)],
            pltpu.VMEM_SHARED((NROW, width), jnp.float32),
            pltpu.VMEM_SHARED((N, width), jnp.float32),
            *[pltpu.SemaphoreType.DMA for _ in range(NBUF)],
        ],
    )
    def spmm(e_hbm, tab_hbm, out_hbm, idx_s, idx_d, *scratch):
        rows = list(scratch[:NBUF])
        acc_sh = scratch[NBUF]
        tab_ref = scratch[NBUF + 1]
        gsem = list(scratch[NBUF + 2:])
        c = lax.axis_index("c")
        s = lax.axis_index("s")
        start, has_tail, off = _tile_schedule(c, s)
        pltpu.sync_copy(
            e_hbm.at[0, pl.ds(start - off, BASE_CH + 1)],
            idx_s.at[pl.ds(0, BASE_CH + 1)],
        )
        pltpu.sync_copy(e_hbm.at[1, pl.ds(start - off, BASE_CH + 1)], idx_d)
        pltpu.sync_copy(
            tab_hbm.at[pl.ds(s * ROWS_STAGE, ROWS_STAGE)],
            tab_ref.at[pl.ds(s * ROWS_STAGE, ROWS_STAGE)],
        )
        for r in range(NBUF):
            for k in range(CHUNK // 16):
                idx_s[BASE_CH + 1 + r, pl.ds(k * 16, 16)] = jnp.zeros((16,), jnp.int32)
        _zero_vmem_2d(rows[0], CHUNK, width)
        for r in range(ROWS_PER_TILE // CHUNK):
            pltpu.sync_copy(rows[0], acc_sh.at[pl.ds(s * ROWS_PER_TILE + r * CHUNK, CHUNK)])
        plsc.subcore_barrier()

        for b in range(NBUF):
            pltpu.async_copy(tab_ref.at[idx_s.at[b + off]], rows[b], gsem[b])

        def body(jj, carry):
            base = jj * NBUF
            for b in range(NBUF):
                pltpu.make_async_copy(tab_ref.at[idx_s.at[0]], rows[b], gsem[b]).wait()
                pltpu.sync_copy(rows[b], acc_sh.at[idx_d.at[base + b + off]], add=True)
                pltpu.async_copy(
                    tab_ref.at[idx_s.at[base + NBUF + b + off]], rows[b], gsem[b]
                )
            return carry

        lax.fori_loop(0, BASE_CH // NBUF, body, 0)
        for b in range(NBUF):
            pltpu.make_async_copy(tab_ref.at[idx_s.at[0]], rows[b], gsem[b]).wait()

        @pl.when(has_tail)
        def _():
            pltpu.async_copy(tab_ref.at[idx_s.at[BASE_CH]], rows[0], gsem[0]).wait()
            pltpu.sync_copy(rows[0], acc_sh.at[idx_d.at[BASE_CH]], add=True)

        plsc.subcore_barrier()
        pltpu.sync_copy(
            acc_sh.at[pl.ds(s * ROWS_PER_TILE, ROWS_PER_TILE)],
            out_hbm.at[c, pl.ds(s * ROWS_PER_TILE, ROWS_PER_TILE)],
        )

    return spmm


_spmm_h = _make_spmm(D_H)
_spmm_o = _make_spmm(W2P)

R_BLK = 2000
GRID = N // R_BLK


def _dinv_of(degt_ref):
    deg = degt_ref[:, 0:1] + degt_ref[:, 1:2] + 1.0
    return lax.rsqrt(deg)


def _pre_body(x_ref, w1_ref, degt_ref, hs_ref):
    dinv = _dinv_of(degt_ref)
    h = jnp.dot(x_ref[...], w1_ref[...], preferred_element_type=jnp.float32)
    hs_ref[...] = h * dinv


def _mid_body(e1_ref, hs_ref, degt_ref, w2_ref, b1_ref, gsp_ref):
    dinv = _dinv_of(degt_ref)
    acc = e1_ref[0] + e1_ref[1]
    z = jnp.maximum(dinv * (acc + hs_ref[...]) + b1_ref[...], 0.0)
    g = jnp.dot(z, w2_ref[...], preferred_element_type=jnp.float32)
    gs = g * dinv
    gsp_ref[...] = jnp.concatenate(
        [gs, jnp.zeros((R_BLK, W2P - D_O), jnp.float32)], axis=1
    )


def _out_body(e2_ref, gsp_ref, degt_ref, b2_ref, o_ref):
    dinv = _dinv_of(degt_ref)
    acc = e2_ref[0] + e2_ref[1]
    o = dinv * (acc[:, 0:D_O] + gsp_ref[:, 0:D_O]) + b2_ref[...]
    m = jnp.max(o, axis=1, keepdims=True)
    lse = m + jnp.log(jnp.sum(jnp.exp(o - m), axis=1, keepdims=True))
    o_ref[...] = o - lse


@jax.jit
def kernel(x, edge_index, W1, b1, W2, b2):
    e32 = edge_index.astype(jnp.int32).reshape(2, NCHT, CHUNK)

    deg_parts = _deg_kernel(e32)
    deg_t = jnp.transpose(deg_parts)

    hs = pl.pallas_call(
        _pre_body,
        grid=(GRID,),
        in_specs=[
            pl.BlockSpec((R_BLK, D_IN), lambda i: (i, 0)),
            pl.BlockSpec((D_IN, D_H), lambda i: (0, 0)),
            pl.BlockSpec((R_BLK, NC), lambda i: (i, 0)),
        ],
        out_specs=pl.BlockSpec((R_BLK, D_H), lambda i: (i, 0)),
        out_shape=jax.ShapeDtypeStruct((N, D_H), jnp.float32),
    )(x, W1, deg_t)

    eacc1 = _spmm_h(e32, hs)

    gsp = pl.pallas_call(
        _mid_body,
        grid=(GRID,),
        in_specs=[
            pl.BlockSpec((NC, R_BLK, D_H), lambda i: (0, i, 0)),
            pl.BlockSpec((R_BLK, D_H), lambda i: (i, 0)),
            pl.BlockSpec((R_BLK, NC), lambda i: (i, 0)),
            pl.BlockSpec((D_H, D_O), lambda i: (0, 0)),
            pl.BlockSpec((1, D_H), lambda i: (0, 0)),
        ],
        out_specs=pl.BlockSpec((R_BLK, W2P), lambda i: (i, 0)),
        out_shape=jax.ShapeDtypeStruct((N, W2P), jnp.float32),
    )(eacc1, hs, deg_t, W2, b1.reshape(1, D_H))

    eacc2 = _spmm_o(e32, gsp)

    out = pl.pallas_call(
        _out_body,
        grid=(GRID,),
        in_specs=[
            pl.BlockSpec((NC, R_BLK, W2P), lambda i: (0, i, 0)),
            pl.BlockSpec((R_BLK, W2P), lambda i: (i, 0)),
            pl.BlockSpec((R_BLK, NC), lambda i: (i, 0)),
            pl.BlockSpec((1, D_O), lambda i: (0, 0)),
        ],
        out_specs=pl.BlockSpec((R_BLK, D_O), lambda i: (i, 0)),
        out_shape=jax.ShapeDtypeStruct((N, D_O), jnp.float32),
    )(eacc2, gsp, deg_t, b2.reshape(1, D_O))

    return out

# --- scband reference (transcript-rebuilt; emitter-appended) ---
"""Pipeline reference for scband-gcn-54889682043047 (READ-ONLY COPY).

The authoritative reference and input builder live on the scoring server;
editing this copy changes nothing except your own understanding.
"""

import jax, jax.numpy as jnp
import numpy as np

N_NODES = 10000
N_EDGES = 320000
D_IN = 128
D_HID = 64
D_OUT = 2


def setup_inputs(seed: int = 0) -> dict:
    key = jax.random.key(seed)
    k_x, k_e, k_w1, k_b1, k_w2, k_b2 = jax.random.split(key, 6)
    x = jax.random.normal(k_x, (N_NODES, D_IN), dtype=jnp.float32)
    edge_index = jax.random.randint(k_e, (2, N_EDGES), 0, N_NODES, dtype=jnp.int64)
    W1 = jax.random.normal(k_w1, (D_IN, D_HID), dtype=jnp.float32) * (1.0 / np.sqrt(D_IN))
    b1 = jnp.zeros((D_HID,), dtype=jnp.float32)
    W2 = jax.random.normal(k_w2, (D_HID, D_OUT), dtype=jnp.float32) * (1.0 / np.sqrt(D_HID))
    b2 = jnp.zeros((D_OUT,), dtype=jnp.float32)
    return {"x": x, "edge_index": edge_index, "W1": W1, "b1": b1, "W2": W2, "b2": b2}


def _gcn_conv(x, W, b, src, dst, num_nodes):
    # GCNConv: D^{-1/2} (A + I) D^{-1/2} X W + b  (self-loops already in src/dst)
    h = x @ W
    ones = jnp.ones(src.shape[0], dtype=x.dtype)
    deg = jax.ops.segment_sum(ones, dst, num_segments=num_nodes)
    dinv = jnp.where(deg > 0, jax.lax.rsqrt(deg), 0.0)
    norm = dinv[src] * dinv[dst]
    msg = h[src] * norm[:, None]
    out = jax.ops.segment_sum(msg, dst, num_segments=num_nodes)
    return out + b


def reference(x, edge_index, W1, b1, W2, b2):
    num_nodes = x.shape[0]
    loops = jnp.arange(num_nodes, dtype=edge_index.dtype)
    src = jnp.concatenate([edge_index[0], loops])
    dst = jnp.concatenate([edge_index[1], loops])
    h = _gcn_conv(x, W1, b1, src, dst, num_nodes)
    h = jax.nn.relu(h)
    h = _gcn_conv(h, W2, b2, src, dst, num_nodes)
    return jax.nn.log_softmax(h, axis=1)

if __name__ == "__main__":
    import jax
    _d = setup_inputs()
    print(jax.jit(kernel)(*tuple(_d.values())))

</pallas_src>

<mosaic_0001>
#map = affine_map<(d0, d1) -> (0, 0, 0)>
#map1 = affine_map<(d0, d1) -> (0, 0)>
module attributes {stable_mosaic.version = 14 : i64} {
  func.func @spmm(%arg0: i32, %arg1: i32, %arg2: memref<2x2500x128xi32, #tpu.memory_space<hbm>>, %arg3: memref<10000x64xf32, #tpu.memory_space<hbm>>, %arg4: memref<2x10240x64xf32, #tpu.memory_space<hbm>>, %arg5: memref<81x128xi32, #tpu.memory_space<vmem>>, %arg6: memref<79x128xi32, #tpu.memory_space<vmem>>, %arg7: memref<128x64xf32, #tpu.memory_space<vmem>>, %arg8: memref<128x64xf32, #tpu.memory_space<vmem>>, %arg9: memref<10240x64xf32, #tpu.memory_space<vmem_shared>>, %arg10: memref<10000x64xf32, #tpu.memory_space<vmem_shared>>, %arg11: memref<!tpu.dma_semaphore, #tpu.memory_space<semaphore_mem>>, %arg12: memref<!tpu.dma_semaphore, #tpu.memory_space<semaphore_mem>>) attributes {dimension_semantics = [#tpu.dimension_semantics<core_parallel>, #tpu.dimension_semantics<subcore_parallel>], iteration_bounds = array<i64: 2, 16>, scalar_prefetch = 0 : i64, scratch_operands = 8 : i64, tpu.core_type = #tpu.core_type<sc_vector_subcore>, window_params = [{transform_indices = #map}, {transform_indices = #map1}, {transform_indices = #map}]} {
    %mul3A = arith.constant 16 : i32
    %mul3A_0 = arith.muli %arg0, %mul3A : i32
    %add3A = arith.addi %mul3A_0, %arg1 : i32
    %mul3A_1 = arith.constant 78 : i32
    %mul3A_2 = arith.muli %add3A, %mul3A_1 : i32
    %min3A = arith.constant 4 : i32
    %min3A_3 = arith.minsi %add3A, %min3A : i32
    %add3A_4 = arith.addi %mul3A_2, %min3A_3 : i32
    %lt3A = arith.constant 4 : i32
    %lt3A_5 = arith.cmpi slt, %add3A, %lt3A : i32
    %eq3A = arith.constant 31 : i32
    %eq3A_6 = arith.cmpi eq, %add3A, %eq3A : i32
    %jit3A = arith.constant 1 : i32
    %jit3A_7 = arith.constant 0 : i32
    %select_n3A = arith.select %eq3A_6, %jit3A, %jit3A_7 : i32
    %sub3A = arith.subi %add3A_4, %select_n3A : i32
    %run_scoped3A = arith.constant 0 : i32
    "tpu.region"() ({
      %run_scoped3A_205 = tpu.sem_alloc : memref<!tpu.dma_semaphore, #tpu.memory_space<semaphore_mem>>
      %dma_start3A_206 = arith.constant 0 : i32
      %dma_start3A_207 = arith.constant 0 : i32
      %dma_start3A_208 = tpu.memref_slice %arg5[%dma_start3A_206, %dma_start3A_207] : memref<81x128xi32, #tpu.memory_space<vmem>> -> memref<79x128xi32, #tpu.memory_space<vmem>>
      %dma_start3A_209 = arith.constant 0 : i32
      %dma_start3A_210 = tpu.memref_slice %arg2[%run_scoped3A, %sub3A, %dma_start3A_209] : memref<2x2500x128xi32, #tpu.memory_space<hbm>> -> memref<1x79x128xi32, #tpu.memory_space<hbm>>
      %dma_start3A_211 = tpu.memref_squeeze %dma_start3A_210 : memref<1x79x128xi32, #tpu.memory_space<hbm>> -> memref<79x128xi32, #tpu.memory_space<hbm>>
      %dma_start3A_212 = arith.constant 0 : i32
      %dma_start3A_213 = arith.constant 0 : i32
      %dma_start3A_214 = tpu.memref_slice %arg5[%dma_start3A_212, %dma_start3A_213] : memref<81x128xi32, #tpu.memory_space<vmem>> -> memref<79x128xi32, #tpu.memory_space<vmem>>
      %dma_start3A_215 = arith.constant 0 : i32
      %dma_start3A_216 = tpu.memref_slice %arg2[%run_scoped3A, %sub3A, %dma_start3A_215] : memref<2x2500x128xi32, #tpu.memory_space<hbm>> -> memref<1x79x128xi32, #tpu.memory_space<hbm>>
      %dma_start3A_217 = tpu.memref_squeeze %dma_start3A_216 : memref<1x79x128xi32, #tpu.memory_space<hbm>> -> memref<79x128xi32, #tpu.memory_space<hbm>>
      tpu.enqueue_dma source(%dma_start3A_217 : memref<79x128xi32, #tpu.memory_space<hbm>>) target(%dma_start3A_214 : memref<79x128xi32, #tpu.memory_space<vmem>>) target_semaphore(%run_scoped3A_205 : memref<!tpu.dma_semaphore, #tpu.memory_space<semaphore_mem>>)
      %dma_wait3A_218 = arith.constant 0 : i32
      %dma_wait3A_219 = arith.constant 0 : i32
      %dma_wait3A_220 = tpu.memref_slice %arg5[%dma_wait3A_218, %dma_wait3A_219] : memref<81x128xi32, #tpu.memory_space<vmem>> -> memref<79x128xi32, #tpu.memory_space<vmem>>
      %dma_wait3A_221 = arith.constant 0 : i32
      %dma_wait3A_222 = tpu.memref_slice %arg2[%run_scoped3A, %sub3A, %dma_wait3A_221] : memref<2x2500x128xi32, #tpu.memory_space<hbm>> -> memref<1x79x128xi32, #tpu.memory_space<hbm>>
      %dma_wait3A_223 = tpu.memref_squeeze %dma_wait3A_222 : memref<1x79x128xi32, #tpu.memory_space<hbm>> -> memref<79x128xi32, #tpu.memory_space<hbm>>
      %dma_wait3A_224 = arith.constant 0 : i32
      %dma_wait3A_225 = arith.constant 0 : i32
      %dma_wait3A_226 = tpu.memref_slice %arg5[%dma_wait3A_224, %dma_wait3A_225] : memref<81x128xi32, #tpu.memory_space<vmem>> -> memref<79x128xi32, #tpu.memory_space<vmem>>
      %dma_wait3A_227 = arith.constant 0 : i32
      %dma_wait3A_228 = tpu.memref_slice %arg2[%run_scoped3A, %sub3A, %dma_wait3A_227] : memref<2x2500x128xi32, #tpu.memory_space<hbm>> -> memref<1x79x128xi32, #tpu.memory_space<hbm>>
      %dma_wait3A_229 = tpu.memref_squeeze %dma_wait3A_228 : memref<1x79x128xi32, #tpu.memory_space<hbm>> -> memref<79x128xi32, #tpu.memory_space<hbm>>
      tpu.wait_dma2 semaphore(%run_scoped3A_205 : memref<!tpu.dma_semaphore, #tpu.memory_space<semaphore_mem>>) src(%dma_wait3A_229 : memref<79x128xi32, #tpu.memory_space<hbm>>) dst(%dma_wait3A_226 : memref<79x128xi32, #tpu.memory_space<vmem>>)
      tpu.yield
    }) : () -> ()
    %sub3A_8 = arith.subi %add3A_4, %select_n3A : i32
    %run_scoped3A_9 = arith.constant 1 : i32
    "tpu.region"() ({
      %run_scoped3A_205 = tpu.sem_alloc : memref<!tpu.dma_semaphore, #tpu.memory_space<semaphore_mem>>
      %dma_start3A_206 = arith.constant 0 : i32
      %dma_start3A_207 = tpu.memref_slice %arg2[%run_scoped3A_9, %sub3A_8, %dma_start3A_206] : memref<2x2500x128xi32, #tpu.memory_space<hbm>> -> memref<1x79x128xi32, #tpu.memory_space<hbm>>
      %dma_start3A_208 = tpu.memref_squeeze %dma_start3A_207 : memref<1x79x128xi32, #tpu.memory_space<hbm>> -> memref<79x128xi32, #tpu.memory_space<hbm>>
      %dma_start3A_209 = arith.constant 0 : i32
      %dma_start3A_210 = tpu.memref_slice %arg2[%run_scoped3A_9, %sub3A_8, %dma_start3A_209] : memref<2x2500x128xi32, #tpu.memory_space<hbm>> -> memref<1x79x128xi32, #tpu.memory_space<hbm>>
      %dma_start3A_211 = tpu.memref_squeeze %dma_start3A_210 : memref<1x79x128xi32, #tpu.memory_space<hbm>> -> memref<79x128xi32, #tpu.memory_space<hbm>>
      tpu.enqueue_dma source(%dma_start3A_211 : memref<79x128xi32, #tpu.memory_space<hbm>>) target(%arg6 : memref<79x128xi32, #tpu.memory_space<vmem>>) target_semaphore(%run_scoped3A_205 : memref<!tpu.dma_semaphore, #tpu.memory_space<semaphore_mem>>)
      %dma_wait3A_212 = arith.constant 0 : i32
      %dma_wait3A_213 = tpu.memref_slice %arg2[%run_scoped3A_9, %sub3A_8, %dma_wait3A_212] : memref<2x2500x128xi32, #tpu.memory_space<hbm>> -> memref<1x79x128xi32, #tpu.memory_space<hbm>>
      %dma_wait3A_214 = tpu.memref_squeeze %dma_wait3A_213 : memref<1x79x128xi32, #tpu.memory_space<hbm>> -> memref<79x128xi32, #tpu.memory_space<hbm>>
      %dma_wait3A_215 = arith.constant 0 : i32
      %dma_wait3A_216 = tpu.memref_slice %arg2[%run_scoped3A_9, %sub3A_8, %dma_wait3A_215] : memref<2x2500x128xi32, #tpu.memory_space<hbm>> -> memref<1x79x128xi32, #tpu.memory_space<hbm>>
      %dma_wait3A_217 = tpu.memref_squeeze %dma_wait3A_216 : memref<1x79x128xi32, #tpu.memory_space<hbm>> -> memref<79x128xi32, #tpu.memory_space<hbm>>
      tpu.wait_dma2 semaphore(%run_scoped3A_205 : memref<!tpu.dma_semaphore, #tpu.memory_space<semaphore_mem>>) src(%dma_wait3A_217 : memref<79x128xi32, #tpu.memory_space<hbm>>) dst(%arg6 : memref<79x128xi32, #tpu.memory_space<vmem>>)
      tpu.yield
    }) : () -> ()
    %mul3A_10 = arith.constant 625 : i32
    %mul3A_11 = arith.muli %arg1, %mul3A_10 : i32
    %mul3A_12 = arith.constant 625 : i32
    %mul3A_13 = arith.muli %arg1, %mul3A_12 : i32
    "tpu.region"() ({
      %run_scoped3A_205 = tpu.sem_alloc : memref<!tpu.dma_semaphore, #tpu.memory_space<semaphore_mem>>
      %dma_start3A_206 = arith.constant 0 : i32
      %dma_start3A_207 = tpu.memref_slice %arg10[%mul3A_13, %dma_start3A_206] : memref<10000x64xf32, #tpu.memory_space<vmem_shared>> -> memref<625x64xf32, #tpu.memory_space<vmem_shared>>
      %dma_start3A_208 = arith.constant 0 : i32
      %dma_start3A_209 = tpu.memref_slice %arg3[%mul3A_11, %dma_start3A_208] : memref<10000x64xf32, #tpu.memory_space<hbm>> -> memref<625x64xf32, #tpu.memory_space<hbm>>
      tpu.enqueue_dma source(%dma_start3A_209 : memref<625x64xf32, #tpu.memory_space<hbm>>) target(%dma_start3A_207 : memref<625x64xf32, #tpu.memory_space<vmem_shared>>) target_semaphore(%run_scoped3A_205 : memref<!tpu.dma_semaphore, #tpu.memory_space<semaphore_mem>>)
      %dma_wait3A_210 = arith.constant 0 : i32
      %dma_wait3A_211 = tpu.memref_slice %arg10[%mul3A_13, %dma_wait3A_210] : memref<10000x64xf32, #tpu.memory_space<vmem_shared>> -> memref<625x64xf32, #tpu.memory_space<vmem_shared>>
      %dma_wait3A_212 = arith.constant 0 : i32
      %dma_wait3A_213 = tpu.memref_slice %arg3[%mul3A_11, %dma_wait3A_212] : memref<10000x64xf32, #tpu.memory_space<hbm>> -> memref<625x64xf32, #tpu.memory_space<hbm>>
      tpu.wait_dma2 semaphore(%run_scoped3A_205 : memref<!tpu.dma_semaphore, #tpu.memory_space<semaphore_mem>>) src(%dma_wait3A_213 : memref<625x64xf32, #tpu.memory_space<hbm>>) dst(%dma_wait3A_211 : memref<625x64xf32, #tpu.memory_space<vmem_shared>>)
      tpu.yield
    }) : () -> ()
    %broadcast_in_dim3A = arith.constant 0 : i32
    %broadcast_in_dim3A_14 = vector.broadcast %broadcast_in_dim3A : i32 to vector<16xi32>
    %swap3A = arith.constant 79 : i32
    %swap3A_15 = arith.index_cast %swap3A : i32 to index
    %swap3A_16 = arith.constant 0 : index
    %swap3A_17 = tpu.vector_load %arg5[%swap3A_15, %swap3A_16] {strides = array<i32>} : memref<81x128xi32, #tpu.memory_space<vmem>>, vector<1x16xi32>,
    %swap3A_18 = vector.shape_cast %swap3A_17 : vector<1x16xi32> to vector<16xi32>
    %swap3A_19 = vector.shape_cast %broadcast_in_dim3A_14 : vector<16xi32> to vector<1x16xi32>
    tpu.vector_store %arg5[%swap3A_15, %swap3A_16], %swap3A_19 {strides = array<i32>} : memref<81x128xi32, #tpu.memory_space<vmem>>, vector<1x16xi32>,
    %broadcast_in_dim3A_20 = arith.constant 0 : i32
    %broadcast_in_dim3A_21 = vector.broadcast %broadcast_in_dim3A_20 : i32 to vector<16xi32>
    %swap3A_22 = arith.constant 79 : i32
    %swap3A_23 = arith.index_cast %swap3A_22 : i32 to index
    %swap3A_24 = arith.constant 16 : index
    %swap3A_25 = tpu.vector_load %arg5[%swap3A_23, %swap3A_24] {strides = array<i32>} : memref<81x128xi32, #tpu.memory_space<vmem>>, vector<1x16xi32>,
    %swap3A_26 = vector.shape_cast %swap3A_25 : vector<1x16xi32> to vector<16xi32>
    %swap3A_27 = vector.shape_cast %broadcast_in_dim3A_21 : vector<16xi32> to vector<1x16xi32>
    tpu.vector_store %arg5[%swap3A_23, %swap3A_24], %swap3A_27 {strides = array<i32>} : memref<81x128xi32, #tpu.memory_space<vmem>>, vector<1x16xi32>,
    %broadcast_in_dim3A_28 = arith.constant 0 : i32
    %broadcast_in_dim3A_29 = vector.broadcast %broadcast_in_dim3A_28 : i32 to vector<16xi32>
    %swap3A_30 = arith.constant 79 : i32
    %swap3A_31 = arith.index_cast %swap3A_30 : i32 to index
    %swap3A_32 = arith.constant 32 : index
    %swap3A_33 = tpu.vector_load %arg5[%swap3A_31, %swap3A_32] {strides = array<i32>} : memref<81x128xi32, #tpu.memory_space<vmem>>, vector<1x16xi32>,
    %swap3A_34 = vector.shape_cast %swap3A_33 : vector<1x16xi32> to vector<16xi32>
    %swap3A_35 = vector.shape_cast %broadcast_in_dim3A_29 : vector<16xi32> to vector<1x16xi32>
    tpu.vector_store %arg5[%swap3A_31, %swap3A_32], %swap3A_35 {strides = array<i32>} : memref<81x128xi32, #tpu.memory_space<vmem>>, vector<1x16xi32>,
    %broadcast_in_dim3A_36 = arith.constant 0 : i32
    %broadcast_in_dim3A_37 = vector.broadcast %broadcast_in_dim3A_36 : i32 to vector<16xi32>
    %swap3A_38 = arith.constant 79 : i32
    %swap3A_39 = arith.index_cast %swap3A_38 : i32 to index
    %swap3A_40 = arith.constant 48 : index
    %swap3A_41 = tpu.vector_load %arg5[%swap3A_39, %swap3A_40] {strides = array<i32>} : memref<81x128xi32, #tpu.memory_space<vmem>>, vector<1x16xi32>,
    %swap3A_42 = vector.shape_cast %swap3A_41 : vector<1x16xi32> to vector<16xi32>
    %swap3A_43 = vector.shape_cast %broadcast_in_dim3A_37 : vector<16xi32> to vector<1x16xi32>
    tpu.vector_store %arg5[%swap3A_39, %swap3A_40], %swap3A_43 {strides = array<i32>} : memref<81x128xi32, #tpu.memory_space<vmem>>, vector<1x16xi32>,
    %broadcast_in_dim3A_44 = arith.constant 0 : i32
    %broadcast_in_dim3A_45 = vector.broadcast %broadcast_in_dim3A_44 : i32 to vector<16xi32>
    %swap3A_46 = arith.constant 79 : i32
    %swap3A_47 = arith.index_cast %swap3A_46 : i32 to index
    %swap3A_48 = arith.constant 64 : index
    %swap3A_49 = tpu.vector_load %arg5[%swap3A_47, %swap3A_48] {strides = array<i32>} : memref<81x128xi32, #tpu.memory_space<vmem>>, vector<1x16xi32>,
    %swap3A_50 = vector.shape_cast %swap3A_49 : vector<1x16xi32> to vector<16xi32>
    %swap3A_51 = vector.shape_cast %broadcast_in_dim3A_45 : vector<16xi32> to vector<1x16xi32>
    tpu.vector_store %arg5[%swap3A_47, %swap3A_48], %swap3A_51 {strides = array<i32>} : memref<81x128xi32, #tpu.memory_space<vmem>>, vector<1x16xi32>,
    %broadcast_in_dim3A_52 = arith.constant 0 : i32
    %broadcast_in_dim3A_53 = vector.broadcast %broadcast_in_dim3A_52 : i32 to vector<16xi32>
    %swap3A_54 = arith.constant 79 : i32
    %swap3A_55 = arith.index_cast %swap3A_54 : i32 to index
    %swap3A_56 = arith.constant 80 : index
    %swap3A_57 = tpu.vector_load %arg5[%swap3A_55, %swap3A_56] {strides = array<i32>} : memref<81x128xi32, #tpu.memory_space<vmem>>, vector<1x16xi32>,
    %swap3A_58 = vector.shape_cast %swap3A_57 : vector<1x16xi32> to vector<16xi32>
    %swap3A_59 = vector.shape_cast %broadcast_in_dim3A_53 : vector<16xi32> to vector<1x16xi32>
    tpu.vector_store %arg5[%swap3A_55, %swap3A_56], %swap3A_59 {strides = array<i32>} : memref<81x128xi32, #tpu.memory_space<vmem>>, vector<1x16xi32>,
    %broadcast_in_dim3A_60 = arith.constant 0 : i32
    %broadcast_in_dim3A_61 = vector.broadcast %broadcast_in_dim3A_60 : i32 to vector<16xi32>
    %swap3A_62 = arith.constant 79 : i32
    %swap3A_63 = arith.index_cast %swap3A_62 : i32 to index
    %swap3A_64 = arith.constant 96 : index
    %swap3A_65 = tpu.vector_load %arg5[%swap3A_63, %swap3A_64] {strides = array<i32>} : memref<81x128xi32, #tpu.memory_space<vmem>>, vector<1x16xi32>,
    %swap3A_66 = vector.shape_cast %swap3A_65 : vector<1x16xi32> to vector<16xi32>
    %swap3A_67 = vector.shape_cast %broadcast_in_dim3A_61 : vector<16xi32> to vector<1x16xi32>
    tpu.vector_store %arg5[%swap3A_63, %swap3A_64], %swap3A_67 {strides = array<i32>} : memref<81x128xi32, #tpu.memory_space<vmem>>, vector<1x16xi32>,
    %broadcast_in_dim3A_68 = arith.constant 0 : i32
    %broadcast_in_dim3A_69 = vector.broadcast %broadcast_in_dim3A_68 : i32 to vector<16xi32>
    %swap3A_70 = arith.constant 79 : i32
    %swap3A_71 = arith.index_cast %swap3A_70 : i32 to index
    %swap3A_72 = arith.constant 112 : index
    %swap3A_73 = tpu.vector_load %arg5[%swap3A_71, %swap3A_72] {strides = array<i32>} : memref<81x128xi32, #tpu.memory_space<vmem>>, vector<1x16xi32>,
    %swap3A_74 = vector.shape_cast %swap3A_73 : vector<1x16xi32> to vector<16xi32>
    %swap3A_75 = vector.shape_cast %broadcast_in_dim3A_69 : vector<16xi32> to vector<1x16xi32>
    tpu.vector_store %arg5[%swap3A_71, %swap3A_72], %swap3A_75 {strides = array<i32>} : memref<81x128xi32, #tpu.memory_space<vmem>>, vector<1x16xi32>,
    %broadcast_in_dim3A_76 = arith.constant 0 : i32
    %broadcast_in_dim3A_77 = vector.broadcast %broadcast_in_dim3A_76 : i32 to vector<16xi32>
    %swap3A_78 = arith.constant 80 : i32
    %swap3A_79 = arith.index_cast %swap3A_78 : i32 to index
    %swap3A_80 = arith.constant 0 : index
    %swap3A_81 = tpu.vector_load %arg5[%swap3A_79, %swap3A_80] {strides = array<i32>} : memref<81x128xi32, #tpu.memory_space<vmem>>, vector<1x16xi32>,
    %swap3A_82 = vector.shape_cast %swap3A_81 : vector<1x16xi32> to vector<16xi32>
    %swap3A_83 = vector.shape_cast %broadcast_in_dim3A_77 : vector<16xi32> to vector<1x16xi32>
    tpu.vector_store %arg5[%swap3A_79, %swap3A_80], %swap3A_83 {strides = array<i32>} : memref<81x128xi32, #tpu.memory_space<vmem>>, vector<1x16xi32>,
    %broadcast_in_dim3A_84 = arith.constant 0 : i32
    %broadcast_in_dim3A_85 = vector.broadcast %broadcast_in_dim3A_84 : i32 to vector<16xi32>
    %swap3A_86 = arith.constant 80 : i32
    %swap3A_87 = arith.index_cast %swap3A_86 : i32 to index
    %swap3A_88 = arith.constant 16 : index
    %swap3A_89 = tpu.vector_load %arg5[%swap3A_87, %swap3A_88] {strides = array<i32>} : memref<81x128xi32, #tpu.memory_space<vmem>>, vector<1x16xi32>,
    %swap3A_90 = vector.shape_cast %swap3A_89 : vector<1x16xi32> to vector<16xi32>
    %swap3A_91 = vector.shape_cast %broadcast_in_dim3A_85 : vector<16xi32> to vector<1x16xi32>
    tpu.vector_store %arg5[%swap3A_87, %swap3A_88], %swap3A_91 {strides = array<i32>} : memref<81x128xi32, #tpu.memory_space<vmem>>, vector<1x16xi32>,
    %broadcast_in_dim3A_92 = arith.constant 0 : i32
    %broadcast_in_dim3A_93 = vector.broadcast %broadcast_in_dim3A_92 : i32 to vector<16xi32>
    %swap3A_94 = arith.constant 80 : i32
    %swap3A_95 = arith.index_cast %swap3A_94 : i32 to index
    %swap3A_96 = arith.constant 32 : index
    %swap3A_97 = tpu.vector_load %arg5[%swap3A_95, %swap3A_96] {strides = array<i32>} : memref<81x128xi32, #tpu.memory_space<vmem>>, vector<1x16xi32>,
    %swap3A_98 = vector.shape_cast %swap3A_97 : vector<1x16xi32> to vector<16xi32>
    %swap3A_99 = vector.shape_cast %broadcast_in_dim3A_93 : vector<16xi32> to vector<1x16xi32>
    tpu.vector_store %arg5[%swap3A_95, %swap3A_96], %swap3A_99 {strides = array<i32>} : memref<81x128xi32, #tpu.memory_space<vmem>>, vector<1x16xi32>,
    %broadcast_in_dim3A_100 = arith.constant 0 : i32
    %broadcast_in_dim3A_101 = vector.broadcast %broadcast_in_dim3A_100 : i32 to vector<16xi32>
    %swap3A_102 = arith.constant 80 : i32
    %swap3A_103 = arith.index_cast %swap3A_102 : i32 to index
    %swap3A_104 = arith.constant 48 : index
    %swap3A_105 = tpu.vector_load %arg5[%swap3A_103, %swap3A_104] {strides = array<i32>} : memref<81x128xi32, #tpu.memory_space<vmem>>, vector<1x16xi32>,
    %swap3A_106 = vector.shape_cast %swap3A_105 : vector<1x16xi32> to vector<16xi32>
    %swap3A_107 = vector.shape_cast %broadcast_in_dim3A_101 : vector<16xi32> to vector<1x16xi32>
    tpu.vector_store %arg5[%swap3A_103, %swap3A_104], %swap3A_107 {strides = array<i32>} : memref<81x128xi32, #tpu.memory_space<vmem>>, vector<1x16xi32>,
    %broadcast_in_dim3A_108 = arith.constant 0 : i32
    %broadcast_in_dim3A_109 = vector.broadcast %broadcast_in_dim3A_108 : i32 to vector<16xi32>
    %swap3A_110 = arith.constant 80 : i32
    %swap3A_111 = arith.index_cast %swap3A_110 : i32 to index
    %swap3A_112 = arith.constant 64 : index
    %swap3A_113 = tpu.vector_load %arg5[%swap3A_111, %swap3A_112] {strides = array<i32>} : memref<81x128xi32, #tpu.memory_space<vmem>>, vector<1x16xi32>,
    %swap3A_114 = vector.shape_cast %swap3A_113 : vector<1x16xi32> to vector<16xi32>
    %swap3A_115 = vector.shape_cast %broadcast_in_dim3A_109 : vector<16xi32> to vector<1x16xi32>
    tpu.vector_store %arg5[%swap3A_111, %swap3A_112], %swap3A_115 {strides = array<i32>} : memref<81x128xi32, #tpu.memory_space<vmem>>, vector<1x16xi32>,
    %broadcast_in_dim3A_116 = arith.constant 0 : i32
    %broadcast_in_dim3A_117 = vector.broadcast %broadcast_in_dim3A_116 : i32 to vector<16xi32>
    %swap3A_118 = arith.constant 80 : i32
    %swap3A_119 = arith.index_cast %swap3A_118 : i32 to index
    %swap3A_120 = arith.constant 80 : index
    %swap3A_121 = tpu.vector_load %arg5[%swap3A_119, %swap3A_120] {strides = array<i32>} : memref<81x128xi32, #tpu.memory_space<vmem>>, vector<1x16xi32>,
    %swap3A_122 = vector.shape_cast %swap3A_121 : vector<1x16xi32> to vector<16xi32>
    %swap3A_123 = vector.shape_cast %broadcast_in_dim3A_117 : vector<16xi32> to vector<1x16xi32>
    tpu.vector_store %arg5[%swap3A_119, %swap3A_120], %swap3A_123 {strides = array<i32>} : memref<81x128xi32, #tpu.memory_space<vmem>>, vector<1x16xi32>,
    %broadcast_in_dim3A_124 = arith.constant 0 : i32
    %broadcast_in_dim3A_125 = vector.broadcast %broadcast_in_dim3A_124 : i32 to vector<16xi32>
    %swap3A_126 = arith.constant 80 : i32
    %swap3A_127 = arith.index_cast %swap3A_126 : i32 to index
    %swap3A_128 = arith.constant 96 : index
    %swap3A_129 = tpu.vector_load %arg5[%swap3A_127, %swap3A_128] {strides = array<i32>} : memref<81x128xi32, #tpu.memory_space<vmem>>, vector<1x16xi32>,
    %swap3A_130 = vector.shape_cast %swap3A_129 : vector<1x16xi32> to vector<16xi32>
    %swap3A_131 = vector.shape_cast %broadcast_in_dim3A_125 : vector<16xi32> to vector<1x16xi32>
    tpu.vector_store %arg5[%swap3A_127, %swap3A_128], %swap3A_131 {strides = array<i32>} : memref<81x128xi32, #tpu.memory_space<vmem>>, vector<1x16xi32>,
    %broadcast_in_dim3A_132 = arith.constant 0 : i32
    %broadcast_in_dim3A_133 = vector.broadcast %broadcast_in_dim3A_132 : i32 to vector<16xi32>
    %swap3A_134 = arith.constant 80 : i32
    %swap3A_135 = arith.index_cast %swap3A_134 : i32 to index
    %swap3A_136 = arith.constant 112 : index
    %swap3A_137 = tpu.vector_load %arg5[%swap3A_135, %swap3A_136] {strides = array<i32>} : memref<81x128xi32, #tpu.memory_space<vmem>>, vector<1x16xi32>,
    %swap3A_138 = vector.shape_cast %swap3A_137 : vector<1x16xi32> to vector<16xi32>
    %swap3A_139 = vector.shape_cast %broadcast_in_dim3A_133 : vector<16xi32> to vector<1x16xi32>
    tpu.vector_store %arg5[%swap3A_135, %swap3A_136], %swap3A_139 {strides = array<i32>} : memref<81x128xi32, #tpu.memory_space<vmem>>, vector<1x16xi32>,
    %scan3A = arith.constant 0 : i32
    %scan3A_140 = arith.constant 0 : i32
    %scan3A_141 = arith.constant 128 : i32
    %scan3A_142 = arith.addi %scan3A_140, %scan3A_141 : i32
    %scan3A_143 = arith.constant 1 : i32
    scf.for %scan3A_205 = %scan3A_140 to %scan3A_142 step %scan3A_143  : i32 {
      %broadcast_in_dim3A_206 = arith.constant 0.000000e+00 : f32
      %broadcast_in_dim3A_207 = vector.broadcast %broadcast_in_dim3A_206 : f32 to vector<16xf32>
      %swap3A_208 = arith.index_cast %scan3A_205 : i32 to index
      %swap3A_209 = arith.constant 0 : index
      %swap3A_210 = tpu.vector_load %arg7[%swap3A_208, %swap3A_209] {strides = array<i32>} : memref<128x64xf32, #tpu.memory_space<vmem>>, vector<1x16xf32>,
      %swap3A_211 = vector.shape_cast %swap3A_210 : vector<1x16xf32> to vector<16xf32>
      %swap3A_212 = vector.shape_cast %broadcast_in_dim3A_207 : vector<16xf32> to vector<1x16xf32>
      tpu.vector_store %arg7[%swap3A_208, %swap3A_209], %swap3A_212 {strides = array<i32>} : memref<128x64xf32, #tpu.memory_space<vmem>>, vector<1x16xf32>,
      %broadcast_in_dim3A_213 = arith.constant 0.000000e+00 : f32
      %broadcast_in_dim3A_214 = vector.broadcast %broadcast_in_dim3A_213 : f32 to vector<16xf32>
      %swap3A_215 = arith.index_cast %scan3A_205 : i32 to index
      %swap3A_216 = arith.constant 16 : index
      %swap3A_217 = tpu.vector_load %arg7[%swap3A_215, %swap3A_216] {strides = array<i32>} : memref<128x64xf32, #tpu.memory_space<vmem>>, vector<1x16xf32>,
      %swap3A_218 = vector.shape_cast %swap3A_217 : vector<1x16xf32> to vector<16xf32>
      %swap3A_219 = vector.shape_cast %broadcast_in_dim3A_214 : vector<16xf32> to vector<1x16xf32>
      tpu.vector_store %arg7[%swap3A_215, %swap3A_216], %swap3A_219 {strides = array<i32>} : memref<128x64xf32, #tpu.memory_space<vmem>>, vector<1x16xf32>,
      %broadcast_in_dim3A_220 = arith.constant 0.000000e+00 : f32
      %broadcast_in_dim3A_221 = vector.broadcast %broadcast_in_dim3A_220 : f32 to vector<16xf32>
      %swap3A_222 = arith.index_cast %scan3A_205 : i32 to index
      %swap3A_223 = arith.constant 32 : index
      %swap3A_224 = tpu.vector_load %arg7[%swap3A_222, %swap3A_223] {strides = array<i32>} : memref<128x64xf32, #tpu.memory_space<vmem>>, vector<1x16xf32>,
      %swap3A_225 = vector.shape_cast %swap3A_224 : vector<1x16xf32> to vector<16xf32>
      %swap3A_226 = vector.shape_cast %broadcast_in_dim3A_221 : vector<16xf32> to vector<1x16xf32>
      tpu.vector_store %arg7[%swap3A_222, %swap3A_223], %swap3A_226 {strides = array<i32>} : memref<128x64xf32, #tpu.memory_space<vmem>>, vector<1x16xf32>,
      %broadcast_in_dim3A_227 = arith.constant 0.000000e+00 : f32
      %broadcast_in_dim3A_228 = vector.broadcast %broadcast_in_dim3A_227 : f32 to vector<16xf32>
      %swap3A_229 = arith.index_cast %scan3A_205 : i32 to index
      %swap3A_230 = arith.constant 48 : index
      %swap3A_231 = tpu.vector_load %arg7[%swap3A_229, %swap3A_230] {strides = array<i32>} : memref<128x64xf32, #tpu.memory_space<vmem>>, vector<1x16xf32>,
      %swap3A_232 = vector.shape_cast %swap3A_231 : vector<1x16xf32> to vector<16xf32>
      %swap3A_233 = vector.shape_cast %broadcast_in_dim3A_228 : vector<16xf32> to vector<1x16xf32>
      tpu.vector_store %arg7[%swap3A_229, %swap3A_230], %swap3A_233 {strides = array<i32>} : memref<128x64xf32, #tpu.memory_space<vmem>>, vector<1x16xf32>,
    }
    %scan3A_144 = arith.constant 128 : i32
    %mul3A_145 = arith.constant 640 : i32
    %mul3A_146 = arith.muli %arg1, %mul3A_145 : i32
    %add3A_147 = arith.constant 0 : i32
    %add3A_148 = arith.addi %mul3A_146, %add3A_147 : i32
    "tpu.region"() ({
      %run_scoped3A_205 = tpu.sem_alloc : memref<!tpu.dma_semaphore, #tpu.memory_space<semaphore_mem>>
      %dma_start3A_206 = arith.constant 0 : i32
      %dma_start3A_207 = tpu.memref_slice %arg9[%add3A_148, %dma_start3A_206] : memref<10240x64xf32, #tpu.memory_space<vmem_shared>> -> memref<128x64xf32, #tpu.memory_space<vmem_shared>>
      %dma_start3A_208 = arith.constant 0 : i32
      %dma_start3A_209 = tpu.memref_slice %arg9[%add3A_148, %dma_start3A_208] : memref<10240x64xf32, #tpu.memory_space<vmem_shared>> -> memref<128x64xf32, #tpu.memory_space<vmem_shared>>
      tpu.enqueue_dma source(%arg7 : memref<128x64xf32, #tpu.memory_space<vmem>>) target(%dma_start3A_209 : memref<128x64xf32, #tpu.memory_space<vmem_shared>>) target_semaphore(%run_scoped3A_205 : memref<!tpu.dma_semaphore, #tpu.memory_space<semaphore_mem>>)
      %dma_wait3A_210 = arith.constant 0 : i32
      %dma_wait3A_211 = tpu.memref_slice %arg9[%add3A_148, %dma_wait3A_210] : memref<10240x64xf32, #tpu.memory_space<vmem_shared>> -> memref<128x64xf32, #tpu.memory_space<vmem_shared>>
      %dma_wait3A_212 = arith.constant 0 : i32
      %dma_wait3A_213 = tpu.memref_slice %arg9[%add3A_148, %dma_wait3A_212] : memref<10240x64xf32, #tpu.memory_space<vmem_shared>> -> memref<128x64xf32, #tpu.memory_space<vmem_shared>>
      tpu.wait_dma2 semaphore(%run_scoped3A_205 : memref<!tpu.dma_semaphore, #tpu.memory_space<semaphore_mem>>) src(%arg7 : memref<128x64xf32, #tpu.memory_space<vmem>>) dst(%dma_wait3A_213 : memref<128x64xf32, #tpu.memory_space<vmem_shared>>)
      tpu.yield
    }) : () -> ()
    %mul3A_149 = arith.constant 640 : i32
    %mul3A_150 = arith.muli %arg1, %mul3A_149 : i32
    %add3A_151 = arith.constant 128 : i32
    %add3A_152 = arith.addi %mul3A_150, %add3A_151 : i32
    "tpu.region"() ({
      %run_scoped3A_205 = tpu.sem_alloc : memref<!tpu.dma_semaphore, #tpu.memory_space<semaphore_mem>>
      %dma_start3A_206 = arith.constant 0 : i32
      %dma_start3A_207 = tpu.memref_slice %arg9[%add3A_152, %dma_start3A_206] : memref<10240x64xf32, #tpu.memory_space<vmem_shared>> -> memref<128x64xf32, #tpu.memory_space<vmem_shared>>
      %dma_start3A_208 = arith.constant 0 : i32
      %dma_start3A_209 = tpu.memref_slice %arg9[%add3A_152, %dma_start3A_208] : memref<10240x64xf32, #tpu.memory_space<vmem_shared>> -> memref<128x64xf32, #tpu.memory_space<vmem_shared>>
      tpu.enqueue_dma source(%arg7 : memref<128x64xf32, #tpu.memory_space<vmem>>) target(%dma_start3A_209 : memref<128x64xf32, #tpu.memory_space<vmem_shared>>) target_semaphore(%run_scoped3A_205 : memref<!tpu.dma_semaphore, #tpu.memory_space<semaphore_mem>>)
      %dma_wait3A_210 = arith.constant 0 : i32
      %dma_wait3A_211 = tpu.memref_slice %arg9[%add3A_152, %dma_wait3A_210] : memref<10240x64xf32, #tpu.memory_space<vmem_shared>> -> memref<128x64xf32, #tpu.memory_space<vmem_shared>>
      %dma_wait3A_212 = arith.constant 0 : i32
      %dma_wait3A_213 = tpu.memref_slice %arg9[%add3A_152, %dma_wait3A_212] : memref<10240x64xf32, #tpu.memory_space<vmem_shared>> -> memref<128x64xf32, #tpu.memory_space<vmem_shared>>
      tpu.wait_dma2 semaphore(%run_scoped3A_205 : memref<!tpu.dma_semaphore, #tpu.memory_space<semaphore_mem>>) src(%arg7 : memref<128x64xf32, #tpu.memory_space<vmem>>) dst(%dma_wait3A_213 : memref<128x64xf32, #tpu.memory_space<vmem_shared>>)
      tpu.yield
    }) : () -> ()
    %mul3A_153 = arith.constant 640 : i32
    %mul3A_154 = arith.muli %arg1, %mul3A_153 : i32
    %add3A_155 = arith.constant 256 : i32
    %add3A_156 = arith.addi %mul3A_154, %add3A_155 : i32
    "tpu.region"() ({
      %run_scoped3A_205 = tpu.sem_alloc : memref<!tpu.dma_semaphore, #tpu.memory_space<semaphore_mem>>
      %dma_start3A_206 = arith.constant 0 : i32
      %dma_start3A_207 = tpu.memref_slice %arg9[%add3A_156, %dma_start3A_206] : memref<10240x64xf32, #tpu.memory_space<vmem_shared>> -> memref<128x64xf32, #tpu.memory_space<vmem_shared>>
      %dma_start3A_208 = arith.constant 0 : i32
      %dma_start3A_209 = tpu.memref_slice %arg9[%add3A_156, %dma_start3A_208] : memref<10240x64xf32, #tpu.memory_space<vmem_shared>> -> memref<128x64xf32, #tpu.memory_space<vmem_shared>>
      tpu.enqueue_dma source(%arg7 : memref<128x64xf32, #tpu.memory_space<vmem>>) target(%dma_start3A_209 : memref<128x64xf32, #tpu.memory_space<vmem_shared>>) target_semaphore(%run_scoped3A_205 : memref<!tpu.dma_semaphore, #tpu.memory_space<semaphore_mem>>)
      %dma_wait3A_210 = arith.constant 0 : i32
      %dma_wait3A_211 = tpu.memref_slice %arg9[%add3A_156, %dma_wait3A_210] : memref<10240x64xf32, #tpu.memory_space<vmem_shared>> -> memref<128x64xf32, #tpu.memory_space<vmem_shared>>
      %dma_wait3A_212 = arith.constant 0 : i32
      %dma_wait3A_213 = tpu.memref_slice %arg9[%add3A_156, %dma_wait3A_212] : memref<10240x64xf32, #tpu.memory_space<vmem_shared>> -> memref<128x64xf32, #tpu.memory_space<vmem_shared>>
      tpu.wait_dma2 semaphore(%run_scoped3A_205 : memref<!tpu.dma_semaphore, #tpu.memory_space<semaphore_mem>>) src(%arg7 : memref<128x64xf32, #tpu.memory_space<vmem>>) dst(%dma_wait3A_213 : memref<128x64xf32, #tpu.memory_space<vmem_shared>>)
      tpu.yield
    }) : () -> ()
    %mul3A_157 = arith.constant 640 : i32
    %mul3A_158 = arith.muli %arg1, %mul3A_157 : i32
    %add3A_159 = arith.constant 384 : i32
    %add3A_160 = arith.addi %mul3A_158, %add3A_159 : i32
    "tpu.region"() ({
      %run_scoped3A_205 = tpu.sem_alloc : memref<!tpu.dma_semaphore, #tpu.memory_space<semaphore_mem>>
      %dma_start3A_206 = arith.constant 0 : i32
      %dma_start3A_207 = tpu.memref_slice %arg9[%add3A_160, %dma_start3A_206] : memref<10240x64xf32, #tpu.memory_space<vmem_shared>> -> memref<128x64xf32, #tpu.memory_space<vmem_shared>>
      %dma_start3A_208 = arith.constant 0 : i32
      %dma_start3A_209 = tpu.memref_slice %arg9[%add3A_160, %dma_start3A_208] : memref<10240x64xf32, #tpu.memory_space<vmem_shared>> -> memref<128x64xf32, #tpu.memory_space<vmem_shared>>
      tpu.enqueue_dma source(%arg7 : memref<128x64xf32, #tpu.memory_space<vmem>>) target(%dma_start3A_209 : memref<128x64xf32, #tpu.memory_space<vmem_shared>>) target_semaphore(%run_scoped3A_205 : memref<!tpu.dma_semaphore, #tpu.memory_space<semaphore_mem>>)
      %dma_wait3A_210 = arith.constant 0 : i32
      %dma_wait3A_211 = tpu.memref_slice %arg9[%add3A_160, %dma_wait3A_210] : memref<10240x64xf32, #tpu.memory_space<vmem_shared>> -> memref<128x64xf32, #tpu.memory_space<vmem_shared>>
      %dma_wait3A_212 = arith.constant 0 : i32
      %dma_wait3A_213 = tpu.memref_slice %arg9[%add3A_160, %dma_wait3A_212] : memref<10240x64xf32, #tpu.memory_space<vmem_shared>> -> memref<128x64xf32, #tpu.memory_space<vmem_shared>>
      tpu.wait_dma2 semaphore(%run_scoped3A_205 : memref<!tpu.dma_semaphore, #tpu.memory_space<semaphore_mem>>) src(%arg7 : memref<128x64xf32, #tpu.memory_space<vmem>>) dst(%dma_wait3A_213 : memref<128x64xf32, #tpu.memory_space<vmem_shared>>)
      tpu.yield
    }) : () -> ()
    %mul3A_161 = arith.constant 640 : i32
    %mul3A_162 = arith.muli %arg1, %mul3A_161 : i32
    %add3A_163 = arith.constant 512 : i32
    %add3A_164 = arith.addi %mul3A_162, %add3A_163 : i32
    "tpu.region"() ({
      %run_scoped3A_205 = tpu.sem_alloc : memref<!tpu.dma_semaphore, #tpu.memory_space<semaphore_mem>>
      %dma_start3A_206 = arith.constant 0 : i32
      %dma_start3A_207 = tpu.memref_slice %arg9[%add3A_164, %dma_start3A_206] : memref<10240x64xf32, #tpu.memory_space<vmem_shared>> -> memref<128x64xf32, #tpu.memory_space<vmem_shared>>
      %dma_start3A_208 = arith.constant 0 : i32
      %dma_start3A_209 = tpu.memref_slice %arg9[%add3A_164, %dma_start3A_208] : memref<10240x64xf32, #tpu.memory_space<vmem_shared>> -> memref<128x64xf32, #tpu.memory_space<vmem_shared>>
      tpu.enqueue_dma source(%arg7 : memref<128x64xf32, #tpu.memory_space<vmem>>) target(%dma_start3A_209 : memref<128x64xf32, #tpu.memory_space<vmem_shared>>) target_semaphore(%run_scoped3A_205 : memref<!tpu.dma_semaphore, #tpu.memory_space<semaphore_mem>>)
      %dma_wait3A_210 = arith.constant 0 : i32
      %dma_wait3A_211 = tpu.memref_slice %arg9[%add3A_164, %dma_wait3A_210] : memref<10240x64xf32, #tpu.memory_space<vmem_shared>> -> memref<128x64xf32, #tpu.memory_space<vmem_shared>>
      %dma_wait3A_212 = arith.constant 0 : i32
      %dma_wait3A_213 = tpu.memref_slice %arg9[%add3A_164, %dma_wait3A_212] : memref<10240x64xf32, #tpu.memory_space<vmem_shared>> -> memref<128x64xf32, #tpu.memory_space<vmem_shared>>
      tpu.wait_dma2 semaphore(%run_scoped3A_205 : memref<!tpu.dma_semaphore, #tpu.memory_space<semaphore_mem>>) src(%arg7 : memref<128x64xf32, #tpu.memory_space<vmem>>) dst(%dma_wait3A_213 : memref<128x64xf32, #tpu.memory_space<vmem_shared>>)
      tpu.yield
    }) : () -> ()
    %barrier3A = arith.constant 0 : index
    tpu.barrier barrier_id(%barrier3A)
    %add3A_165 = arith.constant 0 : i32
    %add3A_166 = arith.addi %add3A_165, %select_n3A : i32
    %dma_start3A = arith.constant 0 : i32
    %dma_start3A_167 = tpu.memref_slice %arg5[%add3A_166, %dma_start3A] : memref<81x128xi32, #tpu.memory_space<vmem>> -> memref<1x128xi32, #tpu.memory_space<vmem>>
    %dma_start3A_168 = tpu.memref_squeeze %dma_start3A_167 : memref<1x128xi32, #tpu.memory_space<vmem>> -> memref<128xi32, #tpu.memory_space<vmem>>
    %dma_start3A_169 = arith.constant 0 : i32
    %dma_start3A_170 = arith.constant 0 : i32
    %dma_start3A_171 = tpu.memref_slice %arg10[%dma_start3A_169, %dma_start3A_170] : memref<10000x64xf32, #tpu.memory_space<vmem_shared>> -> memref<10000x64xf32, #tpu.memory_space<vmem_shared>>
    tpu.enqueue_indirect_dma source(%dma_start3A_171 : memref<10000x64xf32, #tpu.memory_space<vmem_shared>>) target(%arg7 : memref<128x64xf32, #tpu.memory_space<vmem>>) offsets(%dma_start3A_168 : memref<128xi32, #tpu.memory_space<vmem>>) semaphore(%arg11 : memref<!tpu.dma_semaphore, #tpu.memory_space<semaphore_mem>>)
    %add3A_172 = arith.constant 1 : i32
    %add3A_173 = arith.addi %add3A_172, %select_n3A : i32
    %dma_start3A_174 = arith.constant 0 : i32
    %dma_start3A_175 = tpu.memref_slice %arg5[%add3A_173, %dma_start3A_174] : memref<81x128xi32, #tpu.memory_space<vmem>> -> memref<1x128xi32, #tpu.memory_space<vmem>>
    %dma_start3A_176 = tpu.memref_squeeze %dma_start3A_175 : memref<1x128xi32, #tpu.memory_space<vmem>> -> memref<128xi32, #tpu.memory_space<vmem>>
    %dma_start3A_177 = arith.constant 0 : i32
    %dma_start3A_178 = arith.constant 0 : i32
    %dma_start3A_179 = tpu.memref_slice %arg10[%dma_start3A_177, %dma_start3A_178] : memref<10000x64xf32, #tpu.memory_space<vmem_shared>> -> memref<10000x64xf32, #tpu.memory_space<vmem_shared>>
    tpu.enqueue_indirect_dma source(%dma_start3A_179 : memref<10000x64xf32, #tpu.memory_space<vmem_shared>>) target(%arg8 : memref<128x64xf32, #tpu.memory_space<vmem>>) offsets(%dma_start3A_176 : memref<128xi32, #tpu.memory_space<vmem>>) semaphore(%arg12 : memref<!tpu.dma_semaphore, #tpu.memory_space<semaphore_mem>>)
    %scan3A_180 = arith.constant 0 : i32
    %scan3A_181 = arith.constant 0 : i32
    %scan3A_182 = arith.constant 39 : i32
    %scan3A_183 = arith.addi %scan3A_181, %scan3A_182 : i32
    %scan3A_184 = arith.constant 1 : i32
    scf.for %scan3A_205 = %scan3A_181 to %scan3A_183 step %scan3A_184  : i32 {
      %mul3A_206 = arith.constant 2 : i32
      %mul3A_207 = arith.muli %scan3A_205, %mul3A_206 : i32
      %dma_wait3A_208 = arith.constant 0 : i32
      %dma_wait3A_209 = arith.constant 0 : i32
      %dma_wait3A_210 = tpu.memref_slice %arg5[%dma_wait3A_208, %dma_wait3A_209] : memref<81x128xi32, #tpu.memory_space<vmem>> -> memref<1x128xi32, #tpu.memory_space<vmem>>
      %dma_wait3A_211 = tpu.memref_squeeze %dma_wait3A_210 : memref<1x128xi32, #tpu.memory_space<vmem>> -> memref<128xi32, #tpu.memory_space<vmem>>
      %dma_wait3A_212 = arith.constant 0 : i32
      %dma_wait3A_213 = arith.constant 0 : i32
      %dma_wait3A_214 = tpu.memref_slice %arg10[%dma_wait3A_212, %dma_wait3A_213] : memref<10000x64xf32, #tpu.memory_space<vmem_shared>> -> memref<10000x64xf32, #tpu.memory_space<vmem_shared>>
      tpu.wait_indirect_dma semaphore(%arg11 : memref<!tpu.dma_semaphore, #tpu.memory_space<semaphore_mem>>) src(%dma_wait3A_214 : memref<10000x64xf32, #tpu.memory_space<vmem_shared>>) dst(%arg7 : memref<128x64xf32, #tpu.memory_space<vmem>>)
      %add3A_215 = arith.constant 0 : i32
      %add3A_216 = arith.addi %mul3A_207, %add3A_215 : i32
      %add3A_217 = arith.addi %add3A_216, %select_n3A : i32
      "tpu.region"() ({
        %run_scoped3A_250 = tpu.sem_alloc : memref<!tpu.dma_semaphore, #tpu.memory_space<semaphore_mem>>
        %dma_start3A_251 = arith.constant 0 : i32
        %dma_start3A_252 = tpu.memref_slice %arg6[%add3A_217, %dma_start3A_251] : memref<79x128xi32, #tpu.memory_space<vmem>> -> memref<1x128xi32, #tpu.memory_space<vmem>>
        %dma_start3A_253 = tpu.memref_squeeze %dma_start3A_252 : memref<1x128xi32, #tpu.memory_space<vmem>> -> memref<128xi32, #tpu.memory_space<vmem>>
        %dma_start3A_254 = arith.constant 0 : i32
        %dma_start3A_255 = arith.constant 0 : i32
        %dma_start3A_256 = tpu.memref_slice %arg9[%dma_start3A_254, %dma_start3A_255] : memref<10240x64xf32, #tpu.memory_space<vmem_shared>> -> memref<10240x64xf32, #tpu.memory_space<vmem_shared>>
        tpu.enqueue_indirect_dma source(%arg7 : memref<128x64xf32, #tpu.memory_space<vmem>>) target(%dma_start3A_256 : memref<10240x64xf32, #tpu.memory_space<vmem_shared>>) offsets(%dma_start3A_253 : memref<128xi32, #tpu.memory_space<vmem>>) semaphore(%run_scoped3A_250 : memref<!tpu.dma_semaphore, #tpu.memory_space<semaphore_mem>>) {add = true}
        %dma_wait3A_257 = arith.constant 0 : i32
        %dma_wait3A_258 = tpu.memref_slice %arg6[%add3A_217, %dma_wait3A_257] : memref<79x128xi32, #tpu.memory_space<vmem>> -> memref<1x128xi32, #tpu.memory_space<vmem>>
        %dma_wait3A_259 = tpu.memref_squeeze %dma_wait3A_258 : memref<1x128xi32, #tpu.memory_space<vmem>> -> memref<128xi32, #tpu.memory_space<vmem>>
        %dma_wait3A_260 = arith.constant 0 : i32
        %dma_wait3A_261 = arith.constant 0 : i32
        %dma_wait3A_262 = tpu.memref_slice %arg9[%dma_wait3A_260, %dma_wait3A_261] : memref<10240x64xf32, #tpu.memory_space<vmem_shared>> -> memref<10240x64xf32, #tpu.memory_space<vmem_shared>>
        tpu.wait_indirect_dma semaphore(%run_scoped3A_250 : memref<!tpu.dma_semaphore, #tpu.memory_space<semaphore_mem>>) src(%arg7 : memref<128x64xf32, #tpu.memory_space<vmem>>) dst(%dma_wait3A_262 : memref<10240x64xf32, #tpu.memory_space<vmem_shared>>)
        tpu.yield
      }) : () -> ()
      %add3A_218 = arith.constant 2 : i32
      %add3A_219 = arith.addi %mul3A_207, %add3A_218 : i32
      %add3A_220 = arith.constant 0 : i32
      %add3A_221 = arith.addi %add3A_219, %add3A_220 : i32
      %add3A_222 = arith.addi %add3A_221, %select_n3A : i32
      %dma_start3A_223 = arith.constant 0 : i32
      %dma_start3A_224 = tpu.memref_slice %arg5[%add3A_222, %dma_start3A_223] : memref<81x128xi32, #tpu.memory_space<vmem>> -> memref<1x128xi32, #tpu.memory_space<vmem>>
      %dma_start3A_225 = tpu.memref_squeeze %dma_start3A_224 : memref<1x128xi32, #tpu.memory_space<vmem>> -> memref<128xi32, #tpu.memory_space<vmem>>
      %dma_start3A_226 = arith.constant 0 : i32
      %dma_start3A_227 = arith.constant 0 : i32
      %dma_start3A_228 = tpu.memref_slice %arg10[%dma_start3A_226, %dma_start3A_227] : memref<10000x64xf32, #tpu.memory_space<vmem_shared>> -> memref<10000x64xf32, #tpu.memory_space<vmem_shared>>
      tpu.enqueue_indirect_dma source(%dma_start3A_228 : memref<10000x64xf32, #tpu.memory_space<vmem_shared>>) target(%arg7 : memref<128x64xf32, #tpu.memory_space<vmem>>) offsets(%dma_start3A_225 : memref<128xi32, #tpu.memory_space<vmem>>) semaphore(%arg11 : memref<!tpu.dma_semaphore, #tpu.memory_space<semaphore_mem>>)
      %dma_wait3A_229 = arith.constant 0 : i32
      %dma_wait3A_230 = arith.constant 0 : i32
      %dma_wait3A_231 = tpu.memref_slice %arg5[%dma_wait3A_229, %dma_wait3A_230] : memref<81x128xi32, #tpu.memory_space<vmem>> -> memref<1x128xi32, #tpu.memory_space<vmem>>
      %dma_wait3A_232 = tpu.memref_squeeze %dma_wait3A_231 : memref<1x128xi32, #tpu.memory_space<vmem>> -> memref<128xi32, #tpu.memory_space<vmem>>
      %dma_wait3A_233 = arith.constant 0 : i32
      %dma_wait3A_234 = arith.constant 0 : i32
      %dma_wait3A_235 = tpu.memref_slice %arg10[%dma_wait3A_233, %dma_wait3A_234] : memref<10000x64xf32, #tpu.memory_space<vmem_shared>> -> memref<10000x64xf32, #tpu.memory_space<vmem_shared>>
      tpu.wait_indirect_dma semaphore(%arg12 : memref<!tpu.dma_semaphore, #tpu.memory_space<semaphore_mem>>) src(%dma_wait3A_235 : memref<10000x64xf32, #tpu.memory_space<vmem_shared>>) dst(%arg8 : memref<128x64xf32, #tpu.memory_space<vmem>>)
      %add3A_236 = arith.constant 1 : i32
      %add3A_237 = arith.addi %mul3A_207, %add3A_236 : i32
      %add3A_238 = arith.addi %add3A_237, %select_n3A : i32
      "tpu.region"() ({
        %run_scoped3A_250 = tpu.sem_alloc : memref<!tpu.dma_semaphore, #tpu.memory_space<semaphore_mem>>
        %dma_start3A_251 = arith.constant 0 : i32
        %dma_start3A_252 = tpu.memref_slice %arg6[%add3A_238, %dma_start3A_251] : memref<79x128xi32, #tpu.memory_space<vmem>> -> memref<1x128xi32, #tpu.memory_space<vmem>>
        %dma_start3A_253 = tpu.memref_squeeze %dma_start3A_252 : memref<1x128xi32, #tpu.memory_space<vmem>> -> memref<128xi32, #tpu.memory_space<vmem>>
        %dma_start3A_254 = arith.constant 0 : i32
        %dma_start3A_255 = arith.constant 0 : i32
        %dma_start3A_256 = tpu.memref_slice %arg9[%dma_start3A_254, %dma_start3A_255] : memref<10240x64xf32, #tpu.memory_space<vmem_shared>> -> memref<10240x64xf32, #tpu.memory_space<vmem_shared>>
        tpu.enqueue_indirect_dma source(%arg8 : memref<128x64xf32, #tpu.memory_space<vmem>>) target(%dma_start3A_256 : memref<10240x64xf32, #tpu.memory_space<vmem_shared>>) offsets(%dma_start3A_253 : memref<128xi32, #tpu.memory_space<vmem>>) semaphore(%run_scoped3A_250 : memref<!tpu.dma_semaphore, #tpu.memory_space<semaphore_mem>>) {add = true}
        %dma_wait3A_257 = arith.constant 0 : i32
        %dma_wait3A_258 = tpu.memref_slice %arg6[%add3A_238, %dma_wait3A_257] : memref<79x128xi32, #tpu.memory_space<vmem>> -> memref<1x128xi32, #tpu.memory_space<vmem>>
        %dma_wait3A_259 = tpu.memref_squeeze %dma_wait3A_258 : memref<1x128xi32, #tpu.memory_space<vmem>> -> memref<128xi32, #tpu.memory_space<vmem>>
        %dma_wait3A_260 = arith.constant 0 : i32
        %dma_wait3A_261 = arith.constant 0 : i32
        %dma_wait3A_262 = tpu.memref_slice %arg9[%dma_wait3A_260, %dma_wait3A_261] : memref<10240x64xf32, #tpu.memory_space<vmem_shared>> -> memref<10240x64xf32, #tpu.memory_space<vmem_shared>>
        tpu.wait_indirect_dma semaphore(%run_scoped3A_250 : memref<!tpu.dma_semaphore, #tpu.memory_space<semaphore_mem>>) src(%arg8 : memref<128x64xf32, #tpu.memory_space<vmem>>) dst(%dma_wait3A_262 : memref<10240x64xf32, #tpu.memory_space<vmem_shared>>)
        tpu.yield
      }) : () -> ()
      %add3A_239 = arith.constant 2 : i32
      %add3A_240 = arith.addi %mul3A_207, %add3A_239 : i32
      %add3A_241 = arith.constant 1 : i32
      %add3A_242 = arith.addi %add3A_240, %add3A_241 : i32
      %add3A_243 = arith.addi %add3A_242, %select_n3A : i32
      %dma_start3A_244 = arith.constant 0 : i32
      %dma_start3A_245 = tpu.memref_slice %arg5[%add3A_243, %dma_start3A_244] : memref<81x128xi32, #tpu.memory_space<vmem>> -> memref<1x128xi32, #tpu.memory_space<vmem>>
      %dma_start3A_246 = tpu.memref_squeeze %dma_start3A_245 : memref<1x128xi32, #tpu.memory_space<vmem>> -> memref<128xi32, #tpu.memory_space<vmem>>
      %dma_start3A_247 = arith.constant 0 : i32
      %dma_start3A_248 = arith.constant 0 : i32
      %dma_start3A_249 = tpu.memref_slice %arg10[%dma_start3A_247, %dma_start3A_248] : memref<10000x64xf32, #tpu.memory_space<vmem_shared>> -> memref<10000x64xf32, #tpu.memory_space<vmem_shared>>
      tpu.enqueue_indirect_dma source(%dma_start3A_249 : memref<10000x64xf32, #tpu.memory_space<vmem_shared>>) target(%arg8 : memref<128x64xf32, #tpu.memory_space<vmem>>) offsets(%dma_start3A_246 : memref<128xi32, #tpu.memory_space<vmem>>) semaphore(%arg12 : memref<!tpu.dma_semaphore, #tpu.memory_space<semaphore_mem>>)
    }
    %scan3A_185 = arith.constant 39 : i32
    %dma_wait3A = arith.constant 0 : i32
    %dma_wait3A_186 = arith.constant 0 : i32
    %dma_wait3A_187 = tpu.memref_slice %arg5[%dma_wait3A, %dma_wait3A_186] : memref<81x128xi32, #tpu.memory_space<vmem>> -> memref<1x128xi32, #tpu.memory_space<vmem>>
    %dma_wait3A_188 = tpu.memref_squeeze %dma_wait3A_187 : memref<1x128xi32, #tpu.memory_space<vmem>> -> memref<128xi32, #tpu.memory_space<vmem>>
    %dma_wait3A_189 = arith.constant 0 : i32
    %dma_wait3A_190 = arith.constant 0 : i32
    %dma_wait3A_191 = tpu.memref_slice %arg10[%dma_wait3A_189, %dma_wait3A_190] : memref<10000x64xf32, #tpu.memory_space<vmem_shared>> -> memref<10000x64xf32, #tpu.memory_space<vmem_shared>>
    tpu.wait_indirect_dma semaphore(%arg11 : memref<!tpu.dma_semaphore, #tpu.memory_space<semaphore_mem>>) src(%dma_wait3A_191 : memref<10000x64xf32, #tpu.memory_space<vmem_shared>>) dst(%arg7 : memref<128x64xf32, #tpu.memory_space<vmem>>)
    %dma_wait3A_192 = arith.constant 0 : i32
    %dma_wait3A_193 = arith.constant 0 : i32
    %dma_wait3A_194 = tpu.memref_slice %arg5[%dma_wait3A_192, %dma_wait3A_193] : memref<81x128xi32, #tpu.memory_space<vmem>> -> memref<1x128xi32, #tpu.memory_space<vmem>>
    %dma_wait3A_195 = tpu.memref_squeeze %dma_wait3A_194 : memref<1x128xi32, #tpu.memory_space<vmem>> -> memref<128xi32, #tpu.memory_space<vmem>>
    %dma_wait3A_196 = arith.constant 0 : i32
    %dma_wait3A_197 = arith.constant 0 : i32
    %dma_wait3A_198 = tpu.memref_slice %arg10[%dma_wait3A_196, %dma_wait3A_197] : memref<10000x64xf32, #tpu.memory_space<vmem_shared>> -> memref<10000x64xf32, #tpu.memory_space<vmem_shared>>
    tpu.wait_indirect_dma semaphore(%arg12 : memref<!tpu.dma_semaphore, #tpu.memory_space<semaphore_mem>>) src(%dma_wait3A_198 : memref<10000x64xf32, #tpu.memory_space<vmem_shared>>) dst(%arg8 : memref<128x64xf32, #tpu.memory_space<vmem>>)
    %convert_element_type3A = arith.extui %lt3A_5 : i1 to i32
    %cond3A = arith.constant 0 : i32
    %cond3A_199 = arith.cmpi ne, %convert_element_type3A, %cond3A : i32
    scf.if %cond3A_199 {
      %dma_start3A_205 = arith.constant 78 : i32
      %dma_start3A_206 = arith.constant 0 : i32
      %dma_start3A_207 = tpu.memref_slice %arg5[%dma_start3A_205, %dma_start3A_206] : memref<81x128xi32, #tpu.memory_space<vmem>> -> memref<1x128xi32, #tpu.memory_space<vmem>>
      %dma_start3A_208 = tpu.memref_squeeze %dma_start3A_207 : memref<1x128xi32, #tpu.memory_space<vmem>> -> memref<128xi32, #tpu.memory_space<vmem>>
      %dma_start3A_209 = arith.constant 0 : i32
      %dma_start3A_210 = arith.constant 0 : i32
      %dma_start3A_211 = tpu.memref_slice %arg10[%dma_start3A_209, %dma_start3A_210] : memref<10000x64xf32, #tpu.memory_space<vmem_shared>> -> memref<10000x64xf32, #tpu.memory_space<vmem_shared>>
      tpu.enqueue_indirect_dma source(%dma_start3A_211 : memref<10000x64xf32, #tpu.memory_space<vmem_shared>>) target(%arg7 : memref<128x64xf32, #tpu.memory_space<vmem>>) offsets(%dma_start3A_208 : memref<128xi32, #tpu.memory_space<vmem>>) semaphore(%arg11 : memref<!tpu.dma_semaphore, #tpu.memory_space<semaphore_mem>>)
      %dma_wait3A_212 = arith.constant 78 : i32
      %dma_wait3A_213 = arith.constant 0 : i32
      %dma_wait3A_214 = tpu.memref_slice %arg5[%dma_wait3A_212, %dma_wait3A_213] : memref<81x128xi32, #tpu.memory_space<vmem>> -> memref<1x128xi32, #tpu.memory_space<vmem>>
      %dma_wait3A_215 = tpu.memref_squeeze %dma_wait3A_214 : memref<1x128xi32, #tpu.memory_space<vmem>> -> memref<128xi32, #tpu.memory_space<vmem>>
      %dma_wait3A_216 = arith.constant 0 : i32
      %dma_wait3A_217 = arith.constant 0 : i32
      %dma_wait3A_218 = tpu.memref_slice %arg10[%dma_wait3A_216, %dma_wait3A_217] : memref<10000x64xf32, #tpu.memory_space<vmem_shared>> -> memref<10000x64xf32, #tpu.memory_space<vmem_shared>>
      tpu.wait_indirect_dma semaphore(%arg11 : memref<!tpu.dma_semaphore, #tpu.memory_space<semaphore_mem>>) src(%dma_wait3A_218 : memref<10000x64xf32, #tpu.memory_space<vmem_shared>>) dst(%arg7 : memref<128x64xf32, #tpu.memory_space<vmem>>)
      %run_scoped3A_219 = arith.constant 78 : i32
      "tpu.region"() ({
        %run_scoped3A_220 = tpu.sem_alloc : memref<!tpu.dma_semaphore, #tpu.memory_space<semaphore_mem>>
        %dma_start3A_221 = arith.constant 0 : i32
        %dma_start3A_222 = tpu.memref_slice %arg6[%run_scoped3A_219, %dma_start3A_221] : memref<79x128xi32, #tpu.memory_space<vmem>> -> memref<1x128xi32, #tpu.memory_space<vmem>>
        %dma_start3A_223 = tpu.memref_squeeze %dma_start3A_222 : memref<1x128xi32, #tpu.memory_space<vmem>> -> memref<128xi32, #tpu.memory_space<vmem>>
        %dma_start3A_224 = arith.constant 0 : i32
        %dma_start3A_225 = arith.constant 0 : i32
        %dma_start3A_226 = tpu.memref_slice %arg9[%dma_start3A_224, %dma_start3A_225] : memref<10240x64xf32, #tpu.memory_space<vmem_shared>> -> memref<10240x64xf32, #tpu.memory_space<vmem_shared>>
        tpu.enqueue_indirect_dma source(%arg7 : memref<128x64xf32, #tpu.memory_space<vmem>>) target(%dma_start3A_226 : memref<10240x64xf32, #tpu.memory_space<vmem_shared>>) offsets(%dma_start3A_223 : memref<128xi32, #tpu.memory_space<vmem>>) semaphore(%run_scoped3A_220 : memref<!tpu.dma_semaphore, #tpu.memory_space<semaphore_mem>>) {add = true}
        %dma_wait3A_227 = arith.constant 0 : i32
        %dma_wait3A_228 = tpu.memref_slice %arg6[%run_scoped3A_219, %dma_wait3A_227] : memref<79x128xi32, #tpu.memory_space<vmem>> -> memref<1x128xi32, #tpu.memory_space<vmem>>
        %dma_wait3A_229 = tpu.memref_squeeze %dma_wait3A_228 : memref<1x128xi32, #tpu.memory_space<vmem>> -> memref<128xi32, #tpu.memory_space<vmem>>
        %dma_wait3A_230 = arith.constant 0 : i32
        %dma_wait3A_231 = arith.constant 0 : i32
        %dma_wait3A_232 = tpu.memref_slice %arg9[%dma_wait3A_230, %dma_wait3A_231] : memref<10240x64xf32, #tpu.memory_space<vmem_shared>> -> memref<10240x64xf32, #tpu.memory_space<vmem_shared>>
        tpu.wait_indirect_dma semaphore(%run_scoped3A_220 : memref<!tpu.dma_semaphore, #tpu.memory_space<semaphore_mem>>) src(%arg7 : memref<128x64xf32, #tpu.memory_space<vmem>>) dst(%dma_wait3A_232 : memref<10240x64xf32, #tpu.memory_space<vmem_shared>>)
        tpu.yield
      }) : () -> ()
    } else {
    }
    %barrier3A_200 = arith.constant 0 : index
    tpu.barrier barrier_id(%barrier3A_200)
    %mul3A_201 = arith.constant 640 : i32
    %mul3A_202 = arith.muli %arg1, %mul3A_201 : i32
    %mul3A_203 = arith.constant 640 : i32
    %mul3A_204 = arith.muli %arg1, %mul3A_203 : i32
    "tpu.region"() ({
      %run_scoped3A_205 = tpu.sem_alloc : memref<!tpu.dma_semaphore, #tpu.memory_space<semaphore_mem>>
      %dma_start3A_206 = arith.constant 0 : i32
      %dma_start3A_207 = tpu.memref_slice %arg4[%arg0, %mul3A_204, %dma_start3A_206] : memref<2x10240x64xf32, #tpu.memory_space<hbm>> -> memref<1x640x64xf32, #tpu.memory_space<hbm>>
      %dma_start3A_208 = tpu.memref_squeeze %dma_start3A_207 : memref<1x640x64xf32, #tpu.memory_space<hbm>> -> memref<640x64xf32, #tpu.memory_space<hbm>>
      %dma_start3A_209 = arith.constant 0 : i32
      %dma_start3A_210 = tpu.memref_slice %arg9[%mul3A_202, %dma_start3A_209] : memref<10240x64xf32, #tpu.memory_space<vmem_shared>> -> memref<640x64xf32, #tpu.memory_space<vmem_shared>>
      tpu.enqueue_dma source(%dma_start3A_210 : memref<640x64xf32, #tpu.memory_space<vmem_shared>>) target(%dma_start3A_208 : memref<640x64xf32, #tpu.memory_space<hbm>>) target_semaphore(%run_scoped3A_205 : memref<!tpu.dma_semaphore, #tpu.memory_space<semaphore_mem>>)
      %dma_wait3A_211 = arith.constant 0 : i32
      %dma_wait3A_212 = tpu.memref_slice %arg4[%arg0, %mul3A_204, %dma_wait3A_211] : memref<2x10240x64xf32, #tpu.memory_space<hbm>> -> memref<1x640x64xf32, #tpu.memory_space<hbm>>
      %dma_wait3A_213 = tpu.memref_squeeze %dma_wait3A_212 : memref<1x640x64xf32, #tpu.memory_space<hbm>> -> memref<640x64xf32, #tpu.memory_space<hbm>>
      %dma_wait3A_214 = arith.constant 0 : i32
      %dma_wait3A_215 = tpu.memref_slice %arg9[%mul3A_202, %dma_wait3A_214] : memref<10240x64xf32, #tpu.memory_space<vmem_shared>> -> memref<640x64xf32, #tpu.memory_space<vmem_shared>>
      tpu.wait_dma2 semaphore(%run_scoped3A_205 : memref<!tpu.dma_semaphore, #tpu.memory_space<semaphore_mem>>) src(%dma_wait3A_215 : memref<640x64xf32, #tpu.memory_space<vmem_shared>>) dst(%dma_wait3A_213 : memref<640x64xf32, #tpu.memory_space<hbm>>)
      tpu.yield
    }) : () -> ()
    return
  }
}

#map = affine_map<(d0, d1) -> (0, 0, 0)>
#map1 = affine_map<(d0, d1) -> (0, 0)>
module attributes {stable_mosaic.version = 14 : i64} {
  func.func @spmm(%arg0: i32, %arg1: i32, %arg2: memref<2x2500x128xi32, #tpu.memory_space<hbm>>, %arg3: memref<10000x16xf32, #tpu.memory_space<hbm>>, %arg4: memref<2x10240x16xf32, #tpu.memory_space<hbm>>, %arg5: memref<81x128xi32, #tpu.memory_space<vmem>>, %arg6: memref<79x128xi32, #tpu.memory_space<vmem>>, %arg7: memref<128x16xf32, #tpu.memory_space<vmem>>, %arg8: memref<128x16xf32, #tpu.memory_space<vmem>>, %arg9: memref<10240x16xf32, #tpu.memory_space<vmem_shared>>, %arg10: memref<10000x16xf32, #tpu.memory_space<vmem_shared>>, %arg11: memref<!tpu.dma_semaphore, #tpu.memory_space<semaphore_mem>>, %arg12: memref<!tpu.dma_semaphore, #tpu.memory_space<semaphore_mem>>) attributes {dimension_semantics = [#tpu.dimension_semantics<core_parallel>, #tpu.dimension_semantics<subcore_parallel>], iteration_bounds = array<i64: 2, 16>, scalar_prefetch = 0 : i64, scratch_operands = 8 : i64, tpu.core_type = #tpu.core_type<sc_vector_subcore>, window_params = [{transform_indices = #map}, {transform_indices = #map1}, {transform_indices = #map}]} {
    %mul3A = arith.constant 16 : i32
    %mul3A_0 = arith.muli %arg0, %mul3A : i32
    %add3A = arith.addi %mul3A_0, %arg1 : i32
    %mul3A_1 = arith.constant 78 : i32
    %mul3A_2 = arith.muli %add3A, %mul3A_1 : i32
    %min3A = arith.constant 4 : i32
    %min3A_3 = arith.minsi %add3A, %min3A : i32
    %add3A_4 = arith.addi %mul3A_2, %min3A_3 : i32
    %lt3A = arith.constant 4 : i32
    %lt3A_5 = arith.cmpi slt, %add3A, %lt3A : i32
    %eq3A = arith.constant 31 : i32
    %eq3A_6 = arith.cmpi eq, %add3A, %eq3A : i32
    %jit3A = arith.constant 1 : i32
    %jit3A_7 = arith.constant 0 : i32
    %select_n3A = arith.select %eq3A_6, %jit3A, %jit3A_7 : i32
    %sub3A = arith.subi %add3A_4, %select_n3A : i32
    %run_scoped3A = arith.constant 0 : i32
    "tpu.region"() ({
      %run_scoped3A_205 = tpu.sem_alloc : memref<!tpu.dma_semaphore, #tpu.memory_space<semaphore_mem>>
      %dma_start3A_206 = arith.constant 0 : i32
      %dma_start3A_207 = arith.constant 0 : i32
      %dma_start3A_208 = tpu.memref_slice %arg5[%dma_start3A_206, %dma_start3A_207] : memref<81x128xi32, #tpu.memory_space<vmem>> -> memref<79x128xi32, #tpu.memory_space<vmem>>
      %dma_start3A_209 = arith.constant 0 : i32
      %dma_start3A_210 = tpu.memref_slice %arg2[%run_scoped3A, %sub3A, %dma_start3A_209] : memref<2x2500x128xi32, #tpu.memory_space<hbm>> -> memref<1x79x128xi32, #tpu.memory_space<hbm>>
      %dma_start3A_211 = tpu.memref_squeeze %dma_start3A_210 : memref<1x79x128xi32, #tpu.memory_space<hbm>> -> memref<79x128xi32, #tpu.memory_space<hbm>>
      %dma_start3A_212 = arith.constant 0 : i32
      %dma_start3A_213 = arith.constant 0 : i32
      %dma_start3A_214 = tpu.memref_slice %arg5[%dma_start3A_212, %dma_start3A_213] : memref<81x128xi32, #tpu.memory_space<vmem>> -> memref<79x128xi32, #tpu.memory_space<vmem>>
      %dma_start3A_215 = arith.constant 0 : i32
      %dma_start3A_216 = tpu.memref_slice %arg2[%run_scoped3A, %sub3A, %dma_start3A_215] : memref<2x2500x128xi32, #tpu.memory_space<hbm>> -> memref<1x79x128xi32, #tpu.memory_space<hbm>>
      %dma_start3A_217 = tpu.memref_squeeze %dma_start3A_216 : memref<1x79x128xi32, #tpu.memory_space<hbm>> -> memref<79x128xi32, #tpu.memory_space<hbm>>
      tpu.enqueue_dma source(%dma_start3A_217 : memref<79x128xi32, #tpu.memory_space<hbm>>) target(%dma_start3A_214 : memref<79x128xi32, #tpu.memory_space<vmem>>) target_semaphore(%run_scoped3A_205 : memref<!tpu.dma_semaphore, #tpu.memory_space<semaphore_mem>>)
      %dma_wait3A_218 = arith.constant 0 : i32
      %dma_wait3A_219 = arith.constant 0 : i32
      %dma_wait3A_220 = tpu.memref_slice %arg5[%dma_wait3A_218, %dma_wait3A_219] : memref<81x128xi32, #tpu.memory_space<vmem>> -> memref<79x128xi32, #tpu.memory_space<vmem>>
      %dma_wait3A_221 = arith.constant 0 : i32
      %dma_wait3A_222 = tpu.memref_slice %arg2[%run_scoped3A, %sub3A, %dma_wait3A_221] : memref<2x2500x128xi32, #tpu.memory_space<hbm>> -> memref<1x79x128xi32, #tpu.memory_space<hbm>>
      %dma_wait3A_223 = tpu.memref_squeeze %dma_wait3A_222 : memref<1x79x128xi32, #tpu.memory_space<hbm>> -> memref<79x128xi32, #tpu.memory_space<hbm>>
      %dma_wait3A_224 = arith.constant 0 : i32
      %dma_wait3A_225 = arith.constant 0 : i32
      %dma_wait3A_226 = tpu.memref_slice %arg5[%dma_wait3A_224, %dma_wait3A_225] : memref<81x128xi32, #tpu.memory_space<vmem>> -> memref<79x128xi32, #tpu.memory_space<vmem>>
      %dma_wait3A_227 = arith.constant 0 : i32
      %dma_wait3A_228 = tpu.memref_slice %arg2[%run_scoped3A, %sub3A, %dma_wait3A_227] : memref<2x2500x128xi32, #tpu.memory_space<hbm>> -> memref<1x79x128xi32, #tpu.memory_space<hbm>>
      %dma_wait3A_229 = tpu.memref_squeeze %dma_wait3A_228 : memref<1x79x128xi32, #tpu.memory_space<hbm>> -> memref<79x128xi32, #tpu.memory_space<hbm>>
      tpu.wait_dma2 semaphore(%run_scoped3A_205 : memref<!tpu.dma_semaphore, #tpu.memory_space<semaphore_mem>>) src(%dma_wait3A_229 : memref<79x128xi32, #tpu.memory_space<hbm>>) dst(%dma_wait3A_226 : memref<79x128xi32, #tpu.memory_space<vmem>>)
      tpu.yield
    }) : () -> ()
    %sub3A_8 = arith.subi %add3A_4, %select_n3A : i32
    %run_scoped3A_9 = arith.constant 1 : i32
    "tpu.region"() ({
      %run_scoped3A_205 = tpu.sem_alloc : memref<!tpu.dma_semaphore, #tpu.memory_space<semaphore_mem>>
      %dma_start3A_206 = arith.constant 0 : i32
      %dma_start3A_207 = tpu.memref_slice %arg2[%run_scoped3A_9, %sub3A_8, %dma_start3A_206] : memref<2x2500x128xi32, #tpu.memory_space<hbm>> -> memref<1x79x128xi32, #tpu.memory_space<hbm>>
      %dma_start3A_208 = tpu.memref_squeeze %dma_start3A_207 : memref<1x79x128xi32, #tpu.memory_space<hbm>> -> memref<79x128xi32, #tpu.memory_space<hbm>>
      %dma_start3A_209 = arith.constant 0 : i32
      %dma_start3A_210 = tpu.memref_slice %arg2[%run_scoped3A_9, %sub3A_8, %dma_start3A_209] : memref<2x2500x128xi32, #tpu.memory_space<hbm>> -> memref<1x79x128xi32, #tpu.memory_space<hbm>>
      %dma_start3A_211 = tpu.memref_squeeze %dma_start3A_210 : memref<1x79x128xi32, #tpu.memory_space<hbm>> -> memref<79x128xi32, #tpu.memory_space<hbm>>
      tpu.enqueue_dma source(%dma_start3A_211 : memref<79x128xi32, #tpu.memory_space<hbm>>) target(%arg6 : memref<79x128xi32, #tpu.memory_space<vmem>>) target_semaphore(%run_scoped3A_205 : memref<!tpu.dma_semaphore, #tpu.memory_space<semaphore_mem>>)
      %dma_wait3A_212 = arith.constant 0 : i32
      %dma_wait3A_213 = tpu.memref_slice %arg2[%run_scoped3A_9, %sub3A_8, %dma_wait3A_212] : memref<2x2500x128xi32, #tpu.memory_space<hbm>> -> memref<1x79x128xi32, #tpu.memory_space<hbm>>
      %dma_wait3A_214 = tpu.memref_squeeze %dma_wait3A_213 : memref<1x79x128xi32, #tpu.memory_space<hbm>> -> memref<79x128xi32, #tpu.memory_space<hbm>>
      %dma_wait3A_215 = arith.constant 0 : i32
      %dma_wait3A_216 = tpu.memref_slice %arg2[%run_scoped3A_9, %sub3A_8, %dma_wait3A_215] : memref<2x2500x128xi32, #tpu.memory_space<hbm>> -> memref<1x79x128xi32, #tpu.memory_space<hbm>>
      %dma_wait3A_217 = tpu.memref_squeeze %dma_wait3A_216 : memref<1x79x128xi32, #tpu.memory_space<hbm>> -> memref<79x128xi32, #tpu.memory_space<hbm>>
      tpu.wait_dma2 semaphore(%run_scoped3A_205 : memref<!tpu.dma_semaphore, #tpu.memory_space<semaphore_mem>>) src(%dma_wait3A_217 : memref<79x128xi32, #tpu.memory_space<hbm>>) dst(%arg6 : memref<79x128xi32, #tpu.memory_space<vmem>>)
      tpu.yield
    }) : () -> ()
    %mul3A_10 = arith.constant 625 : i32
    %mul3A_11 = arith.muli %arg1, %mul3A_10 : i32
    %mul3A_12 = arith.constant 625 : i32
    %mul3A_13 = arith.muli %arg1, %mul3A_12 : i32
    "tpu.region"() ({
      %run_scoped3A_205 = tpu.sem_alloc : memref<!tpu.dma_semaphore, #tpu.memory_space<semaphore_mem>>
      %dma_start3A_206 = arith.constant 0 : i32
      %dma_start3A_207 = tpu.memref_slice %arg10[%mul3A_13, %dma_start3A_206] : memref<10000x16xf32, #tpu.memory_space<vmem_shared>> -> memref<625x16xf32, #tpu.memory_space<vmem_shared>>
      %dma_start3A_208 = arith.constant 0 : i32
      %dma_start3A_209 = tpu.memref_slice %arg3[%mul3A_11, %dma_start3A_208] : memref<10000x16xf32, #tpu.memory_space<hbm>> -> memref<625x16xf32, #tpu.memory_space<hbm>>
      tpu.enqueue_dma source(%dma_start3A_209 : memref<625x16xf32, #tpu.memory_space<hbm>>) target(%dma_start3A_207 : memref<625x16xf32, #tpu.memory_space<vmem_shared>>) target_semaphore(%run_scoped3A_205 : memref<!tpu.dma_semaphore, #tpu.memory_space<semaphore_mem>>)
      %dma_wait3A_210 = arith.constant 0 : i32
      %dma_wait3A_211 = tpu.memref_slice %arg10[%mul3A_13, %dma_wait3A_210] : memref<10000x16xf32, #tpu.memory_space<vmem_shared>> -> memref<625x16xf32, #tpu.memory_space<vmem_shared>>
      %dma_wait3A_212 = arith.constant 0 : i32
      %dma_wait3A_213 = tpu.memref_slice %arg3[%mul3A_11, %dma_wait3A_212] : memref<10000x16xf32, #tpu.memory_space<hbm>> -> memref<625x16xf32, #tpu.memory_space<hbm>>
      tpu.wait_dma2 semaphore(%run_scoped3A_205 : memref<!tpu.dma_semaphore, #tpu.memory_space<semaphore_mem>>) src(%dma_wait3A_213 : memref<625x16xf32, #tpu.memory_space<hbm>>) dst(%dma_wait3A_211 : memref<625x16xf32, #tpu.memory_space<vmem_shared>>)
      tpu.yield
    }) : () -> ()
    %broadcast_in_dim3A = arith.constant 0 : i32
    %broadcast_in_dim3A_14 = vector.broadcast %broadcast_in_dim3A : i32 to vector<16xi32>
    %swap3A = arith.constant 79 : i32
    %swap3A_15 = arith.index_cast %swap3A : i32 to index
    %swap3A_16 = arith.constant 0 : index
    %swap3A_17 = tpu.vector_load %arg5[%swap3A_15, %swap3A_16] {strides = array<i32>} : memref<81x128xi32, #tpu.memory_space<vmem>>, vector<1x16xi32>,
    %swap3A_18 = vector.shape_cast %swap3A_17 : vector<1x16xi32> to vector<16xi32>
    %swap3A_19 = vector.shape_cast %broadcast_in_dim3A_14 : vector<16xi32> to vector<1x16xi32>
    tpu.vector_store %arg5[%swap3A_15, %swap3A_16], %swap3A_19 {strides = array<i32>} : memref<81x128xi32, #tpu.memory_space<vmem>>, vector<1x16xi32>,
    %broadcast_in_dim3A_20 = arith.constant 0 : i32
    %broadcast_in_dim3A_21 = vector.broadcast %broadcast_in_dim3A_20 : i32 to vector<16xi32>
    %swap3A_22 = arith.constant 79 : i32
    %swap3A_23 = arith.index_cast %swap3A_22 : i32 to index
    %swap3A_24 = arith.constant 16 : index
    %swap3A_25 = tpu.vector_load %arg5[%swap3A_23, %swap3A_24] {strides = array<i32>} : memref<81x128xi32, #tpu.memory_space<vmem>>, vector<1x16xi32>,
    %swap3A_26 = vector.shape_cast %swap3A_25 : vector<1x16xi32> to vector<16xi32>
    %swap3A_27 = vector.shape_cast %broadcast_in_dim3A_21 : vector<16xi32> to vector<1x16xi32>
    tpu.vector_store %arg5[%swap3A_23, %swap3A_24], %swap3A_27 {strides = array<i32>} : memref<81x128xi32, #tpu.memory_space<vmem>>, vector<1x16xi32>,
    %broadcast_in_dim3A_28 = arith.constant 0 : i32
    %broadcast_in_dim3A_29 = vector.broadcast %broadcast_in_dim3A_28 : i32 to vector<16xi32>
    %swap3A_30 = arith.constant 79 : i32
    %swap3A_31 = arith.index_cast %swap3A_30 : i32 to index
    %swap3A_32 = arith.constant 32 : index
    %swap3A_33 = tpu.vector_load %arg5[%swap3A_31, %swap3A_32] {strides = array<i32>} : memref<81x128xi32, #tpu.memory_space<vmem>>, vector<1x16xi32>,
    %swap3A_34 = vector.shape_cast %swap3A_33 : vector<1x16xi32> to vector<16xi32>
    %swap3A_35 = vector.shape_cast %broadcast_in_dim3A_29 : vector<16xi32> to vector<1x16xi32>
    tpu.vector_store %arg5[%swap3A_31, %swap3A_32], %swap3A_35 {strides = array<i32>} : memref<81x128xi32, #tpu.memory_space<vmem>>, vector<1x16xi32>,
    %broadcast_in_dim3A_36 = arith.constant 0 : i32
    %broadcast_in_dim3A_37 = vector.broadcast %broadcast_in_dim3A_36 : i32 to vector<16xi32>
    %swap3A_38 = arith.constant 79 : i32
    %swap3A_39 = arith.index_cast %swap3A_38 : i32 to index
    %swap3A_40 = arith.constant 48 : index
    %swap3A_41 = tpu.vector_load %arg5[%swap3A_39, %swap3A_40] {strides = array<i32>} : memref<81x128xi32, #tpu.memory_space<vmem>>, vector<1x16xi32>,
    %swap3A_42 = vector.shape_cast %swap3A_41 : vector<1x16xi32> to vector<16xi32>
    %swap3A_43 = vector.shape_cast %broadcast_in_dim3A_37 : vector<16xi32> to vector<1x16xi32>
    tpu.vector_store %arg5[%swap3A_39, %swap3A_40], %swap3A_43 {strides = array<i32>} : memref<81x128xi32, #tpu.memory_space<vmem>>, vector<1x16xi32>,
    %broadcast_in_dim3A_44 = arith.constant 0 : i32
    %broadcast_in_dim3A_45 = vector.broadcast %broadcast_in_dim3A_44 : i32 to vector<16xi32>
    %swap3A_46 = arith.constant 79 : i32
    %swap3A_47 = arith.index_cast %swap3A_46 : i32 to index
    %swap3A_48 = arith.constant 64 : index
    %swap3A_49 = tpu.vector_load %arg5[%swap3A_47, %swap3A_48] {strides = array<i32>} : memref<81x128xi32, #tpu.memory_space<vmem>>, vector<1x16xi32>,
    %swap3A_50 = vector.shape_cast %swap3A_49 : vector<1x16xi32> to vector<16xi32>
    %swap3A_51 = vector.shape_cast %broadcast_in_dim3A_45 : vector<16xi32> to vector<1x16xi32>
    tpu.vector_store %arg5[%swap3A_47, %swap3A_48], %swap3A_51 {strides = array<i32>} : memref<81x128xi32, #tpu.memory_space<vmem>>, vector<1x16xi32>,
    %broadcast_in_dim3A_52 = arith.constant 0 : i32
    %broadcast_in_dim3A_53 = vector.broadcast %broadcast_in_dim3A_52 : i32 to vector<16xi32>
    %swap3A_54 = arith.constant 79 : i32
    %swap3A_55 = arith.index_cast %swap3A_54 : i32 to index
    %swap3A_56 = arith.constant 80 : index
    %swap3A_57 = tpu.vector_load %arg5[%swap3A_55, %swap3A_56] {strides = array<i32>} : memref<81x128xi32, #tpu.memory_space<vmem>>, vector<1x16xi32>,
    %swap3A_58 = vector.shape_cast %swap3A_57 : vector<1x16xi32> to vector<16xi32>
    %swap3A_59 = vector.shape_cast %broadcast_in_dim3A_53 : vector<16xi32> to vector<1x16xi32>
    tpu.vector_store %arg5[%swap3A_55, %swap3A_56], %swap3A_59 {strides = array<i32>} : memref<81x128xi32, #tpu.memory_space<vmem>>, vector<1x16xi32>,
    %broadcast_in_dim3A_60 = arith.constant 0 : i32
    %broadcast_in_dim3A_61 = vector.broadcast %broadcast_in_dim3A_60 : i32 to vector<16xi32>
    %swap3A_62 = arith.constant 79 : i32
    %swap3A_63 = arith.index_cast %swap3A_62 : i32 to index
    %swap3A_64 = arith.constant 96 : index
    %swap3A_65 = tpu.vector_load %arg5[%swap3A_63, %swap3A_64] {strides = array<i32>} : memref<81x128xi32, #tpu.memory_space<vmem>>, vector<1x16xi32>,
    %swap3A_66 = vector.shape_cast %swap3A_65 : vector<1x16xi32> to vector<16xi32>
    %swap3A_67 = vector.shape_cast %broadcast_in_dim3A_61 : vector<16xi32> to vector<1x16xi32>
    tpu.vector_store %arg5[%swap3A_63, %swap3A_64], %swap3A_67 {strides = array<i32>} : memref<81x128xi32, #tpu.memory_space<vmem>>, vector<1x16xi32>,
    %broadcast_in_dim3A_68 = arith.constant 0 : i32
    %broadcast_in_dim3A_69 = vector.broadcast %broadcast_in_dim3A_68 : i32 to vector<16xi32>
    %swap3A_70 = arith.constant 79 : i32
    %swap3A_71 = arith.index_cast %swap3A_70 : i32 to index
    %swap3A_72 = arith.constant 112 : index
    %swap3A_73 = tpu.vector_load %arg5[%swap3A_71, %swap3A_72] {strides = array<i32>} : memref<81x128xi32, #tpu.memory_space<vmem>>, vector<1x16xi32>,
    %swap3A_74 = vector.shape_cast %swap3A_73 : vector<1x16xi32> to vector<16xi32>
    %swap3A_75 = vector.shape_cast %broadcast_in_dim3A_69 : vector<16xi32> to vector<1x16xi32>
    tpu.vector_store %arg5[%swap3A_71, %swap3A_72], %swap3A_75 {strides = array<i32>} : memref<81x128xi32, #tpu.memory_space<vmem>>, vector<1x16xi32>,
    %broadcast_in_dim3A_76 = arith.constant 0 : i32
    %broadcast_in_dim3A_77 = vector.broadcast %broadcast_in_dim3A_76 : i32 to vector<16xi32>
    %swap3A_78 = arith.constant 80 : i32
    %swap3A_79 = arith.index_cast %swap3A_78 : i32 to index
    %swap3A_80 = arith.constant 0 : index
    %swap3A_81 = tpu.vector_load %arg5[%swap3A_79, %swap3A_80] {strides = array<i32>} : memref<81x128xi32, #tpu.memory_space<vmem>>, vector<1x16xi32>,
    %swap3A_82 = vector.shape_cast %swap3A_81 : vector<1x16xi32> to vector<16xi32>
    %swap3A_83 = vector.shape_cast %broadcast_in_dim3A_77 : vector<16xi32> to vector<1x16xi32>
    tpu.vector_store %arg5[%swap3A_79, %swap3A_80], %swap3A_83 {strides = array<i32>} : memref<81x128xi32, #tpu.memory_space<vmem>>, vector<1x16xi32>,
    %broadcast_in_dim3A_84 = arith.constant 0 : i32
    %broadcast_in_dim3A_85 = vector.broadcast %broadcast_in_dim3A_84 : i32 to vector<16xi32>
    %swap3A_86 = arith.constant 80 : i32
    %swap3A_87 = arith.index_cast %swap3A_86 : i32 to index
    %swap3A_88 = arith.constant 16 : index
    %swap3A_89 = tpu.vector_load %arg5[%swap3A_87, %swap3A_88] {strides = array<i32>} : memref<81x128xi32, #tpu.memory_space<vmem>>, vector<1x16xi32>,
    %swap3A_90 = vector.shape_cast %swap3A_89 : vector<1x16xi32> to vector<16xi32>
    %swap3A_91 = vector.shape_cast %broadcast_in_dim3A_85 : vector<16xi32> to vector<1x16xi32>
    tpu.vector_store %arg5[%swap3A_87, %swap3A_88], %swap3A_91 {strides = array<i32>} : memref<81x128xi32, #tpu.memory_space<vmem>>, vector<1x16xi32>,
    %broadcast_in_dim3A_92 = arith.constant 0 : i32
    %broadcast_in_dim3A_93 = vector.broadcast %broadcast_in_dim3A_92 : i32 to vector<16xi32>
    %swap3A_94 = arith.constant 80 : i32
    %swap3A_95 = arith.index_cast %swap3A_94 : i32 to index
    %swap3A_96 = arith.constant 32 : index
    %swap3A_97 = tpu.vector_load %arg5[%swap3A_95, %swap3A_96] {strides = array<i32>} : memref<81x128xi32, #tpu.memory_space<vmem>>, vector<1x16xi32>,
    %swap3A_98 = vector.shape_cast %swap3A_97 : vector<1x16xi32> to vector<16xi32>
    %swap3A_99 = vector.shape_cast %broadcast_in_dim3A_93 : vector<16xi32> to vector<1x16xi32>
    tpu.vector_store %arg5[%swap3A_95, %swap3A_96], %swap3A_99 {strides = array<i32>} : memref<81x128xi32, #tpu.memory_space<vmem>>, vector<1x16xi32>,
    %broadcast_in_dim3A_100 = arith.constant 0 : i32
    %broadcast_in_dim3A_101 = vector.broadcast %broadcast_in_dim3A_100 : i32 to vector<16xi32>
    %swap3A_102 = arith.constant 80 : i32
    %swap3A_103 = arith.index_cast %swap3A_102 : i32 to index
    %swap3A_104 = arith.constant 48 : index
    %swap3A_105 = tpu.vector_load %arg5[%swap3A_103, %swap3A_104] {strides = array<i32>} : memref<81x128xi32, #tpu.memory_space<vmem>>, vector<1x16xi32>,
    %swap3A_106 = vector.shape_cast %swap3A_105 : vector<1x16xi32> to vector<16xi32>
    %swap3A_107 = vector.shape_cast %broadcast_in_dim3A_101 : vector<16xi32> to vector<1x16xi32>
    tpu.vector_store %arg5[%swap3A_103, %swap3A_104], %swap3A_107 {strides = array<i32>} : memref<81x128xi32, #tpu.memory_space<vmem>>, vector<1x16xi32>,
    %broadcast_in_dim3A_108 = arith.constant 0 : i32
    %broadcast_in_dim3A_109 = vector.broadcast %broadcast_in_dim3A_108 : i32 to vector<16xi32>
    %swap3A_110 = arith.constant 80 : i32
    %swap3A_111 = arith.index_cast %swap3A_110 : i32 to index
    %swap3A_112 = arith.constant 64 : index
    %swap3A_113 = tpu.vector_load %arg5[%swap3A_111, %swap3A_112] {strides = array<i32>} : memref<81x128xi32, #tpu.memory_space<vmem>>, vector<1x16xi32>,
    %swap3A_114 = vector.shape_cast %swap3A_113 : vector<1x16xi32> to vector<16xi32>
    %swap3A_115 = vector.shape_cast %broadcast_in_dim3A_109 : vector<16xi32> to vector<1x16xi32>
    tpu.vector_store %arg5[%swap3A_111, %swap3A_112], %swap3A_115 {strides = array<i32>} : memref<81x128xi32, #tpu.memory_space<vmem>>, vector<1x16xi32>,
    %broadcast_in_dim3A_116 = arith.constant 0 : i32
    %broadcast_in_dim3A_117 = vector.broadcast %broadcast_in_dim3A_116 : i32 to vector<16xi32>
    %swap3A_118 = arith.constant 80 : i32
    %swap3A_119 = arith.index_cast %swap3A_118 : i32 to index
    %swap3A_120 = arith.constant 80 : index
    %swap3A_121 = tpu.vector_load %arg5[%swap3A_119, %swap3A_120] {strides = array<i32>} : memref<81x128xi32, #tpu.memory_space<vmem>>, vector<1x16xi32>,
    %swap3A_122 = vector.shape_cast %swap3A_121 : vector<1x16xi32> to vector<16xi32>
    %swap3A_123 = vector.shape_cast %broadcast_in_dim3A_117 : vector<16xi32> to vector<1x16xi32>
    tpu.vector_store %arg5[%swap3A_119, %swap3A_120], %swap3A_123 {strides = array<i32>} : memref<81x128xi32, #tpu.memory_space<vmem>>, vector<1x16xi32>,
    %broadcast_in_dim3A_124 = arith.constant 0 : i32
    %broadcast_in_dim3A_125 = vector.broadcast %broadcast_in_dim3A_124 : i32 to vector<16xi32>
    %swap3A_126 = arith.constant 80 : i32
    %swap3A_127 = arith.index_cast %swap3A_126 : i32 to index
    %swap3A_128 = arith.constant 96 : index
    %swap3A_129 = tpu.vector_load %arg5[%swap3A_127, %swap3A_128] {strides = array<i32>} : memref<81x128xi32, #tpu.memory_space<vmem>>, vector<1x16xi32>,
    %swap3A_130 = vector.shape_cast %swap3A_129 : vector<1x16xi32> to vector<16xi32>
    %swap3A_131 = vector.shape_cast %broadcast_in_dim3A_125 : vector<16xi32> to vector<1x16xi32>
    tpu.vector_store %arg5[%swap3A_127, %swap3A_128], %swap3A_131 {strides = array<i32>} : memref<81x128xi32, #tpu.memory_space<vmem>>, vector<1x16xi32>,
    %broadcast_in_dim3A_132 = arith.constant 0 : i32
    %broadcast_in_dim3A_133 = vector.broadcast %broadcast_in_dim3A_132 : i32 to vector<16xi32>
    %swap3A_134 = arith.constant 80 : i32
    %swap3A_135 = arith.index_cast %swap3A_134 : i32 to index
    %swap3A_136 = arith.constant 112 : index
    %swap3A_137 = tpu.vector_load %arg5[%swap3A_135, %swap3A_136] {strides = array<i32>} : memref<81x128xi32, #tpu.memory_space<vmem>>, vector<1x16xi32>,
    %swap3A_138 = vector.shape_cast %swap3A_137 : vector<1x16xi32> to vector<16xi32>
    %swap3A_139 = vector.shape_cast %broadcast_in_dim3A_133 : vector<16xi32> to vector<1x16xi32>
    tpu.vector_store %arg5[%swap3A_135, %swap3A_136], %swap3A_139 {strides = array<i32>} : memref<81x128xi32, #tpu.memory_space<vmem>>, vector<1x16xi32>,
    %scan3A = arith.constant 0 : i32
    %scan3A_140 = arith.constant 0 : i32
    %scan3A_141 = arith.constant 128 : i32
    %scan3A_142 = arith.addi %scan3A_140, %scan3A_141 : i32
    %scan3A_143 = arith.constant 1 : i32
    scf.for %scan3A_205 = %scan3A_140 to %scan3A_142 step %scan3A_143  : i32 {
      %broadcast_in_dim3A_206 = arith.constant 0.000000e+00 : f32
      %broadcast_in_dim3A_207 = vector.broadcast %broadcast_in_dim3A_206 : f32 to vector<16xf32>
      %swap3A_208 = arith.index_cast %scan3A_205 : i32 to index
      %swap3A_209 = arith.constant 0 : index
      %swap3A_210 = tpu.vector_load %arg7[%swap3A_208, %swap3A_209] {strides = array<i32>} : memref<128x16xf32, #tpu.memory_space<vmem>>, vector<1x16xf32>,
      %swap3A_211 = vector.shape_cast %swap3A_210 : vector<1x16xf32> to vector<16xf32>
      %swap3A_212 = vector.shape_cast %broadcast_in_dim3A_207 : vector<16xf32> to vector<1x16xf32>
      tpu.vector_store %arg7[%swap3A_208, %swap3A_209], %swap3A_212 {strides = array<i32>} : memref<128x16xf32, #tpu.memory_space<vmem>>, vector<1x16xf32>,
    }
    %scan3A_144 = arith.constant 128 : i32
    %mul3A_145 = arith.constant 640 : i32
    %mul3A_146 = arith.muli %arg1, %mul3A_145 : i32
    %add3A_147 = arith.constant 0 : i32
    %add3A_148 = arith.addi %mul3A_146, %add3A_147 : i32
    "tpu.region"() ({
      %run_scoped3A_205 = tpu.sem_alloc : memref<!tpu.dma_semaphore, #tpu.memory_space<semaphore_mem>>
      %dma_start3A_206 = arith.constant 0 : i32
      %dma_start3A_207 = tpu.memref_slice %arg9[%add3A_148, %dma_start3A_206] : memref<10240x16xf32, #tpu.memory_space<vmem_shared>> -> memref<128x16xf32, #tpu.memory_space<vmem_shared>>
      %dma_start3A_208 = arith.constant 0 : i32
      %dma_start3A_209 = tpu.memref_slice %arg9[%add3A_148, %dma_start3A_208] : memref<10240x16xf32, #tpu.memory_space<vmem_shared>> -> memref<128x16xf32, #tpu.memory_space<vmem_shared>>
      tpu.enqueue_dma source(%arg7 : memref<128x16xf32, #tpu.memory_space<vmem>>) target(%dma_start3A_209 : memref<128x16xf32, #tpu.memory_space<vmem_shared>>) target_semaphore(%run_scoped3A_205 : memref<!tpu.dma_semaphore, #tpu.memory_space<semaphore_mem>>)
      %dma_wait3A_210 = arith.constant 0 : i32
      %dma_wait3A_211 = tpu.memref_slice %arg9[%add3A_148, %dma_wait3A_210] : memref<10240x16xf32, #tpu.memory_space<vmem_shared>> -> memref<128x16xf32, #tpu.memory_space<vmem_shared>>
      %dma_wait3A_212 = arith.constant 0 : i32
      %dma_wait3A_213 = tpu.memref_slice %arg9[%add3A_148, %dma_wait3A_212] : memref<10240x16xf32, #tpu.memory_space<vmem_shared>> -> memref<128x16xf32, #tpu.memory_space<vmem_shared>>
      tpu.wait_dma2 semaphore(%run_scoped3A_205 : memref<!tpu.dma_semaphore, #tpu.memory_space<semaphore_mem>>) src(%arg7 : memref<128x16xf32, #tpu.memory_space<vmem>>) dst(%dma_wait3A_213 : memref<128x16xf32, #tpu.memory_space<vmem_shared>>)
      tpu.yield
    }) : () -> ()
    %mul3A_149 = arith.constant 640 : i32
    %mul3A_150 = arith.muli %arg1, %mul3A_149 : i32
    %add3A_151 = arith.constant 128 : i32
    %add3A_152 = arith.addi %mul3A_150, %add3A_151 : i32
    "tpu.region"() ({
      %run_scoped3A_205 = tpu.sem_alloc : memref<!tpu.dma_semaphore, #tpu.memory_space<semaphore_mem>>
      %dma_start3A_206 = arith.constant 0 : i32
      %dma_start3A_207 = tpu.memref_slice %arg9[%add3A_152, %dma_start3A_206] : memref<10240x16xf32, #tpu.memory_space<vmem_shared>> -> memref<128x16xf32, #tpu.memory_space<vmem_shared>>
      %dma_start3A_208 = arith.constant 0 : i32
      %dma_start3A_209 = tpu.memref_slice %arg9[%add3A_152, %dma_start3A_208] : memref<10240x16xf32, #tpu.memory_space<vmem_shared>> -> memref<128x16xf32, #tpu.memory_space<vmem_shared>>
      tpu.enqueue_dma source(%arg7 : memref<128x16xf32, #tpu.memory_space<vmem>>) target(%dma_start3A_209 : memref<128x16xf32, #tpu.memory_space<vmem_shared>>) target_semaphore(%run_scoped3A_205 : memref<!tpu.dma_semaphore, #tpu.memory_space<semaphore_mem>>)
      %dma_wait3A_210 = arith.constant 0 : i32
      %dma_wait3A_211 = tpu.memref_slice %arg9[%add3A_152, %dma_wait3A_210] : memref<10240x16xf32, #tpu.memory_space<vmem_shared>> -> memref<128x16xf32, #tpu.memory_space<vmem_shared>>
      %dma_wait3A_212 = arith.constant 0 : i32
      %dma_wait3A_213 = tpu.memref_slice %arg9[%add3A_152, %dma_wait3A_212] : memref<10240x16xf32, #tpu.memory_space<vmem_shared>> -> memref<128x16xf32, #tpu.memory_space<vmem_shared>>
      tpu.wait_dma2 semaphore(%run_scoped3A_205 : memref<!tpu.dma_semaphore, #tpu.memory_space<semaphore_mem>>) src(%arg7 : memref<128x16xf32, #tpu.memory_space<vmem>>) dst(%dma_wait3A_213 : memref<128x16xf32, #tpu.memory_space<vmem_shared>>)
      tpu.yield
    }) : () -> ()
    %mul3A_153 = arith.constant 640 : i32
    %mul3A_154 = arith.muli %arg1, %mul3A_153 : i32
    %add3A_155 = arith.constant 256 : i32
    %add3A_156 = arith.addi %mul3A_154, %add3A_155 : i32
    "tpu.region"() ({
      %run_scoped3A_205 = tpu.sem_alloc : memref<!tpu.dma_semaphore, #tpu.memory_space<semaphore_mem>>
      %dma_start3A_206 = arith.constant 0 : i32
      %dma_start3A_207 = tpu.memref_slice %arg9[%add3A_156, %dma_start3A_206] : memref<10240x16xf32, #tpu.memory_space<vmem_shared>> -> memref<128x16xf32, #tpu.memory_space<vmem_shared>>
      %dma_start3A_208 = arith.constant 0 : i32
      %dma_start3A_209 = tpu.memref_slice %arg9[%add3A_156, %dma_start3A_208] : memref<10240x16xf32, #tpu.memory_space<vmem_shared>> -> memref<128x16xf32, #tpu.memory_space<vmem_shared>>
      tpu.enqueue_dma source(%arg7 : memref<128x16xf32, #tpu.memory_space<vmem>>) target(%dma_start3A_209 : memref<128x16xf32, #tpu.memory_space<vmem_shared>>) target_semaphore(%run_scoped3A_205 : memref<!tpu.dma_semaphore, #tpu.memory_space<semaphore_mem>>)
      %dma_wait3A_210 = arith.constant 0 : i32
      %dma_wait3A_211 = tpu.memref_slice %arg9[%add3A_156, %dma_wait3A_210] : memref<10240x16xf32, #tpu.memory_space<vmem_shared>> -> memref<128x16xf32, #tpu.memory_space<vmem_shared>>
      %dma_wait3A_212 = arith.constant 0 : i32
      %dma_wait3A_213 = tpu.memref_slice %arg9[%add3A_156, %dma_wait3A_212] : memref<10240x16xf32, #tpu.memory_space<vmem_shared>> -> memref<128x16xf32, #tpu.memory_space<vmem_shared>>
      tpu.wait_dma2 semaphore(%run_scoped3A_205 : memref<!tpu.dma_semaphore, #tpu.memory_space<semaphore_mem>>) src(%arg7 : memref<128x16xf32, #tpu.memory_space<vmem>>) dst(%dma_wait3A_213 : memref<128x16xf32, #tpu.memory_space<vmem_shared>>)
      tpu.yield
    }) : () -> ()
    %mul3A_157 = arith.constant 640 : i32
    %mul3A_158 = arith.muli %arg1, %mul3A_157 : i32
    %add3A_159 = arith.constant 384 : i32
    %add3A_160 = arith.addi %mul3A_158, %add3A_159 : i32
    "tpu.region"() ({
      %run_scoped3A_205 = tpu.sem_alloc : memref<!tpu.dma_semaphore, #tpu.memory_space<semaphore_mem>>
      %dma_start3A_206 = arith.constant 0 : i32
      %dma_start3A_207 = tpu.memref_slice %arg9[%add3A_160, %dma_start3A_206] : memref<10240x16xf32, #tpu.memory_space<vmem_shared>> -> memref<128x16xf32, #tpu.memory_space<vmem_shared>>
      %dma_start3A_208 = arith.constant 0 : i32
      %dma_start3A_209 = tpu.memref_slice %arg9[%add3A_160, %dma_start3A_208] : memref<10240x16xf32, #tpu.memory_space<vmem_shared>> -> memref<128x16xf32, #tpu.memory_space<vmem_shared>>
      tpu.enqueue_dma source(%arg7 : memref<128x16xf32, #tpu.memory_space<vmem>>) target(%dma_start3A_209 : memref<128x16xf32, #tpu.memory_space<vmem_shared>>) target_semaphore(%run_scoped3A_205 : memref<!tpu.dma_semaphore, #tpu.memory_space<semaphore_mem>>)
      %dma_wait3A_210 = arith.constant 0 : i32
      %dma_wait3A_211 = tpu.memref_slice %arg9[%add3A_160, %dma_wait3A_210] : memref<10240x16xf32, #tpu.memory_space<vmem_shared>> -> memref<128x16xf32, #tpu.memory_space<vmem_shared>>
      %dma_wait3A_212 = arith.constant 0 : i32
      %dma_wait3A_213 = tpu.memref_slice %arg9[%add3A_160, %dma_wait3A_212] : memref<10240x16xf32, #tpu.memory_space<vmem_shared>> -> memref<128x16xf32, #tpu.memory_space<vmem_shared>>
      tpu.wait_dma2 semaphore(%run_scoped3A_205 : memref<!tpu.dma_semaphore, #tpu.memory_space<semaphore_mem>>) src(%arg7 : memref<128x16xf32, #tpu.memory_space<vmem>>) dst(%dma_wait3A_213 : memref<128x16xf32, #tpu.memory_space<vmem_shared>>)
      tpu.yield
    }) : () -> ()
    %mul3A_161 = arith.constant 640 : i32
    %mul3A_162 = arith.muli %arg1, %mul3A_161 : i32
    %add3A_163 = arith.constant 512 : i32
    %add3A_164 = arith.addi %mul3A_162, %add3A_163 : i32
    "tpu.region"() ({
      %run_scoped3A_205 = tpu.sem_alloc : memref<!tpu.dma_semaphore, #tpu.memory_space<semaphore_mem>>
      %dma_start3A_206 = arith.constant 0 : i32
      %dma_start3A_207 = tpu.memref_slice %arg9[%add3A_164, %dma_start3A_206] : memref<10240x16xf32, #tpu.memory_space<vmem_shared>> -> memref<128x16xf32, #tpu.memory_space<vmem_shared>>
      %dma_start3A_208 = arith.constant 0 : i32
      %dma_start3A_209 = tpu.memref_slice %arg9[%add3A_164, %dma_start3A_208] : memref<10240x16xf32, #tpu.memory_space<vmem_shared>> -> memref<128x16xf32, #tpu.memory_space<vmem_shared>>
      tpu.enqueue_dma source(%arg7 : memref<128x16xf32, #tpu.memory_space<vmem>>) target(%dma_start3A_209 : memref<128x16xf32, #tpu.memory_space<vmem_shared>>) target_semaphore(%run_scoped3A_205 : memref<!tpu.dma_semaphore, #tpu.memory_space<semaphore_mem>>)
      %dma_wait3A_210 = arith.constant 0 : i32
      %dma_wait3A_211 = tpu.memref_slice %arg9[%add3A_164, %dma_wait3A_210] : memref<10240x16xf32, #tpu.memory_space<vmem_shared>> -> memref<128x16xf32, #tpu.memory_space<vmem_shared>>
      %dma_wait3A_212 = arith.constant 0 : i32
      %dma_wait3A_213 = tpu.memref_slice %arg9[%add3A_164, %dma_wait3A_212] : memref<10240x16xf32, #tpu.memory_space<vmem_shared>> -> memref<128x16xf32, #tpu.memory_space<vmem_shared>>
      tpu.wait_dma2 semaphore(%run_scoped3A_205 : memref<!tpu.dma_semaphore, #tpu.memory_space<semaphore_mem>>) src(%arg7 : memref<128x16xf32, #tpu.memory_space<vmem>>) dst(%dma_wait3A_213 : memref<128x16xf32, #tpu.memory_space<vmem_shared>>)
      tpu.yield
    }) : () -> ()
    %barrier3A = arith.constant 0 : index
    tpu.barrier barrier_id(%barrier3A)
    %add3A_165 = arith.constant 0 : i32
    %add3A_166 = arith.addi %add3A_165, %select_n3A : i32
    %dma_start3A = arith.constant 0 : i32
    %dma_start3A_167 = tpu.memref_slice %arg5[%add3A_166, %dma_start3A] : memref<81x128xi32, #tpu.memory_space<vmem>> -> memref<1x128xi32, #tpu.memory_space<vmem>>
    %dma_start3A_168 = tpu.memref_squeeze %dma_start3A_167 : memref<1x128xi32, #tpu.memory_space<vmem>> -> memref<128xi32, #tpu.memory_space<vmem>>
    %dma_start3A_169 = arith.constant 0 : i32
    %dma_start3A_170 = arith.constant 0 : i32
    %dma_start3A_171 = tpu.memref_slice %arg10[%dma_start3A_169, %dma_start3A_170] : memref<10000x16xf32, #tpu.memory_space<vmem_shared>> -> memref<10000x16xf32, #tpu.memory_space<vmem_shared>>
    tpu.enqueue_indirect_dma source(%dma_start3A_171 : memref<10000x16xf32, #tpu.memory_space<vmem_shared>>) target(%arg7 : memref<128x16xf32, #tpu.memory_space<vmem>>) offsets(%dma_start3A_168 : memref<128xi32, #tpu.memory_space<vmem>>) semaphore(%arg11 : memref<!tpu.dma_semaphore, #tpu.memory_space<semaphore_mem>>)
    %add3A_172 = arith.constant 1 : i32
    %add3A_173 = arith.addi %add3A_172, %select_n3A : i32
    %dma_start3A_174 = arith.constant 0 : i32
    %dma_start3A_175 = tpu.memref_slice %arg5[%add3A_173, %dma_start3A_174] : memref<81x128xi32, #tpu.memory_space<vmem>> -> memref<1x128xi32, #tpu.memory_space<vmem>>
    %dma_start3A_176 = tpu.memref_squeeze %dma_start3A_175 : memref<1x128xi32, #tpu.memory_space<vmem>> -> memref<128xi32, #tpu.memory_space<vmem>>
    %dma_start3A_177 = arith.constant 0 : i32
    %dma_start3A_178 = arith.constant 0 : i32
    %dma_start3A_179 = tpu.memref_slice %arg10[%dma_start3A_177, %dma_start3A_178] : memref<10000x16xf32, #tpu.memory_space<vmem_shared>> -> memref<10000x16xf32, #tpu.memory_space<vmem_shared>>
    tpu.enqueue_indirect_dma source(%dma_start3A_179 : memref<10000x16xf32, #tpu.memory_space<vmem_shared>>) target(%arg8 : memref<128x16xf32, #tpu.memory_space<vmem>>) offsets(%dma_start3A_176 : memref<128xi32, #tpu.memory_space<vmem>>) semaphore(%arg12 : memref<!tpu.dma_semaphore, #tpu.memory_space<semaphore_mem>>)
    %scan3A_180 = arith.constant 0 : i32
    %scan3A_181 = arith.constant 0 : i32
    %scan3A_182 = arith.constant 39 : i32
    %scan3A_183 = arith.addi %scan3A_181, %scan3A_182 : i32
    %scan3A_184 = arith.constant 1 : i32
    scf.for %scan3A_205 = %scan3A_181 to %scan3A_183 step %scan3A_184  : i32 {
      %mul3A_206 = arith.constant 2 : i32
      %mul3A_207 = arith.muli %scan3A_205, %mul3A_206 : i32
      %dma_wait3A_208 = arith.constant 0 : i32
      %dma_wait3A_209 = arith.constant 0 : i32
      %dma_wait3A_210 = tpu.memref_slice %arg5[%dma_wait3A_208, %dma_wait3A_209] : memref<81x128xi32, #tpu.memory_space<vmem>> -> memref<1x128xi32, #tpu.memory_space<vmem>>
      %dma_wait3A_211 = tpu.memref_squeeze %dma_wait3A_210 : memref<1x128xi32, #tpu.memory_space<vmem>> -> memref<128xi32, #tpu.memory_space<vmem>>
      %dma_wait3A_212 = arith.constant 0 : i32
      %dma_wait3A_213 = arith.constant 0 : i32
      %dma_wait3A_214 = tpu.memref_slice %arg10[%dma_wait3A_212, %dma_wait3A_213] : memref<10000x16xf32, #tpu.memory_space<vmem_shared>> -> memref<10000x16xf32, #tpu.memory_space<vmem_shared>>
      tpu.wait_indirect_dma semaphore(%arg11 : memref<!tpu.dma_semaphore, #tpu.memory_space<semaphore_mem>>) src(%dma_wait3A_214 : memref<10000x16xf32, #tpu.memory_space<vmem_shared>>) dst(%arg7 : memref<128x16xf32, #tpu.memory_space<vmem>>)
      %add3A_215 = arith.constant 0 : i32
      %add3A_216 = arith.addi %mul3A_207, %add3A_215 : i32
      %add3A_217 = arith.addi %add3A_216, %select_n3A : i32
      "tpu.region"() ({
        %run_scoped3A_250 = tpu.sem_alloc : memref<!tpu.dma_semaphore, #tpu.memory_space<semaphore_mem>>
        %dma_start3A_251 = arith.constant 0 : i32
        %dma_start3A_252 = tpu.memref_slice %arg6[%add3A_217, %dma_start3A_251] : memref<79x128xi32, #tpu.memory_space<vmem>> -> memref<1x128xi32, #tpu.memory_space<vmem>>
        %dma_start3A_253 = tpu.memref_squeeze %dma_start3A_252 : memref<1x128xi32, #tpu.memory_space<vmem>> -> memref<128xi32, #tpu.memory_space<vmem>>
        %dma_start3A_254 = arith.constant 0 : i32
        %dma_start3A_255 = arith.constant 0 : i32
        %dma_start3A_256 = tpu.memref_slice %arg9[%dma_start3A_254, %dma_start3A_255] : memref<10240x16xf32, #tpu.memory_space<vmem_shared>> -> memref<10240x16xf32, #tpu.memory_space<vmem_shared>>
        tpu.enqueue_indirect_dma source(%arg7 : memref<128x16xf32, #tpu.memory_space<vmem>>) target(%dma_start3A_256 : memref<10240x16xf32, #tpu.memory_space<vmem_shared>>) offsets(%dma_start3A_253 : memref<128xi32, #tpu.memory_space<vmem>>) semaphore(%run_scoped3A_250 : memref<!tpu.dma_semaphore, #tpu.memory_space<semaphore_mem>>) {add = true}
        %dma_wait3A_257 = arith.constant 0 : i32
        %dma_wait3A_258 = tpu.memref_slice %arg6[%add3A_217, %dma_wait3A_257] : memref<79x128xi32, #tpu.memory_space<vmem>> -> memref<1x128xi32, #tpu.memory_space<vmem>>
        %dma_wait3A_259 = tpu.memref_squeeze %dma_wait3A_258 : memref<1x128xi32, #tpu.memory_space<vmem>> -> memref<128xi32, #tpu.memory_space<vmem>>
        %dma_wait3A_260 = arith.constant 0 : i32
        %dma_wait3A_261 = arith.constant 0 : i32
        %dma_wait3A_262 = tpu.memref_slice %arg9[%dma_wait3A_260, %dma_wait3A_261] : memref<10240x16xf32, #tpu.memory_space<vmem_shared>> -> memref<10240x16xf32, #tpu.memory_space<vmem_shared>>
        tpu.wait_indirect_dma semaphore(%run_scoped3A_250 : memref<!tpu.dma_semaphore, #tpu.memory_space<semaphore_mem>>) src(%arg7 : memref<128x16xf32, #tpu.memory_space<vmem>>) dst(%dma_wait3A_262 : memref<10240x16xf32, #tpu.memory_space<vmem_shared>>)
        tpu.yield
      }) : () -> ()
      %add3A_218 = arith.constant 2 : i32
      %add3A_219 = arith.addi %mul3A_207, %add3A_218 : i32
      %add3A_220 = arith.constant 0 : i32
      %add3A_221 = arith.addi %add3A_219, %add3A_220 : i32
      %add3A_222 = arith.addi %add3A_221, %select_n3A : i32
      %dma_start3A_223 = arith.constant 0 : i32
      %dma_start3A_224 = tpu.memref_slice %arg5[%add3A_222, %dma_start3A_223] : memref<81x128xi32, #tpu.memory_space<vmem>> -> memref<1x128xi32, #tpu.memory_space<vmem>>
      %dma_start3A_225 = tpu.memref_squeeze %dma_start3A_224 : memref<1x128xi32, #tpu.memory_space<vmem>> -> memref<128xi32, #tpu.memory_space<vmem>>
      %dma_start3A_226 = arith.constant 0 : i32
      %dma_start3A_227 = arith.constant 0 : i32
      %dma_start3A_228 = tpu.memref_slice %arg10[%dma_start3A_226, %dma_start3A_227] : memref<10000x16xf32, #tpu.memory_space<vmem_shared>> -> memref<10000x16xf32, #tpu.memory_space<vmem_shared>>
      tpu.enqueue_indirect_dma source(%dma_start3A_228 : memref<10000x16xf32, #tpu.memory_space<vmem_shared>>) target(%arg7 : memref<128x16xf32, #tpu.memory_space<vmem>>) offsets(%dma_start3A_225 : memref<128xi32, #tpu.memory_space<vmem>>) semaphore(%arg11 : memref<!tpu.dma_semaphore, #tpu.memory_space<semaphore_mem>>)
      %dma_wait3A_229 = arith.constant 0 : i32
      %dma_wait3A_230 = arith.constant 0 : i32
      %dma_wait3A_231 = tpu.memref_slice %arg5[%dma_wait3A_229, %dma_wait3A_230] : memref<81x128xi32, #tpu.memory_space<vmem>> -> memref<1x128xi32, #tpu.memory_space<vmem>>
      %dma_wait3A_232 = tpu.memref_squeeze %dma_wait3A_231 : memref<1x128xi32, #tpu.memory_space<vmem>> -> memref<128xi32, #tpu.memory_space<vmem>>
      %dma_wait3A_233 = arith.constant 0 : i32
      %dma_wait3A_234 = arith.constant 0 : i32
      %dma_wait3A_235 = tpu.memref_slice %arg10[%dma_wait3A_233, %dma_wait3A_234] : memref<10000x16xf32, #tpu.memory_space<vmem_shared>> -> memref<10000x16xf32, #tpu.memory_space<vmem_shared>>
      tpu.wait_indirect_dma semaphore(%arg12 : memref<!tpu.dma_semaphore, #tpu.memory_space<semaphore_mem>>) src(%dma_wait3A_235 : memref<10000x16xf32, #tpu.memory_space<vmem_shared>>) dst(%arg8 : memref<128x16xf32, #tpu.memory_space<vmem>>)
      %add3A_236 = arith.constant 1 : i32
      %add3A_237 = arith.addi %mul3A_207, %add3A_236 : i32
      %add3A_238 = arith.addi %add3A_237, %select_n3A : i32
      "tpu.region"() ({
        %run_scoped3A_250 = tpu.sem_alloc : memref<!tpu.dma_semaphore, #tpu.memory_space<semaphore_mem>>
        %dma_start3A_251 = arith.constant 0 : i32
        %dma_start3A_252 = tpu.memref_slice %arg6[%add3A_238, %dma_start3A_251] : memref<79x128xi32, #tpu.memory_space<vmem>> -> memref<1x128xi32, #tpu.memory_space<vmem>>
        %dma_start3A_253 = tpu.memref_squeeze %dma_start3A_252 : memref<1x128xi32, #tpu.memory_space<vmem>> -> memref<128xi32, #tpu.memory_space<vmem>>
        %dma_start3A_254 = arith.constant 0 : i32
        %dma_start3A_255 = arith.constant 0 : i32
        %dma_start3A_256 = tpu.memref_slice %arg9[%dma_start3A_254, %dma_start3A_255] : memref<10240x16xf32, #tpu.memory_space<vmem_shared>> -> memref<10240x16xf32, #tpu.memory_space<vmem_shared>>
        tpu.enqueue_indirect_dma source(%arg8 : memref<128x16xf32, #tpu.memory_space<vmem>>) target(%dma_start3A_256 : memref<10240x16xf32, #tpu.memory_space<vmem_shared>>) offsets(%dma_start3A_253 : memref<128xi32, #tpu.memory_space<vmem>>) semaphore(%run_scoped3A_250 : memref<!tpu.dma_semaphore, #tpu.memory_space<semaphore_mem>>) {add = true}
        %dma_wait3A_257 = arith.constant 0 : i32
        %dma_wait3A_258 = tpu.memref_slice %arg6[%add3A_238, %dma_wait3A_257] : memref<79x128xi32, #tpu.memory_space<vmem>> -> memref<1x128xi32, #tpu.memory_space<vmem>>
        %dma_wait3A_259 = tpu.memref_squeeze %dma_wait3A_258 : memref<1x128xi32, #tpu.memory_space<vmem>> -> memref<128xi32, #tpu.memory_space<vmem>>
        %dma_wait3A_260 = arith.constant 0 : i32
        %dma_wait3A_261 = arith.constant 0 : i32
        %dma_wait3A_262 = tpu.memref_slice %arg9[%dma_wait3A_260, %dma_wait3A_261] : memref<10240x16xf32, #tpu.memory_space<vmem_shared>> -> memref<10240x16xf32, #tpu.memory_space<vmem_shared>>
        tpu.wait_indirect_dma semaphore(%run_scoped3A_250 : memref<!tpu.dma_semaphore, #tpu.memory_space<semaphore_mem>>) src(%arg8 : memref<128x16xf32, #tpu.memory_space<vmem>>) dst(%dma_wait3A_262 : memref<10240x16xf32, #tpu.memory_space<vmem_shared>>)
        tpu.yield
      }) : () -> ()
      %add3A_239 = arith.constant 2 : i32
      %add3A_240 = arith.addi %mul3A_207, %add3A_239 : i32
      %add3A_241 = arith.constant 1 : i32
      %add3A_242 = arith.addi %add3A_240, %add3A_241 : i32
      %add3A_243 = arith.addi %add3A_242, %select_n3A : i32
      %dma_start3A_244 = arith.constant 0 : i32
      %dma_start3A_245 = tpu.memref_slice %arg5[%add3A_243, %dma_start3A_244] : memref<81x128xi32, #tpu.memory_space<vmem>> -> memref<1x128xi32, #tpu.memory_space<vmem>>
      %dma_start3A_246 = tpu.memref_squeeze %dma_start3A_245 : memref<1x128xi32, #tpu.memory_space<vmem>> -> memref<128xi32, #tpu.memory_space<vmem>>
      %dma_start3A_247 = arith.constant 0 : i32
      %dma_start3A_248 = arith.constant 0 : i32
      %dma_start3A_249 = tpu.memref_slice %arg10[%dma_start3A_247, %dma_start3A_248] : memref<10000x16xf32, #tpu.memory_space<vmem_shared>> -> memref<10000x16xf32, #tpu.memory_space<vmem_shared>>
      tpu.enqueue_indirect_dma source(%dma_start3A_249 : memref<10000x16xf32, #tpu.memory_space<vmem_shared>>) target(%arg8 : memref<128x16xf32, #tpu.memory_space<vmem>>) offsets(%dma_start3A_246 : memref<128xi32, #tpu.memory_space<vmem>>) semaphore(%arg12 : memref<!tpu.dma_semaphore, #tpu.memory_space<semaphore_mem>>)
    }
    %scan3A_185 = arith.constant 39 : i32
    %dma_wait3A = arith.constant 0 : i32
    %dma_wait3A_186 = arith.constant 0 : i32
    %dma_wait3A_187 = tpu.memref_slice %arg5[%dma_wait3A, %dma_wait3A_186] : memref<81x128xi32, #tpu.memory_space<vmem>> -> memref<1x128xi32, #tpu.memory_space<vmem>>
    %dma_wait3A_188 = tpu.memref_squeeze %dma_wait3A_187 : memref<1x128xi32, #tpu.memory_space<vmem>> -> memref<128xi32, #tpu.memory_space<vmem>>
    %dma_wait3A_189 = arith.constant 0 : i32
    %dma_wait3A_190 = arith.constant 0 : i32
    %dma_wait3A_191 = tpu.memref_slice %arg10[%dma_wait3A_189, %dma_wait3A_190] : memref<10000x16xf32, #tpu.memory_space<vmem_shared>> -> memref<10000x16xf32, #tpu.memory_space<vmem_shared>>
    tpu.wait_indirect_dma semaphore(%arg11 : memref<!tpu.dma_semaphore, #tpu.memory_space<semaphore_mem>>) src(%dma_wait3A_191 : memref<10000x16xf32, #tpu.memory_space<vmem_shared>>) dst(%arg7 : memref<128x16xf32, #tpu.memory_space<vmem>>)
    %dma_wait3A_192 = arith.constant 0 : i32
    %dma_wait3A_193 = arith.constant 0 : i32
    %dma_wait3A_194 = tpu.memref_slice %arg5[%dma_wait3A_192, %dma_wait3A_193] : memref<81x128xi32, #tpu.memory_space<vmem>> -> memref<1x128xi32, #tpu.memory_space<vmem>>
    %dma_wait3A_195 = tpu.memref_squeeze %dma_wait3A_194 : memref<1x128xi32, #tpu.memory_space<vmem>> -> memref<128xi32, #tpu.memory_space<vmem>>
    %dma_wait3A_196 = arith.constant 0 : i32
    %dma_wait3A_197 = arith.constant 0 : i32
    %dma_wait3A_198 = tpu.memref_slice %arg10[%dma_wait3A_196, %dma_wait3A_197] : memref<10000x16xf32, #tpu.memory_space<vmem_shared>> -> memref<10000x16xf32, #tpu.memory_space<vmem_shared>>
    tpu.wait_indirect_dma semaphore(%arg12 : memref<!tpu.dma_semaphore, #tpu.memory_space<semaphore_mem>>) src(%dma_wait3A_198 : memref<10000x16xf32, #tpu.memory_space<vmem_shared>>) dst(%arg8 : memref<128x16xf32, #tpu.memory_space<vmem>>)
    %convert_element_type3A = arith.extui %lt3A_5 : i1 to i32
    %cond3A = arith.constant 0 : i32
    %cond3A_199 = arith.cmpi ne, %convert_element_type3A, %cond3A : i32
    scf.if %cond3A_199 {
      %dma_start3A_205 = arith.constant 78 : i32
      %dma_start3A_206 = arith.constant 0 : i32
      %dma_start3A_207 = tpu.memref_slice %arg5[%dma_start3A_205, %dma_start3A_206] : memref<81x128xi32, #tpu.memory_space<vmem>> -> memref<1x128xi32, #tpu.memory_space<vmem>>
      %dma_start3A_208 = tpu.memref_squeeze %dma_start3A_207 : memref<1x128xi32, #tpu.memory_space<vmem>> -> memref<128xi32, #tpu.memory_space<vmem>>
      %dma_start3A_209 = arith.constant 0 : i32
      %dma_start3A_210 = arith.constant 0 : i32
      %dma_start3A_211 = tpu.memref_slice %arg10[%dma_start3A_209, %dma_start3A_210] : memref<10000x16xf32, #tpu.memory_space<vmem_shared>> -> memref<10000x16xf32, #tpu.memory_space<vmem_shared>>
      tpu.enqueue_indirect_dma source(%dma_start3A_211 : memref<10000x16xf32, #tpu.memory_space<vmem_shared>>) target(%arg7 : memref<128x16xf32, #tpu.memory_space<vmem>>) offsets(%dma_start3A_208 : memref<128xi32, #tpu.memory_space<vmem>>) semaphore(%arg11 : memref<!tpu.dma_semaphore, #tpu.memory_space<semaphore_mem>>)
      %dma_wait3A_212 = arith.constant 78 : i32
      %dma_wait3A_213 = arith.constant 0 : i32
      %dma_wait3A_214 = tpu.memref_slice %arg5[%dma_wait3A_212, %dma_wait3A_213] : memref<81x128xi32, #tpu.memory_space<vmem>> -> memref<1x128xi32, #tpu.memory_space<vmem>>
      %dma_wait3A_215 = tpu.memref_squeeze %dma_wait3A_214 : memref<1x128xi32, #tpu.memory_space<vmem>> -> memref<128xi32, #tpu.memory_space<vmem>>
      %dma_wait3A_216 = arith.constant 0 : i32
      %dma_wait3A_217 = arith.constant 0 : i32
      %dma_wait3A_218 = tpu.memref_slice %arg10[%dma_wait3A_216, %dma_wait3A_217] : memref<10000x16xf32, #tpu.memory_space<vmem_shared>> -> memref<10000x16xf32, #tpu.memory_space<vmem_shared>>
      tpu.wait_indirect_dma semaphore(%arg11 : memref<!tpu.dma_semaphore, #tpu.memory_space<semaphore_mem>>) src(%dma_wait3A_218 : memref<10000x16xf32, #tpu.memory_space<vmem_shared>>) dst(%arg7 : memref<128x16xf32, #tpu.memory_space<vmem>>)
      %run_scoped3A_219 = arith.constant 78 : i32
      "tpu.region"() ({
        %run_scoped3A_220 = tpu.sem_alloc : memref<!tpu.dma_semaphore, #tpu.memory_space<semaphore_mem>>
        %dma_start3A_221 = arith.constant 0 : i32
        %dma_start3A_222 = tpu.memref_slice %arg6[%run_scoped3A_219, %dma_start3A_221] : memref<79x128xi32, #tpu.memory_space<vmem>> -> memref<1x128xi32, #tpu.memory_space<vmem>>
        %dma_start3A_223 = tpu.memref_squeeze %dma_start3A_222 : memref<1x128xi32, #tpu.memory_space<vmem>> -> memref<128xi32, #tpu.memory_space<vmem>>
        %dma_start3A_224 = arith.constant 0 : i32
        %dma_start3A_225 = arith.constant 0 : i32
        %dma_start3A_226 = tpu.memref_slice %arg9[%dma_start3A_224, %dma_start3A_225] : memref<10240x16xf32, #tpu.memory_space<vmem_shared>> -> memref<10240x16xf32, #tpu.memory_space<vmem_shared>>
        tpu.enqueue_indirect_dma source(%arg7 : memref<128x16xf32, #tpu.memory_space<vmem>>) target(%dma_start3A_226 : memref<10240x16xf32, #tpu.memory_space<vmem_shared>>) offsets(%dma_start3A_223 : memref<128xi32, #tpu.memory_space<vmem>>) semaphore(%run_scoped3A_220 : memref<!tpu.dma_semaphore, #tpu.memory_space<semaphore_mem>>) {add = true}
        %dma_wait3A_227 = arith.constant 0 : i32
        %dma_wait3A_228 = tpu.memref_slice %arg6[%run_scoped3A_219, %dma_wait3A_227] : memref<79x128xi32, #tpu.memory_space<vmem>> -> memref<1x128xi32, #tpu.memory_space<vmem>>
        %dma_wait3A_229 = tpu.memref_squeeze %dma_wait3A_228 : memref<1x128xi32, #tpu.memory_space<vmem>> -> memref<128xi32, #tpu.memory_space<vmem>>
        %dma_wait3A_230 = arith.constant 0 : i32
        %dma_wait3A_231 = arith.constant 0 : i32
        %dma_wait3A_232 = tpu.memref_slice %arg9[%dma_wait3A_230, %dma_wait3A_231] : memref<10240x16xf32, #tpu.memory_space<vmem_shared>> -> memref<10240x16xf32, #tpu.memory_space<vmem_shared>>
        tpu.wait_indirect_dma semaphore(%run_scoped3A_220 : memref<!tpu.dma_semaphore, #tpu.memory_space<semaphore_mem>>) src(%arg7 : memref<128x16xf32, #tpu.memory_space<vmem>>) dst(%dma_wait3A_232 : memref<10240x16xf32, #tpu.memory_space<vmem_shared>>)
        tpu.yield
      }) : () -> ()
    } else {
    }
    %barrier3A_200 = arith.constant 0 : index
    tpu.barrier barrier_id(%barrier3A_200)
    %mul3A_201 = arith.constant 640 : i32
    %mul3A_202 = arith.muli %arg1, %mul3A_201 : i32
    %mul3A_203 = arith.constant 640 : i32
    %mul3A_204 = arith.muli %arg1, %mul3A_203 : i32
    "tpu.region"() ({
      %run_scoped3A_205 = tpu.sem_alloc : memref<!tpu.dma_semaphore, #tpu.memory_space<semaphore_mem>>
      %dma_start3A_206 = arith.constant 0 : i32
      %dma_start3A_207 = tpu.memref_slice %arg4[%arg0, %mul3A_204, %dma_start3A_206] : memref<2x10240x16xf32, #tpu.memory_space<hbm>> -> memref<1x640x16xf32, #tpu.memory_space<hbm>>
      %dma_start3A_208 = tpu.memref_squeeze %dma_start3A_207 : memref<1x640x16xf32, #tpu.memory_space<hbm>> -> memref<640x16xf32, #tpu.memory_space<hbm>>
      %dma_start3A_209 = arith.constant 0 : i32
      %dma_start3A_210 = tpu.memref_slice %arg9[%mul3A_202, %dma_start3A_209] : memref<10240x16xf32, #tpu.memory_space<vmem_shared>> -> memref<640x16xf32, #tpu.memory_space<vmem_shared>>
      tpu.enqueue_dma source(%dma_start3A_210 : memref<640x16xf32, #tpu.memory_space<vmem_shared>>) target(%dma_start3A_208 : memref<640x16xf32, #tpu.memory_space<hbm>>) target_semaphore(%run_scoped3A_205 : memref<!tpu.dma_semaphore, #tpu.memory_space<semaphore_mem>>)
      %dma_wait3A_211 = arith.constant 0 : i32
      %dma_wait3A_212 = tpu.memref_slice %arg4[%arg0, %mul3A_204, %dma_wait3A_211] : memref<2x10240x16xf32, #tpu.memory_space<hbm>> -> memref<1x640x16xf32, #tpu.memory_space<hbm>>
      %dma_wait3A_213 = tpu.memref_squeeze %dma_wait3A_212 : memref<1x640x16xf32, #tpu.memory_space<hbm>> -> memref<640x16xf32, #tpu.memory_space<hbm>>
      %dma_wait3A_214 = arith.constant 0 : i32
      %dma_wait3A_215 = tpu.memref_slice %arg9[%mul3A_202, %dma_wait3A_214] : memref<10240x16xf32, #tpu.memory_space<vmem_shared>> -> memref<640x16xf32, #tpu.memory_space<vmem_shared>>
      tpu.wait_dma2 semaphore(%run_scoped3A_205 : memref<!tpu.dma_semaphore, #tpu.memory_space<semaphore_mem>>) src(%dma_wait3A_215 : memref<640x16xf32, #tpu.memory_space<vmem_shared>>) dst(%dma_wait3A_213 : memref<640x16xf32, #tpu.memory_space<hbm>>)
      tpu.yield
    }) : () -> ()
    return
  }
}

#map = affine_map<(d0, d1) -> (0, 0, 0)>
#map1 = affine_map<(d0, d1) -> (0, 0)>
module attributes {stable_mosaic.version = 14 : i64} {
  func.func @_deg_kernel(%arg0: i32, %arg1: i32, %arg2: memref<2x2500x128xi32, #tpu.memory_space<hbm>>, %arg3: memref<2x10240xf32, #tpu.memory_space<hbm>>, %arg4: memref<79x128xi32, #tpu.memory_space<vmem>>, %arg5: memref<128xf32, #tpu.memory_space<vmem>>, %arg6: memref<10240xf32, #tpu.memory_space<vmem_shared>>, %arg7: memref<!tpu.dma_semaphore, #tpu.memory_space<semaphore_mem>>) attributes {dimension_semantics = [#tpu.dimension_semantics<core_parallel>, #tpu.dimension_semantics<subcore_parallel>], iteration_bounds = array<i64: 2, 16>, scalar_prefetch = 0 : i64, scratch_operands = 4 : i64, tpu.core_type = #tpu.core_type<sc_vector_subcore>, window_params = [{transform_indices = #map}, {transform_indices = #map1}]} {
    %mul3A = arith.constant 16 : i32
    %mul3A_0 = arith.muli %arg0, %mul3A : i32
    %add3A = arith.addi %mul3A_0, %arg1 : i32
    %mul3A_1 = arith.constant 78 : i32
    %mul3A_2 = arith.muli %add3A, %mul3A_1 : i32
    %min3A = arith.constant 4 : i32
    %min3A_3 = arith.minsi %add3A, %min3A : i32
    %add3A_4 = arith.addi %mul3A_2, %min3A_3 : i32
    %lt3A = arith.constant 4 : i32
    %lt3A_5 = arith.cmpi slt, %add3A, %lt3A : i32
    %eq3A = arith.constant 31 : i32
    %eq3A_6 = arith.cmpi eq, %add3A, %eq3A : i32
    %jit3A = arith.constant 1 : i32
    %jit3A_7 = arith.constant 0 : i32
    %select_n3A = arith.select %eq3A_6, %jit3A, %jit3A_7 : i32
    %convert_element_type3A = arith.extui %lt3A_5 : i1 to i32
    %add3A_8 = arith.constant 78 : i32
    %add3A_9 = arith.addi %add3A_8, %convert_element_type3A : i32
    %sub3A = arith.subi %add3A_4, %select_n3A : i32
    %run_scoped3A = arith.constant 1 : i32
    "tpu.region"() ({
      %run_scoped3A_148 = tpu.sem_alloc : memref<!tpu.dma_semaphore, #tpu.memory_space<semaphore_mem>>
      %dma_start3A = arith.constant 0 : i32
      %dma_start3A_149 = tpu.memref_slice %arg2[%run_scoped3A, %sub3A, %dma_start3A] : memref<2x2500x128xi32, #tpu.memory_space<hbm>> -> memref<1x79x128xi32, #tpu.memory_space<hbm>>
      %dma_start3A_150 = tpu.memref_squeeze %dma_start3A_149 : memref<1x79x128xi32, #tpu.memory_space<hbm>> -> memref<79x128xi32, #tpu.memory_space<hbm>>
      %dma_start3A_151 = arith.constant 0 : i32
      %dma_start3A_152 = tpu.memref_slice %arg2[%run_scoped3A, %sub3A, %dma_start3A_151] : memref<2x2500x128xi32, #tpu.memory_space<hbm>> -> memref<1x79x128xi32, #tpu.memory_space<hbm>>
      %dma_start3A_153 = tpu.memref_squeeze %dma_start3A_152 : memref<1x79x128xi32, #tpu.memory_space<hbm>> -> memref<79x128xi32, #tpu.memory_space<hbm>>
      tpu.enqueue_dma source(%dma_start3A_153 : memref<79x128xi32, #tpu.memory_space<hbm>>) target(%arg4 : memref<79x128xi32, #tpu.memory_space<vmem>>) target_semaphore(%run_scoped3A_148 : memref<!tpu.dma_semaphore, #tpu.memory_space<semaphore_mem>>)
      %dma_wait3A = arith.constant 0 : i32
      %dma_wait3A_154 = tpu.memref_slice %arg2[%run_scoped3A, %sub3A, %dma_wait3A] : memref<2x2500x128xi32, #tpu.memory_space<hbm>> -> memref<1x79x128xi32, #tpu.memory_space<hbm>>
      %dma_wait3A_155 = tpu.memref_squeeze %dma_wait3A_154 : memref<1x79x128xi32, #tpu.memory_space<hbm>> -> memref<79x128xi32, #tpu.memory_space<hbm>>
      %dma_wait3A_156 = arith.constant 0 : i32
      %dma_wait3A_157 = tpu.memref_slice %arg2[%run_scoped3A, %sub3A, %dma_wait3A_156] : memref<2x2500x128xi32, #tpu.memory_space<hbm>> -> memref<1x79x128xi32, #tpu.memory_space<hbm>>
      %dma_wait3A_158 = tpu.memref_squeeze %dma_wait3A_157 : memref<1x79x128xi32, #tpu.memory_space<hbm>> -> memref<79x128xi32, #tpu.memory_space<hbm>>
      tpu.wait_dma2 semaphore(%run_scoped3A_148 : memref<!tpu.dma_semaphore, #tpu.memory_space<semaphore_mem>>) src(%dma_wait3A_158 : memref<79x128xi32, #tpu.memory_space<hbm>>) dst(%arg4 : memref<79x128xi32, #tpu.memory_space<vmem>>)
      tpu.yield
    }) : () -> ()
    %broadcast_in_dim3A = arith.constant 0.000000e+00 : f32
    %broadcast_in_dim3A_10 = vector.broadcast %broadcast_in_dim3A : f32 to vector<16xf32>
    %swap3A = arith.constant 0 : index
    %swap3A_11 = tpu.vector_load %arg5[%swap3A] {strides = array<i32>} : memref<128xf32, #tpu.memory_space<vmem>>, vector<16xf32>,
    %swap3A_12 = vector.shape_cast %swap3A_11 : vector<16xf32> to vector<16xf32>
    %swap3A_13 = vector.shape_cast %broadcast_in_dim3A_10 : vector<16xf32> to vector<16xf32>
    tpu.vector_store %arg5[%swap3A], %swap3A_13 {strides = array<i32>} : memref<128xf32, #tpu.memory_space<vmem>>, vector<16xf32>,
    %broadcast_in_dim3A_14 = arith.constant 0.000000e+00 : f32
    %broadcast_in_dim3A_15 = vector.broadcast %broadcast_in_dim3A_14 : f32 to vector<16xf32>
    %swap3A_16 = arith.constant 16 : index
    %swap3A_17 = tpu.vector_load %arg5[%swap3A_16] {strides = array<i32>} : memref<128xf32, #tpu.memory_space<vmem>>, vector<16xf32>,
    %swap3A_18 = vector.shape_cast %swap3A_17 : vector<16xf32> to vector<16xf32>
    %swap3A_19 = vector.shape_cast %broadcast_in_dim3A_15 : vector<16xf32> to vector<16xf32>
    tpu.vector_store %arg5[%swap3A_16], %swap3A_19 {strides = array<i32>} : memref<128xf32, #tpu.memory_space<vmem>>, vector<16xf32>,
    %broadcast_in_dim3A_20 = arith.constant 0.000000e+00 : f32
    %broadcast_in_dim3A_21 = vector.broadcast %broadcast_in_dim3A_20 : f32 to vector<16xf32>
    %swap3A_22 = arith.constant 32 : index
    %swap3A_23 = tpu.vector_load %arg5[%swap3A_22] {strides = array<i32>} : memref<128xf32, #tpu.memory_space<vmem>>, vector<16xf32>,
    %swap3A_24 = vector.shape_cast %swap3A_23 : vector<16xf32> to vector<16xf32>
    %swap3A_25 = vector.shape_cast %broadcast_in_dim3A_21 : vector<16xf32> to vector<16xf32>
    tpu.vector_store %arg5[%swap3A_22], %swap3A_25 {strides = array<i32>} : memref<128xf32, #tpu.memory_space<vmem>>, vector<16xf32>,
    %broadcast_in_dim3A_26 = arith.constant 0.000000e+00 : f32
    %broadcast_in_dim3A_27 = vector.broadcast %broadcast_in_dim3A_26 : f32 to vector<16xf32>
    %swap3A_28 = arith.constant 48 : index
    %swap3A_29 = tpu.vector_load %arg5[%swap3A_28] {strides = array<i32>} : memref<128xf32, #tpu.memory_space<vmem>>, vector<16xf32>,
    %swap3A_30 = vector.shape_cast %swap3A_29 : vector<16xf32> to vector<16xf32>
    %swap3A_31 = vector.shape_cast %broadcast_in_dim3A_27 : vector<16xf32> to vector<16xf32>
    tpu.vector_store %arg5[%swap3A_28], %swap3A_31 {strides = array<i32>} : memref<128xf32, #tpu.memory_space<vmem>>, vector<16xf32>,
    %broadcast_in_dim3A_32 = arith.constant 0.000000e+00 : f32
    %broadcast_in_dim3A_33 = vector.broadcast %broadcast_in_dim3A_32 : f32 to vector<16xf32>
    %swap3A_34 = arith.constant 64 : index
    %swap3A_35 = tpu.vector_load %arg5[%swap3A_34] {strides = array<i32>} : memref<128xf32, #tpu.memory_space<vmem>>, vector<16xf32>,
    %swap3A_36 = vector.shape_cast %swap3A_35 : vector<16xf32> to vector<16xf32>
    %swap3A_37 = vector.shape_cast %broadcast_in_dim3A_33 : vector<16xf32> to vector<16xf32>
    tpu.vector_store %arg5[%swap3A_34], %swap3A_37 {strides = array<i32>} : memref<128xf32, #tpu.memory_space<vmem>>, vector<16xf32>,
    %broadcast_in_dim3A_38 = arith.constant 0.000000e+00 : f32
    %broadcast_in_dim3A_39 = vector.broadcast %broadcast_in_dim3A_38 : f32 to vector<16xf32>
    %swap3A_40 = arith.constant 80 : index
    %swap3A_41 = tpu.vector_load %arg5[%swap3A_40] {strides = array<i32>} : memref<128xf32, #tpu.memory_space<vmem>>, vector<16xf32>,
    %swap3A_42 = vector.shape_cast %swap3A_41 : vector<16xf32> to vector<16xf32>
    %swap3A_43 = vector.shape_cast %broadcast_in_dim3A_39 : vector<16xf32> to vector<16xf32>
    tpu.vector_store %arg5[%swap3A_40], %swap3A_43 {strides = array<i32>} : memref<128xf32, #tpu.memory_space<vmem>>, vector<16xf32>,
    %broadcast_in_dim3A_44 = arith.constant 0.000000e+00 : f32
    %broadcast_in_dim3A_45 = vector.broadcast %broadcast_in_dim3A_44 : f32 to vector<16xf32>
    %swap3A_46 = arith.constant 96 : index
    %swap3A_47 = tpu.vector_load %arg5[%swap3A_46] {strides = array<i32>} : memref<128xf32, #tpu.memory_space<vmem>>, vector<16xf32>,
    %swap3A_48 = vector.shape_cast %swap3A_47 : vector<16xf32> to vector<16xf32>
    %swap3A_49 = vector.shape_cast %broadcast_in_dim3A_45 : vector<16xf32> to vector<16xf32>
    tpu.vector_store %arg5[%swap3A_46], %swap3A_49 {strides = array<i32>} : memref<128xf32, #tpu.memory_space<vmem>>, vector<16xf32>,
    %broadcast_in_dim3A_50 = arith.constant 0.000000e+00 : f32
    %broadcast_in_dim3A_51 = vector.broadcast %broadcast_in_dim3A_50 : f32 to vector<16xf32>
    %swap3A_52 = arith.constant 112 : index
    %swap3A_53 = tpu.vector_load %arg5[%swap3A_52] {strides = array<i32>} : memref<128xf32, #tpu.memory_space<vmem>>, vector<16xf32>,
    %swap3A_54 = vector.shape_cast %swap3A_53 : vector<16xf32> to vector<16xf32>
    %swap3A_55 = vector.shape_cast %broadcast_in_dim3A_51 : vector<16xf32> to vector<16xf32>
    tpu.vector_store %arg5[%swap3A_52], %swap3A_55 {strides = array<i32>} : memref<128xf32, #tpu.memory_space<vmem>>, vector<16xf32>,
    %mul3A_56 = arith.constant 640 : i32
    %mul3A_57 = arith.muli %arg1, %mul3A_56 : i32
    %add3A_58 = arith.constant 0 : i32
    %add3A_59 = arith.addi %mul3A_57, %add3A_58 : i32
    "tpu.region"() ({
      %run_scoped3A_148 = tpu.sem_alloc : memref<!tpu.dma_semaphore, #tpu.memory_space<semaphore_mem>>
      %dma_start3A = tpu.memref_slice %arg6[%add3A_59] : memref<10240xf32, #tpu.memory_space<vmem_shared>> -> memref<128xf32, #tpu.memory_space<vmem_shared>>
      %dma_start3A_149 = tpu.memref_slice %arg6[%add3A_59] : memref<10240xf32, #tpu.memory_space<vmem_shared>> -> memref<128xf32, #tpu.memory_space<vmem_shared>>
      tpu.enqueue_dma source(%arg5 : memref<128xf32, #tpu.memory_space<vmem>>) target(%dma_start3A_149 : memref<128xf32, #tpu.memory_space<vmem_shared>>) target_semaphore(%run_scoped3A_148 : memref<!tpu.dma_semaphore, #tpu.memory_space<semaphore_mem>>)
      %dma_wait3A = tpu.memref_slice %arg6[%add3A_59] : memref<10240xf32, #tpu.memory_space<vmem_shared>> -> memref<128xf32, #tpu.memory_space<vmem_shared>>
      %dma_wait3A_150 = tpu.memref_slice %arg6[%add3A_59] : memref<10240xf32, #tpu.memory_space<vmem_shared>> -> memref<128xf32, #tpu.memory_space<vmem_shared>>
      tpu.wait_dma2 semaphore(%run_scoped3A_148 : memref<!tpu.dma_semaphore, #tpu.memory_space<semaphore_mem>>) src(%arg5 : memref<128xf32, #tpu.memory_space<vmem>>) dst(%dma_wait3A_150 : memref<128xf32, #tpu.memory_space<vmem_shared>>)
      tpu.yield
    }) : () -> ()
    %mul3A_60 = arith.constant 640 : i32
    %mul3A_61 = arith.muli %arg1, %mul3A_60 : i32
    %add3A_62 = arith.constant 128 : i32
    %add3A_63 = arith.addi %mul3A_61, %add3A_62 : i32
    "tpu.region"() ({
      %run_scoped3A_148 = tpu.sem_alloc : memref<!tpu.dma_semaphore, #tpu.memory_space<semaphore_mem>>
      %dma_start3A = tpu.memref_slice %arg6[%add3A_63] : memref<10240xf32, #tpu.memory_space<vmem_shared>> -> memref<128xf32, #tpu.memory_space<vmem_shared>>
      %dma_start3A_149 = tpu.memref_slice %arg6[%add3A_63] : memref<10240xf32, #tpu.memory_space<vmem_shared>> -> memref<128xf32, #tpu.memory_space<vmem_shared>>
      tpu.enqueue_dma source(%arg5 : memref<128xf32, #tpu.memory_space<vmem>>) target(%dma_start3A_149 : memref<128xf32, #tpu.memory_space<vmem_shared>>) target_semaphore(%run_scoped3A_148 : memref<!tpu.dma_semaphore, #tpu.memory_space<semaphore_mem>>)
      %dma_wait3A = tpu.memref_slice %arg6[%add3A_63] : memref<10240xf32, #tpu.memory_space<vmem_shared>> -> memref<128xf32, #tpu.memory_space<vmem_shared>>
      %dma_wait3A_150 = tpu.memref_slice %arg6[%add3A_63] : memref<10240xf32, #tpu.memory_space<vmem_shared>> -> memref<128xf32, #tpu.memory_space<vmem_shared>>
      tpu.wait_dma2 semaphore(%run_scoped3A_148 : memref<!tpu.dma_semaphore, #tpu.memory_space<semaphore_mem>>) src(%arg5 : memref<128xf32, #tpu.memory_space<vmem>>) dst(%dma_wait3A_150 : memref<128xf32, #tpu.memory_space<vmem_shared>>)
      tpu.yield
    }) : () -> ()
    %mul3A_64 = arith.constant 640 : i32
    %mul3A_65 = arith.muli %arg1, %mul3A_64 : i32
    %add3A_66 = arith.constant 256 : i32
    %add3A_67 = arith.addi %mul3A_65, %add3A_66 : i32
    "tpu.region"() ({
      %run_scoped3A_148 = tpu.sem_alloc : memref<!tpu.dma_semaphore, #tpu.memory_space<semaphore_mem>>
      %dma_start3A = tpu.memref_slice %arg6[%add3A_67] : memref<10240xf32, #tpu.memory_space<vmem_shared>> -> memref<128xf32, #tpu.memory_space<vmem_shared>>
      %dma_start3A_149 = tpu.memref_slice %arg6[%add3A_67] : memref<10240xf32, #tpu.memory_space<vmem_shared>> -> memref<128xf32, #tpu.memory_space<vmem_shared>>
      tpu.enqueue_dma source(%arg5 : memref<128xf32, #tpu.memory_space<vmem>>) target(%dma_start3A_149 : memref<128xf32, #tpu.memory_space<vmem_shared>>) target_semaphore(%run_scoped3A_148 : memref<!tpu.dma_semaphore, #tpu.memory_space<semaphore_mem>>)
      %dma_wait3A = tpu.memref_slice %arg6[%add3A_67] : memref<10240xf32, #tpu.memory_space<vmem_shared>> -> memref<128xf32, #tpu.memory_space<vmem_shared>>
      %dma_wait3A_150 = tpu.memref_slice %arg6[%add3A_67] : memref<10240xf32, #tpu.memory_space<vmem_shared>> -> memref<128xf32, #tpu.memory_space<vmem_shared>>
      tpu.wait_dma2 semaphore(%run_scoped3A_148 : memref<!tpu.dma_semaphore, #tpu.memory_space<semaphore_mem>>) src(%arg5 : memref<128xf32, #tpu.memory_space<vmem>>) dst(%dma_wait3A_150 : memref<128xf32, #tpu.memory_space<vmem_shared>>)
      tpu.yield
    }) : () -> ()
    %mul3A_68 = arith.constant 640 : i32
    %mul3A_69 = arith.muli %arg1, %mul3A_68 : i32
    %add3A_70 = arith.constant 384 : i32
    %add3A_71 = arith.addi %mul3A_69, %add3A_70 : i32
    "tpu.region"() ({
      %run_scoped3A_148 = tpu.sem_alloc : memref<!tpu.dma_semaphore, #tpu.memory_space<semaphore_mem>>
      %dma_start3A = tpu.memref_slice %arg6[%add3A_71] : memref<10240xf32, #tpu.memory_space<vmem_shared>> -> memref<128xf32, #tpu.memory_space<vmem_shared>>
      %dma_start3A_149 = tpu.memref_slice %arg6[%add3A_71] : memref<10240xf32, #tpu.memory_space<vmem_shared>> -> memref<128xf32, #tpu.memory_space<vmem_shared>>
      tpu.enqueue_dma source(%arg5 : memref<128xf32, #tpu.memory_space<vmem>>) target(%dma_start3A_149 : memref<128xf32, #tpu.memory_space<vmem_shared>>) target_semaphore(%run_scoped3A_148 : memref<!tpu.dma_semaphore, #tpu.memory_space<semaphore_mem>>)
      %dma_wait3A = tpu.memref_slice %arg6[%add3A_71] : memref<10240xf32, #tpu.memory_space<vmem_shared>> -> memref<128xf32, #tpu.memory_space<vmem_shared>>
      %dma_wait3A_150 = tpu.memref_slice %arg6[%add3A_71] : memref<10240xf32, #tpu.memory_space<vmem_shared>> -> memref<128xf32, #tpu.memory_space<vmem_shared>>
      tpu.wait_dma2 semaphore(%run_scoped3A_148 : memref<!tpu.dma_semaphore, #tpu.memory_space<semaphore_mem>>) src(%arg5 : memref<128xf32, #tpu.memory_space<vmem>>) dst(%dma_wait3A_150 : memref<128xf32, #tpu.memory_space<vmem_shared>>)
      tpu.yield
    }) : () -> ()
    %mul3A_72 = arith.constant 640 : i32
    %mul3A_73 = arith.muli %arg1, %mul3A_72 : i32
    %add3A_74 = arith.constant 512 : i32
    %add3A_75 = arith.addi %mul3A_73, %add3A_74 : i32
    "tpu.region"() ({
      %run_scoped3A_148 = tpu.sem_alloc : memref<!tpu.dma_semaphore, #tpu.memory_space<semaphore_mem>>
      %dma_start3A = tpu.memref_slice %arg6[%add3A_75] : memref<10240xf32, #tpu.memory_space<vmem_shared>> -> memref<128xf32, #tpu.memory_space<vmem_shared>>
      %dma_start3A_149 = tpu.memref_slice %arg6[%add3A_75] : memref<10240xf32, #tpu.memory_space<vmem_shared>> -> memref<128xf32, #tpu.memory_space<vmem_shared>>
      tpu.enqueue_dma source(%arg5 : memref<128xf32, #tpu.memory_space<vmem>>) target(%dma_start3A_149 : memref<128xf32, #tpu.memory_space<vmem_shared>>) target_semaphore(%run_scoped3A_148 : memref<!tpu.dma_semaphore, #tpu.memory_space<semaphore_mem>>)
      %dma_wait3A = tpu.memref_slice %arg6[%add3A_75] : memref<10240xf32, #tpu.memory_space<vmem_shared>> -> memref<128xf32, #tpu.memory_space<vmem_shared>>
      %dma_wait3A_150 = tpu.memref_slice %arg6[%add3A_75] : memref<10240xf32, #tpu.memory_space<vmem_shared>> -> memref<128xf32, #tpu.memory_space<vmem_shared>>
      tpu.wait_dma2 semaphore(%run_scoped3A_148 : memref<!tpu.dma_semaphore, #tpu.memory_space<semaphore_mem>>) src(%arg5 : memref<128xf32, #tpu.memory_space<vmem>>) dst(%dma_wait3A_150 : memref<128xf32, #tpu.memory_space<vmem_shared>>)
      tpu.yield
    }) : () -> ()
    %broadcast_in_dim3A_76 = arith.constant 1.000000e+00 : f32
    %broadcast_in_dim3A_77 = vector.broadcast %broadcast_in_dim3A_76 : f32 to vector<16xf32>
    %swap3A_78 = arith.constant 0 : index
    %swap3A_79 = tpu.vector_load %arg5[%swap3A_78] {strides = array<i32>} : memref<128xf32, #tpu.memory_space<vmem>>, vector<16xf32>,
    %swap3A_80 = vector.shape_cast %swap3A_79 : vector<16xf32> to vector<16xf32>
    %swap3A_81 = vector.shape_cast %broadcast_in_dim3A_77 : vector<16xf32> to vector<16xf32>
    tpu.vector_store %arg5[%swap3A_78], %swap3A_81 {strides = array<i32>} : memref<128xf32, #tpu.memory_space<vmem>>, vector<16xf32>,
    %broadcast_in_dim3A_82 = arith.constant 1.000000e+00 : f32
    %broadcast_in_dim3A_83 = vector.broadcast %broadcast_in_dim3A_82 : f32 to vector<16xf32>
    %swap3A_84 = arith.constant 16 : index
    %swap3A_85 = tpu.vector_load %arg5[%swap3A_84] {strides = array<i32>} : memref<128xf32, #tpu.memory_space<vmem>>, vector<16xf32>,
    %swap3A_86 = vector.shape_cast %swap3A_85 : vector<16xf32> to vector<16xf32>
    %swap3A_87 = vector.shape_cast %broadcast_in_dim3A_83 : vector<16xf32> to vector<16xf32>
    tpu.vector_store %arg5[%swap3A_84], %swap3A_87 {strides = array<i32>} : memref<128xf32, #tpu.memory_space<vmem>>, vector<16xf32>,
    %broadcast_in_dim3A_88 = arith.constant 1.000000e+00 : f32
    %broadcast_in_dim3A_89 = vector.broadcast %broadcast_in_dim3A_88 : f32 to vector<16xf32>
    %swap3A_90 = arith.constant 32 : index
    %swap3A_91 = tpu.vector_load %arg5[%swap3A_90] {strides = array<i32>} : memref<128xf32, #tpu.memory_space<vmem>>, vector<16xf32>,
    %swap3A_92 = vector.shape_cast %swap3A_91 : vector<16xf32> to vector<16xf32>
    %swap3A_93 = vector.shape_cast %broadcast_in_dim3A_89 : vector<16xf32> to vector<16xf32>
    tpu.vector_store %arg5[%swap3A_90], %swap3A_93 {strides = array<i32>} : memref<128xf32, #tpu.memory_space<vmem>>, vector<16xf32>,
    %broadcast_in_dim3A_94 = arith.constant 1.000000e+00 : f32
    %broadcast_in_dim3A_95 = vector.broadcast %broadcast_in_dim3A_94 : f32 to vector<16xf32>
    %swap3A_96 = arith.constant 48 : index
    %swap3A_97 = tpu.vector_load %arg5[%swap3A_96] {strides = array<i32>} : memref<128xf32, #tpu.memory_space<vmem>>, vector<16xf32>,
    %swap3A_98 = vector.shape_cast %swap3A_97 : vector<16xf32> to vector<16xf32>
    %swap3A_99 = vector.shape_cast %broadcast_in_dim3A_95 : vector<16xf32> to vector<16xf32>
    tpu.vector_store %arg5[%swap3A_96], %swap3A_99 {strides = array<i32>} : memref<128xf32, #tpu.memory_space<vmem>>, vector<16xf32>,
    %broadcast_in_dim3A_100 = arith.constant 1.000000e+00 : f32
    %broadcast_in_dim3A_101 = vector.broadcast %broadcast_in_dim3A_100 : f32 to vector<16xf32>
    %swap3A_102 = arith.constant 64 : index
    %swap3A_103 = tpu.vector_load %arg5[%swap3A_102] {strides = array<i32>} : memref<128xf32, #tpu.memory_space<vmem>>, vector<16xf32>,
    %swap3A_104 = vector.shape_cast %swap3A_103 : vector<16xf32> to vector<16xf32>
    %swap3A_105 = vector.shape_cast %broadcast_in_dim3A_101 : vector<16xf32> to vector<16xf32>
    tpu.vector_store %arg5[%swap3A_102], %swap3A_105 {strides = array<i32>} : memref<128xf32, #tpu.memory_space<vmem>>, vector<16xf32>,
    %broadcast_in_dim3A_106 = arith.constant 1.000000e+00 : f32
    %broadcast_in_dim3A_107 = vector.broadcast %broadcast_in_dim3A_106 : f32 to vector<16xf32>
    %swap3A_108 = arith.constant 80 : index
    %swap3A_109 = tpu.vector_load %arg5[%swap3A_108] {strides = array<i32>} : memref<128xf32, #tpu.memory_space<vmem>>, vector<16xf32>,
    %swap3A_110 = vector.shape_cast %swap3A_109 : vector<16xf32> to vector<16xf32>
    %swap3A_111 = vector.shape_cast %broadcast_in_dim3A_107 : vector<16xf32> to vector<16xf32>
    tpu.vector_store %arg5[%swap3A_108], %swap3A_111 {strides = array<i32>} : memref<128xf32, #tpu.memory_space<vmem>>, vector<16xf32>,
    %broadcast_in_dim3A_112 = arith.constant 1.000000e+00 : f32
    %broadcast_in_dim3A_113 = vector.broadcast %broadcast_in_dim3A_112 : f32 to vector<16xf32>
    %swap3A_114 = arith.constant 96 : index
    %swap3A_115 = tpu.vector_load %arg5[%swap3A_114] {strides = array<i32>} : memref<128xf32, #tpu.memory_space<vmem>>, vector<16xf32>,
    %swap3A_116 = vector.shape_cast %swap3A_115 : vector<16xf32> to vector<16xf32>
    %swap3A_117 = vector.shape_cast %broadcast_in_dim3A_113 : vector<16xf32> to vector<16xf32>
    tpu.vector_store %arg5[%swap3A_114], %swap3A_117 {strides = array<i32>} : memref<128xf32, #tpu.memory_space<vmem>>, vector<16xf32>,
    %broadcast_in_dim3A_118 = arith.constant 1.000000e+00 : f32
    %broadcast_in_dim3A_119 = vector.broadcast %broadcast_in_dim3A_118 : f32 to vector<16xf32>
    %swap3A_120 = arith.constant 112 : index
    %swap3A_121 = tpu.vector_load %arg5[%swap3A_120] {strides = array<i32>} : memref<128xf32, #tpu.memory_space<vmem>>, vector<16xf32>,
    %swap3A_122 = vector.shape_cast %swap3A_121 : vector<16xf32> to vector<16xf32>
    %swap3A_123 = vector.shape_cast %broadcast_in_dim3A_119 : vector<16xf32> to vector<16xf32>
    tpu.vector_store %arg5[%swap3A_120], %swap3A_123 {strides = array<i32>} : memref<128xf32, #tpu.memory_space<vmem>>, vector<16xf32>,
    %barrier3A = arith.constant 0 : index
    tpu.barrier barrier_id(%barrier3A)
    %while3A = arith.constant 0 : i32
    %while3A_124 = arith.constant 0 : i32
    %while3A_125 = arith.subi %add3A_9, %while3A_124 : i32
    %while3A_126 = arith.addi %while3A_124, %while3A_125 : i32
    %while3A_127 = arith.constant 1 : i32
    %while3A_128 = arith.divsi %while3A_125, %while3A_127 : i32
    %while3A_129 = arith.muli %while3A_128, %while3A_127 : i32
    %while3A_130 = arith.addi %while3A_124, %while3A_129 : i32
    %while3A_131 = arith.constant 1 : i32
    scf.for %while3A_148 = %while3A_124 to %while3A_130 step %while3A_131  : i32 {
      %add3A_149 = arith.addi %while3A_148, %select_n3A : i32
      %dma_start3A = arith.constant 0 : i32
      %dma_start3A_150 = tpu.memref_slice %arg4[%add3A_149, %dma_start3A] : memref<79x128xi32, #tpu.memory_space<vmem>> -> memref<1x128xi32, #tpu.memory_space<vmem>>
      %dma_start3A_151 = tpu.memref_squeeze %dma_start3A_150 : memref<1x128xi32, #tpu.memory_space<vmem>> -> memref<128xi32, #tpu.memory_space<vmem>>
      %dma_start3A_152 = arith.constant 0 : i32
      %dma_start3A_153 = tpu.memref_slice %arg6[%dma_start3A_152] : memref<10240xf32, #tpu.memory_space<vmem_shared>> -> memref<10240xf32, #tpu.memory_space<vmem_shared>>
      tpu.enqueue_indirect_dma source(%arg5 : memref<128xf32, #tpu.memory_space<vmem>>) target(%dma_start3A_153 : memref<10240xf32, #tpu.memory_space<vmem_shared>>) offsets(%dma_start3A_151 : memref<128xi32, #tpu.memory_space<vmem>>) semaphore(%arg7 : memref<!tpu.dma_semaphore, #tpu.memory_space<semaphore_mem>>) {add = true}
    }
    %while3A_132 = arith.constant 1 : i32
    scf.for %while3A_148 = %while3A_130 to %while3A_126 step %while3A_132  : i32 {
      %add3A_149 = arith.addi %while3A_148, %select_n3A : i32
      %dma_start3A = arith.constant 0 : i32
      %dma_start3A_150 = tpu.memref_slice %arg4[%add3A_149, %dma_start3A] : memref<79x128xi32, #tpu.memory_space<vmem>> -> memref<1x128xi32, #tpu.memory_space<vmem>>
      %dma_start3A_151 = tpu.memref_squeeze %dma_start3A_150 : memref<1x128xi32, #tpu.memory_space<vmem>> -> memref<128xi32, #tpu.memory_space<vmem>>
      %dma_start3A_152 = arith.constant 0 : i32
      %dma_start3A_153 = tpu.memref_slice %arg6[%dma_start3A_152] : memref<10240xf32, #tpu.memory_space<vmem_shared>> -> memref<10240xf32, #tpu.memory_space<vmem_shared>>
      tpu.enqueue_indirect_dma source(%arg5 : memref<128xf32, #tpu.memory_space<vmem>>) target(%dma_start3A_153 : memref<10240xf32, #tpu.memory_space<vmem_shared>>) offsets(%dma_start3A_151 : memref<128xi32, #tpu.memory_space<vmem>>) semaphore(%arg7 : memref<!tpu.dma_semaphore, #tpu.memory_space<semaphore_mem>>) {add = true}
    }
    %while3A_133 = arith.constant 0 : i32
    %while3A_134 = arith.constant 0 : i32
    %while3A_135 = arith.subi %add3A_9, %while3A_134 : i32
    %while3A_136 = arith.addi %while3A_134, %while3A_135 : i32
    %while3A_137 = arith.constant 1 : i32
    %while3A_138 = arith.divsi %while3A_135, %while3A_137 : i32
    %while3A_139 = arith.muli %while3A_138, %while3A_137 : i32
    %while3A_140 = arith.addi %while3A_134, %while3A_139 : i32
    %while3A_141 = arith.constant 1 : i32
    scf.for %while3A_148 = %while3A_134 to %while3A_140 step %while3A_141  : i32 {
      %dma_wait3A = arith.constant 0 : i32
      %dma_wait3A_149 = arith.constant 0 : i32
      %dma_wait3A_150 = tpu.memref_slice %arg4[%dma_wait3A, %dma_wait3A_149] : memref<79x128xi32, #tpu.memory_space<vmem>> -> memref<1x128xi32, #tpu.memory_space<vmem>>
      %dma_wait3A_151 = tpu.memref_squeeze %dma_wait3A_150 : memref<1x128xi32, #tpu.memory_space<vmem>> -> memref<128xi32, #tpu.memory_space<vmem>>
      %dma_wait3A_152 = arith.constant 0 : i32
      %dma_wait3A_153 = tpu.memref_slice %arg6[%dma_wait3A_152] : memref<10240xf32, #tpu.memory_space<vmem_shared>> -> memref<10240xf32, #tpu.memory_space<vmem_shared>>
      tpu.wait_indirect_dma semaphore(%arg7 : memref<!tpu.dma_semaphore, #tpu.memory_space<semaphore_mem>>) src(%arg5 : memref<128xf32, #tpu.memory_space<vmem>>) dst(%dma_wait3A_153 : memref<10240xf32, #tpu.memory_space<vmem_shared>>)
    }
    %while3A_142 = arith.constant 1 : i32
    scf.for %while3A_148 = %while3A_140 to %while3A_136 step %while3A_142  : i32 {
      %dma_wait3A = arith.constant 0 : i32
      %dma_wait3A_149 = arith.constant 0 : i32
      %dma_wait3A_150 = tpu.memref_slice %arg4[%dma_wait3A, %dma_wait3A_149] : memref<79x128xi32, #tpu.memory_space<vmem>> -> memref<1x128xi32, #tpu.memory_space<vmem>>
      %dma_wait3A_151 = tpu.memref_squeeze %dma_wait3A_150 : memref<1x128xi32, #tpu.memory_space<vmem>> -> memref<128xi32, #tpu.memory_space<vmem>>
      %dma_wait3A_152 = arith.constant 0 : i32
      %dma_wait3A_153 = tpu.memref_slice %arg6[%dma_wait3A_152] : memref<10240xf32, #tpu.memory_space<vmem_shared>> -> memref<10240xf32, #tpu.memory_space<vmem_shared>>
      tpu.wait_indirect_dma semaphore(%arg7 : memref<!tpu.dma_semaphore, #tpu.memory_space<semaphore_mem>>) src(%arg5 : memref<128xf32, #tpu.memory_space<vmem>>) dst(%dma_wait3A_153 : memref<10240xf32, #tpu.memory_space<vmem_shared>>)
    }
    %barrier3A_143 = arith.constant 0 : index
    tpu.barrier barrier_id(%barrier3A_143)
    %mul3A_144 = arith.constant 640 : i32
    %mul3A_145 = arith.muli %arg1, %mul3A_144 : i32
    %mul3A_146 = arith.constant 640 : i32
    %mul3A_147 = arith.muli %arg1, %mul3A_146 : i32
    "tpu.region"() ({
      %run_scoped3A_148 = tpu.sem_alloc : memref<!tpu.dma_semaphore, #tpu.memory_space<semaphore_mem>>
      %dma_start3A = tpu.memref_slice %arg3[%arg0, %mul3A_147] : memref<2x10240xf32, #tpu.memory_space<hbm>> -> memref<1x640xf32, #tpu.memory_space<hbm>>
      %dma_start3A_149 = tpu.memref_squeeze %dma_start3A : memref<1x640xf32, #tpu.memory_space<hbm>> -> memref<640xf32, #tpu.memory_space<hbm>>
      %dma_start3A_150 = tpu.memref_slice %arg6[%mul3A_145] : memref<10240xf32, #tpu.memory_space<vmem_shared>> -> memref<640xf32, #tpu.memory_space<vmem_shared>>
      tpu.enqueue_dma source(%dma_start3A_150 : memref<640xf32, #tpu.memory_space<vmem_shared>>) target(%dma_start3A_149 : memref<640xf32, #tpu.memory_space<hbm>>) target_semaphore(%run_scoped3A_148 : memref<!tpu.dma_semaphore, #tpu.memory_space<semaphore_mem>>)
      %dma_wait3A = tpu.memref_slice %arg3[%arg0, %mul3A_147] : memref<2x10240xf32, #tpu.memory_space<hbm>> -> memref<1x640xf32, #tpu.memory_space<hbm>>
      %dma_wait3A_151 = tpu.memref_squeeze %dma_wait3A : memref<1x640xf32, #tpu.memory_space<hbm>> -> memref<640xf32, #tpu.memory_space<hbm>>
      %dma_wait3A_152 = tpu.memref_slice %arg6[%mul3A_145] : memref<10240xf32, #tpu.memory_space<vmem_shared>> -> memref<640xf32, #tpu.memory_space<vmem_shared>>
      tpu.wait_dma2 semaphore(%run_scoped3A_148 : memref<!tpu.dma_semaphore, #tpu.memory_space<semaphore_mem>>) src(%dma_wait3A_152 : memref<640xf32, #tpu.memory_space<vmem_shared>>) dst(%dma_wait3A_151 : memref<640xf32, #tpu.memory_space<hbm>>)
      tpu.yield
    }) : () -> ()
    return
  }
}

module attributes {stable_mosaic.version = 14 : i64} {
  func.func @_pre_body(%arg0: i32, %arg1: memref<2000x128xf32, #tpu.memory_space<vmem>>, %arg2: memref<128x64xf32, #tpu.memory_space<vmem>>, %arg3: memref<2000x2xf32, #tpu.memory_space<vmem>>, %arg4: memref<2000x64xf32, #tpu.memory_space<vmem>>) attributes {dimension_semantics = [#tpu.dimension_semantics<arbitrary>], iteration_bounds = array<i64: 5>, scalar_prefetch = 0 : i64, scratch_operands = 0 : i64, tpu.core_type = #tpu.core_type<tc>, window_params = [{transform_indices = @transform_0, window_bounds = array<i64: 2000, 128>}, {pipeline_mode = #tpu.pipeline_mode<synchronous>, transform_indices = @transform_1, window_bounds = array<i64: 128, 64>}, {transform_indices = @transform_2, window_bounds = array<i64: 2000, 2>}, {transform_indices = @transform_3, window_bounds = array<i64: 2000, 64>}]} {
    %get3A = arith.constant 0 : index
    %get3A_0 = arith.constant 0 : index
    %get3A_1 = vector.load %arg3[%get3A, %get3A_0] : memref<2000x2xf32, #tpu.memory_space<vmem>>, vector<2000x1xf32>
    %get3A_2 = arith.constant 0 : index
    %get3A_3 = arith.constant 1 : index
    %get3A_4 = vector.load %arg3[%get3A_2, %get3A_3] : memref<2000x2xf32, #tpu.memory_space<vmem>>, vector<2000x1xf32>
    %add3A = arith.addf %get3A_1, %get3A_4 : vector<2000x1xf32>
    %add3A_5 = arith.constant 1.000000e+00 : f32
    %add3A_6 = vector.broadcast %add3A_5 : f32 to vector<2000x1xf32>
    %add3A_7 = arith.addf %add3A, %add3A_6 : vector<2000x1xf32>
    %rsqrt3A = math.rsqrt %add3A_7 : vector<2000x1xf32>
    %get3A_8 = arith.constant 0 : index
    %get3A_9 = arith.constant 0 : index
    %get3A_10 = vector.load %arg1[%get3A_8, %get3A_9] : memref<2000x128xf32, #tpu.memory_space<vmem>>, vector<2000x128xf32>
    %get3A_11 = arith.constant 0 : index
    %get3A_12 = arith.constant 0 : index
    %get3A_13 = vector.load %arg2[%get3A_11, %get3A_12] : memref<128x64xf32, #tpu.memory_space<vmem>>, vector<128x64xf32>
    %dot_general3A = arith.constant dense<0.000000e+00> : vector<2000x64xf32>
    %dot_general3A_14 = tpu.matmul %get3A_10, %get3A_13, %dot_general3A {dimension_numbers = #tpu.dot_dimension_numbers<[1], [0], [0], [1], [0, 0, 1, 1], [], []>, transpose_lhs_hint = false} : vector<2000x128xf32>, vector<128x64xf32>, vector<2000x64xf32> -> vector<2000x64xf32>
    %mul3A = vector.broadcast %rsqrt3A : vector<2000x1xf32> to vector<2000x64xf32>
    %mul3A_15 = arith.mulf %dot_general3A_14, %mul3A : vector<2000x64xf32>
    %swap3A = arith.constant 0 : index
    %swap3A_16 = arith.constant 0 : index
    %swap3A_17 = vector.load %arg4[%swap3A, %swap3A_16] : memref<2000x64xf32, #tpu.memory_space<vmem>>, vector<2000x64xf32>
    tpu.vector_store %arg4[%swap3A, %swap3A_16], %mul3A_15 {strides = array<i32>} : memref<2000x64xf32, #tpu.memory_space<vmem>>, vector<2000x64xf32>,
    return
  }
  func.func @transform_0(%arg0: i32) -> (i32, i32) {
    %c0_i32 = arith.constant 0 : i32
    %c0_i32_0 = arith.constant 0 : i32
    return %arg0, %c0_i32 : i32, i32
  }
  func.func @transform_1(%arg0: i32) -> (i32, i32) {
    %c0_i32 = arith.constant 0 : i32
    %c0_i32_0 = arith.constant 0 : i32
    %c0_i32_1 = arith.constant 0 : i32
    return %c0_i32, %c0_i32_0 : i32, i32
  }
  func.func @transform_2(%arg0: i32) -> (i32, i32) {
    %c0_i32 = arith.constant 0 : i32
    %c0_i32_0 = arith.constant 0 : i32
    return %arg0, %c0_i32 : i32, i32
  }
  func.func @transform_3(%arg0: i32) -> (i32, i32) {
    %c0_i32 = arith.constant 0 : i32
    %c0_i32_0 = arith.constant 0 : i32
    return %arg0, %c0_i32 : i32, i32
  }
}

module attributes {stable_mosaic.version = 14 : i64} {
  func.func @_mid_body(%arg0: i32, %arg1: memref<2x2000x64xf32, #tpu.memory_space<vmem>>, %arg2: memref<2000x64xf32, #tpu.memory_space<vmem>>, %arg3: memref<2000x2xf32, #tpu.memory_space<vmem>>, %arg4: memref<64x2xf32, #tpu.memory_space<vmem>>, %arg5: memref<1x64xf32, #tpu.memory_space<vmem>>, %arg6: memref<2000x16xf32, #tpu.memory_space<vmem>>) attributes {dimension_semantics = [#tpu.dimension_semantics<arbitrary>], iteration_bounds = array<i64: 5>, scalar_prefetch = 0 : i64, scratch_operands = 0 : i64, tpu.core_type = #tpu.core_type<tc>, window_params = [{transform_indices = @transform_0, window_bounds = array<i64: 2, 2000, 64>}, {transform_indices = @transform_1, window_bounds = array<i64: 2000, 64>}, {transform_indices = @transform_2, window_bounds = array<i64: 2000, 2>}, {pipeline_mode = #tpu.pipeline_mode<synchronous>, transform_indices = @transform_3, window_bounds = array<i64: 64, 2>}, {pipeline_mode = #tpu.pipeline_mode<synchronous>, transform_indices = @transform_4, window_bounds = array<i64: 1, 64>}, {transform_indices = @transform_5, window_bounds = array<i64: 2000, 16>}]} {
    %get3A = arith.constant 0 : index
    %get3A_0 = arith.constant 0 : index
    %get3A_1 = vector.load %arg3[%get3A, %get3A_0] : memref<2000x2xf32, #tpu.memory_space<vmem>>, vector<2000x1xf32>
    %get3A_2 = arith.constant 0 : index
    %get3A_3 = arith.constant 1 : index
    %get3A_4 = vector.load %arg3[%get3A_2, %get3A_3] : memref<2000x2xf32, #tpu.memory_space<vmem>>, vector<2000x1xf32>
    %add3A = arith.addf %get3A_1, %get3A_4 : vector<2000x1xf32>
    %add3A_5 = arith.constant 1.000000e+00 : f32
    %add3A_6 = vector.broadcast %add3A_5 : f32 to vector<2000x1xf32>
    %add3A_7 = arith.addf %add3A, %add3A_6 : vector<2000x1xf32>
    %rsqrt3A = math.rsqrt %add3A_7 : vector<2000x1xf32>
    %get3A_8 = arith.constant 0 : index
    %get3A_9 = arith.constant 0 : index
    %get3A_10 = arith.constant 0 : index
    %get3A_11 = vector.load %arg1[%get3A_8, %get3A_9, %get3A_10] : memref<2x2000x64xf32, #tpu.memory_space<vmem>>, vector<1x2000x64xf32>
    %get3A_12 = vector.shape_cast %get3A_11 : vector<1x2000x64xf32> to vector<2000x64xf32>
    %get3A_13 = arith.constant 1 : index
    %get3A_14 = arith.constant 0 : index
    %get3A_15 = arith.constant 0 : index
    %get3A_16 = vector.load %arg1[%get3A_13, %get3A_14, %get3A_15] : memref<2x2000x64xf32, #tpu.memory_space<vmem>>, vector<1x2000x64xf32>
    %get3A_17 = vector.shape_cast %get3A_16 : vector<1x2000x64xf32> to vector<2000x64xf32>
    %add3A_18 = arith.addf %get3A_12, %get3A_17 : vector<2000x64xf32>
    %get3A_19 = arith.constant 0 : index
    %get3A_20 = arith.constant 0 : index
    %get3A_21 = vector.load %arg2[%get3A_19, %get3A_20] : memref<2000x64xf32, #tpu.memory_space<vmem>>, vector<2000x64xf32>
    %add3A_22 = arith.addf %add3A_18, %get3A_21 : vector<2000x64xf32>
    %mul3A = vector.broadcast %rsqrt3A : vector<2000x1xf32> to vector<2000x64xf32>
    %mul3A_23 = arith.mulf %mul3A, %add3A_22 : vector<2000x64xf32>
    %get3A_24 = arith.constant 0 : index
    %get3A_25 = arith.constant 0 : index
    %get3A_26 = vector.load %arg5[%get3A_24, %get3A_25] : memref<1x64xf32, #tpu.memory_space<vmem>>, vector<1x64xf32>
    %add3A_27 = vector.broadcast %get3A_26 : vector<1x64xf32> to vector<2000x64xf32>
    %add3A_28 = arith.addf %mul3A_23, %add3A_27 : vector<2000x64xf32>
    %max3A = arith.constant 0.000000e+00 : f32
    %max3A_29 = vector.broadcast %max3A : f32 to vector<2000x64xf32>
    %max3A_30 = arith.maximumf %add3A_28, %max3A_29 : vector<2000x64xf32>
    %get3A_31 = arith.constant 0 : index
    %get3A_32 = arith.constant 0 : index
    %get3A_33 = vector.load %arg4[%get3A_31, %get3A_32] : memref<64x2xf32, #tpu.memory_space<vmem>>, vector<64x2xf32>
    %dot_general3A = arith.constant dense<0.000000e+00> : vector<2000x2xf32>
    %dot_general3A_34 = tpu.matmul %max3A_30, %get3A_33, %dot_general3A {dimension_numbers = #tpu.dot_dimension_numbers<[1], [0], [0], [1], [0, 0, 1, 1], [], []>, transpose_lhs_hint = false} : vector<2000x64xf32>, vector<64x2xf32>, vector<2000x2xf32> -> vector<2000x2xf32>
    %mul3A_35 = vector.broadcast %rsqrt3A : vector<2000x1xf32> to vector<2000x2xf32>
    %mul3A_36 = arith.mulf %dot_general3A_34, %mul3A_35 : vector<2000x2xf32>
    %broadcast_in_dim3A = arith.constant 0.000000e+00 : f32
    %broadcast_in_dim3A_37 = vector.broadcast %broadcast_in_dim3A : f32 to vector<2000x14xf32>
    %concatenate3A = tpu.concatenate %mul3A_36, %broadcast_in_dim3A_37 in 1 : vector<2000x2xf32>, vector<2000x14xf32> -> vector<2000x16xf32>
    %swap3A = arith.constant 0 : index
    %swap3A_38 = arith.constant 0 : index
    %swap3A_39 = vector.load %arg6[%swap3A, %swap3A_38] : memref<2000x16xf32, #tpu.memory_space<vmem>>, vector<2000x16xf32>
    tpu.vector_store %arg6[%swap3A, %swap3A_38], %concatenate3A {strides = array<i32>} : memref<2000x16xf32, #tpu.memory_space<vmem>>, vector<2000x16xf32>,
    return
  }
  func.func @transform_0(%arg0: i32) -> (i32, i32, i32) {
    %c0_i32 = arith.constant 0 : i32
    %c0_i32_0 = arith.constant 0 : i32
    %c0_i32_1 = arith.constant 0 : i32
    return %c0_i32, %arg0, %c0_i32_0 : i32, i32, i32
  }
  func.func @transform_1(%arg0: i32) -> (i32, i32) {
    %c0_i32 = arith.constant 0 : i32
    %c0_i32_0 = arith.constant 0 : i32
    return %arg0, %c0_i32 : i32, i32
  }
  func.func @transform_2(%arg0: i32) -> (i32, i32) {
    %c0_i32 = arith.constant 0 : i32
    %c0_i32_0 = arith.constant 0 : i32
    return %arg0, %c0_i32 : i32, i32
  }
  func.func @transform_3(%arg0: i32) -> (i32, i32) {
    %c0_i32 = arith.constant 0 : i32
    %c0_i32_0 = arith.constant 0 : i32
    %c0_i32_1 = arith.constant 0 : i32
    return %c0_i32, %c0_i32_0 : i32, i32
  }
  func.func @transform_4(%arg0: i32) -> (i32, i32) {
    %c0_i32 = arith.constant 0 : i32
    %c0_i32_0 = arith.constant 0 : i32
    %c0_i32_1 = arith.constant 0 : i32
    return %c0_i32, %c0_i32_0 : i32, i32
  }
  func.func @transform_5(%arg0: i32) -> (i32, i32) {
    %c0_i32 = arith.constant 0 : i32
    %c0_i32_0 = arith.constant 0 : i32
    return %arg0, %c0_i32 : i32, i32
  }
}

module attributes {stable_mosaic.version = 14 : i64} {
  func.func @_out_body(%arg0: i32, %arg1: memref<2x2000x16xf32, #tpu.memory_space<vmem>>, %arg2: memref<2000x16xf32, #tpu.memory_space<vmem>>, %arg3: memref<2000x2xf32, #tpu.memory_space<vmem>>, %arg4: memref<1x2xf32, #tpu.memory_space<vmem>>, %arg5: memref<2000x2xf32, #tpu.memory_space<vmem>>) attributes {dimension_semantics = [#tpu.dimension_semantics<arbitrary>], iteration_bounds = array<i64: 5>, scalar_prefetch = 0 : i64, scratch_operands = 0 : i64, tpu.core_type = #tpu.core_type<tc>, window_params = [{transform_indices = @transform_0, window_bounds = array<i64: 2, 2000, 16>}, {transform_indices = @transform_1, window_bounds = array<i64: 2000, 16>}, {transform_indices = @transform_2, window_bounds = array<i64: 2000, 2>}, {pipeline_mode = #tpu.pipeline_mode<synchronous>, transform_indices = @transform_3, window_bounds = array<i64: 1, 2>}, {transform_indices = @transform_4, window_bounds = array<i64: 2000, 2>}]} {
    %get3A = arith.constant 0 : index
    %get3A_0 = arith.constant 0 : index
    %get3A_1 = vector.load %arg3[%get3A, %get3A_0] : memref<2000x2xf32, #tpu.memory_space<vmem>>, vector<2000x1xf32>
    %get3A_2 = arith.constant 0 : index
    %get3A_3 = arith.constant 1 : index
    %get3A_4 = vector.load %arg3[%get3A_2, %get3A_3] : memref<2000x2xf32, #tpu.memory_space<vmem>>, vector<2000x1xf32>
    %add3A = arith.addf %get3A_1, %get3A_4 : vector<2000x1xf32>
    %add3A_5 = arith.constant 1.000000e+00 : f32
    %add3A_6 = vector.broadcast %add3A_5 : f32 to vector<2000x1xf32>
    %add3A_7 = arith.addf %add3A, %add3A_6 : vector<2000x1xf32>
    %rsqrt3A = math.rsqrt %add3A_7 : vector<2000x1xf32>
    %get3A_8 = arith.constant 0 : index
    %get3A_9 = arith.constant 0 : index
    %get3A_10 = arith.constant 0 : index
    %get3A_11 = vector.load %arg1[%get3A_8, %get3A_9, %get3A_10] : memref<2x2000x16xf32, #tpu.memory_space<vmem>>, vector<1x2000x16xf32>
    %get3A_12 = vector.shape_cast %get3A_11 : vector<1x2000x16xf32> to vector<2000x16xf32>
    %get3A_13 = arith.constant 1 : index
    %get3A_14 = arith.constant 0 : index
    %get3A_15 = arith.constant 0 : index
    %get3A_16 = vector.load %arg1[%get3A_13, %get3A_14, %get3A_15] : memref<2x2000x16xf32, #tpu.memory_space<vmem>>, vector<1x2000x16xf32>
    %get3A_17 = vector.shape_cast %get3A_16 : vector<1x2000x16xf32> to vector<2000x16xf32>
    %add3A_18 = arith.addf %get3A_12, %get3A_17 : vector<2000x16xf32>
    %slice3A = vector.extract_strided_slice %add3A_18 {offsets = [0, 0], sizes = [2000, 2], strides = [1, 1]} : vector<2000x16xf32> to vector<2000x2xf32>
    %get3A_19 = arith.constant 0 : index
    %get3A_20 = arith.constant 0 : index
    %get3A_21 = vector.load %arg2[%get3A_19, %get3A_20] : memref<2000x16xf32, #tpu.memory_space<vmem>>, vector<2000x2xf32>
    %add3A_22 = arith.addf %slice3A, %get3A_21 : vector<2000x2xf32>
    %mul3A = vector.broadcast %rsqrt3A : vector<2000x1xf32> to vector<2000x2xf32>
    %mul3A_23 = arith.mulf %mul3A, %add3A_22 : vector<2000x2xf32>
    %get3A_24 = arith.constant 0 : index
    %get3A_25 = arith.constant 0 : index
    %get3A_26 = vector.load %arg4[%get3A_24, %get3A_25] : memref<1x2xf32, #tpu.memory_space<vmem>>, vector<1x2xf32>
    %add3A_27 = vector.broadcast %get3A_26 : vector<1x2xf32> to vector<2000x2xf32>
    %add3A_28 = arith.addf %mul3A_23, %add3A_27 : vector<2000x2xf32>
    %reduce_max3A = arith.constant dense<0xFF800000> : vector<2000xf32>
    %reduce_max3A_29 = vector.multi_reduction <maximumf>, %add3A_28, %reduce_max3A [1] : vector<2000x2xf32> to vector<2000xf32>
    %broadcast_in_dim3A = vector.shape_cast %reduce_max3A_29 : vector<2000xf32> to vector<2000x1xf32>
    %sub3A = vector.broadcast %broadcast_in_dim3A : vector<2000x1xf32> to vector<2000x2xf32>
    %sub3A_30 = arith.subf %add3A_28, %sub3A : vector<2000x2xf32>
    %exp3A = math.exp %sub3A_30 : vector<2000x2xf32>
    %reduce_sum3A = arith.constant dense<0.000000e+00> : vector<2000xf32>
    %reduce_sum3A_31 = vector.multi_reduction <add>, %exp3A, %reduce_sum3A [1] : vector<2000x2xf32> to vector<2000xf32>
    %broadcast_in_dim3A_32 = vector.shape_cast %reduce_sum3A_31 : vector<2000xf32> to vector<2000x1xf32>
    %log3A = math.log %broadcast_in_dim3A_32 : vector<2000x1xf32>
    %add3A_33 = arith.addf %broadcast_in_dim3A, %log3A : vector<2000x1xf32>
    %sub3A_34 = vector.broadcast %add3A_33 : vector<2000x1xf32> to vector<2000x2xf32>
    %sub3A_35 = arith.subf %add3A_28, %sub3A_34 : vector<2000x2xf32>
    %swap3A = arith.constant 0 : index
    %swap3A_36 = arith.constant 0 : index
    %swap3A_37 = vector.load %arg5[%swap3A, %swap3A_36] : memref<2000x2xf32, #tpu.memory_space<vmem>>, vector<2000x2xf32>
    tpu.vector_store %arg5[%swap3A, %swap3A_36], %sub3A_35 {strides = array<i32>} : memref<2000x2xf32, #tpu.memory_space<vmem>>, vector<2000x2xf32>,
    return
  }
  func.func @transform_0(%arg0: i32) -> (i32, i32, i32) {
    %c0_i32 = arith.constant 0 : i32
    %c0_i32_0 = arith.constant 0 : i32
    %c0_i32_1 = arith.constant 0 : i32
    return %c0_i32, %arg0, %c0_i32_0 : i32, i32, i32
  }
  func.func @transform_1(%arg0: i32) -> (i32, i32) {
    %c0_i32 = arith.constant 0 : i32
    %c0_i32_0 = arith.constant 0 : i32
    return %arg0, %c0_i32 : i32, i32
  }
  func.func @transform_2(%arg0: i32) -> (i32, i32) {
    %c0_i32 = arith.constant 0 : i32
    %c0_i32_0 = arith.constant 0 : i32
    return %arg0, %c0_i32 : i32, i32
  }
  func.func @transform_3(%arg0: i32) -> (i32, i32) {
    %c0_i32 = arith.constant 0 : i32
    %c0_i32_0 = arith.constant 0 : i32
    %c0_i32_1 = arith.constant 0 : i32
    return %c0_i32, %c0_i32_0 : i32, i32
  }
  func.func @transform_4(%arg0: i32) -> (i32, i32) {
    %c0_i32 = arith.constant 0 : i32
    %c0_i32_0 = arith.constant 0 : i32
    return %arg0, %c0_i32 : i32, i32
  }
}

</mosaic_0001>

<sc_bundles>
// kernel: kernel.11.cloned.1.call-start
scs
__scs_entry_jumppad:
0x0: {  	(pc) =	sbr.rel $0x88, $3  }
0x1: {  	(tag) =	ssettag $0x0;
	lr =	simm.s32 $0x1  }
0x2: {  	[smem:$0x3F9B] =	sst lr;
	_ =	strace $0xD0000000  }
0x3: {  	_ = 	snop  }
0x4: {  	_ = 	snop  }
0x5: {  	_ = 	snop  }
0x6: {  	_ = 	snop  }
0x7: {  	_ = 	snop  }
__scs_overlays_trampoline_lowered:
0x8: {  	[smem:$0x3FAA] =	sst s0  }
0x9: {  	[smem:$0x3FAB] =	sst s1  }
0xa: {  	[smem:$0x3FAC] =	sst s2  }
0xb: {  	[smem:$0x3FAD] =	sst s3  }
0xc: {  	[smem:$0x3FAE] =	sst s4  }
0xd: {  	[smem:$0x3FAF] =	sst s5  }
0xe: {  	[smem:$0x3FB0] =	sst s6  }
0xf: {  	[smem:$0x3FB1] =	sst s7  }
0x10: {  	[smem:$0x3FB2] =	sst s8  }
0x11: {  	[smem:$0x3FB3] =	sst s9;
	s0 =	simm.s32 @!p0 $0x0  }
0x12: {  	s1 =	sld [smem:$0x3F99];
	s0 =	simm.s32 @p0 $0x1  }
0x13: {  	[smem:$0x3FB4] =	sst s0;
	s0 =	simm.s32 @!p1 $0x0  }
0x14: {  	s2 =	sld [smem:$0x3F98];
	s0 =	simm.s32 @p1 $0x1  }
0x15: {  	[smem:$0x3FB5] =	sst s0;
	s0 =	simm.s32 @!p2 $0x0  }
0x16: {  	s3 =	sld [smem:$0x3FDB];
	s0 =	simm.s32 @p2 $0x1  }
0x17: {  	s4 =	simm.s32 $0x1BF5;
	[smem:$0x3FB7] =	sst s0  }
0x18: {  	s0 =	sld [smem:$0x3F9A];
	_ =	swait.ge [sflag:s4], $0x0  }
0x19: {  	s7 =	sld [smem:$0x3F9B]  }
0x1a: {  	s8 =	sadd.s32 $0xFFFFE003, lr  }
0x1b: {  	s9 =	sadd.s32 $0xFFFFFEF7, lr;
	s5 =	simm.s32 $0xFFFFFFFF;
	p2 =	slt.u32 s8, $0xFFFFF086  }
0x1c: {  	p1 =	slt.u32 s9, $0xF7A;
	s5 =	simm.s32 @!p2 $0x0  }
0x1d: {  	s5 =	simm.s32 @p1 $0x1;
	p0 =	seq.s32 s7, s2  }
0x1e: {  	s7 =	smul.u32 @!p0 $0xF7A, s2;
	p2 =	seq.s32 @!p0 s5, $0x0  }
0x1f: {  	s9 =	smul.u32 $0xF7A, s1;
	s8 =	simm.s32 @!p0 $0x1BF5;
	p2 =	por !p2, p0  }
0x20: {  	[sflag:s8] =	ssyncset.s32 @!p0 $0xFFFFF086;
	s6 =	sadd.s32 @!p0 s3, s7;
	s7 =	simm.s32 @!p0 $0x108  }
0x21: {  	s3 =	sadd.s32 s3, s9;
	s6 =	sadd.s32 @!p0 $0x88, s6;
	s7 =	simm.s32 @p2 $0x1082  }
0x22: {  	[simem:s7], [sflag:s8] =	dma.local @!p0 [hbm:s6], $0xF7A  }
0x23: {  	s9 =	sor.u32 $0xD0000000, s2;
	s6 =	simm.s32 $0x108;
	_ =	swait.ge @!p0 [sflag:s8], $0x0  }
0x24: {  	s3 =	sadd.s32 $0x88, s3;
	s6 =	simm.s32 @!p1 $0x1082;
	[sflag:s4] =	ssyncset.s32 $0xFFFFF086  }
0x25: {  	[simem:s6], [sflag:s4] =	dma.local [hbm:s3], $0xF7A  }
0x26: {  	[smem:$0x3F9B] =	sst s1;
	(tag) =	ssettag s2;
	_ =	strace s9  }
0x27: {  	s1 =	sld [smem:$0x3FAB]  }
0x28: {  	s2 =	sld [smem:$0x3FAC]  }
0x29: {  	s4 =	sld [smem:$0x3FAE]  }
0x2a: {  	p0 =	seq.s32 s5, $0x0;
	s5 =	sld [smem:$0x3FAF]  }
0x2b: {  	s6 =	sld [smem:$0x3FB0]  }
0x2c: {  	s7 =	sld [smem:$0x3FB1]  }
0x2d: {  	s3 =	simm.s32 $0x108;
	s8 =	sld [smem:$0x3FB2]  }
0x2e: {  	s3 =	simm.s32 @!p0 $0x1082;
	s9 =	sld [smem:$0x3FB3]  }
0x2f: {  	lr =	sadd.s32 s0, s3;
	s0 =	sld [smem:$0x3FAA]  }
0x30: {  	s3 =	sld [smem:$0x3FAD]  }
0x31: {  	[smem:$0x3FB6] =	sst s10  }
0x32: {  	s10 =	sld [smem:$0x3FB4];
	_ =	sdelay $0x3  }
0x33: {  	p0 =	seq.s32 s10, $0x1;
	s10 =	sld [smem:$0x3FB6];
	_ =	sdelay $0x3  }
0x34: {  	[smem:$0x3FB6] =	sst s10  }
0x35: {  	s10 =	sld [smem:$0x3FB5];
	_ =	sdelay $0x3  }
0x36: {  	p1 =	seq.s32 s10, $0x1;
	s10 =	sld [smem:$0x3FB6];
	_ =	sdelay $0x3  }
0x37: {  	[smem:$0x3FB6] =	sst s10  }
0x38: {  	s10 =	sld [smem:$0x3FB7]  }
0x39: {  	_ = 	snop;
	(pc) =	sbr.ind lr, $3  }
0x3a: {  	_ = 	snop  }
0x3b: {  	_ = 	snop  }
0x3c: {  	p2 =	seq.s32 s10, $0x1;
	s10 =	sld [smem:$0x3FB6]  }
0x3d: {  	_ =	shalt  }
0x3e: {  	_ =	shalt  }
0x3f: {  	_ =	shalt  }
0x40: {  	_ =	shalt  }
0x41: {  	_ =	shalt  }
0x42: {  	_ =	shalt  }
0x43: {  	_ =	shalt  }
0x44: {  	_ =	shalt  }
0x45: {  	_ =	shalt  }
0x46: {  	_ =	shalt  }
0x47: {  	_ =	shalt  }
0x48: {  	_ =	shalt  }
0x49: {  	_ =	shalt  }
0x4a: {  	_ =	shalt  }
0x4b: {  	_ =	shalt  }
0x4c: {  	_ =	shalt  }
0x4d: {  	_ =	shalt  }
0x4e: {  	_ =	shalt  }
0x4f: {  	_ =	shalt  }
0x50: {  	_ =	shalt  }
0x51: {  	_ =	shalt  }
0x52: {  	_ =	shalt  }
0x53: {  	_ =	shalt  }
0x54: {  	_ =	shalt  }
0x55: {  	_ =	shalt  }
0x56: {  	_ =	shalt  }
0x57: {  	_ =	shalt  }
0x58: {  	_ =	shalt  }
0x59: {  	_ =	shalt  }
0x5a: {  	_ =	shalt  }
0x5b: {  	_ =	shalt  }
0x5c: {  	_ =	shalt  }
0x5d: {  	_ =	shalt  }
0x5e: {  	_ =	shalt  }
0x5f: {  	_ =	shalt  }
0x60: {  	_ =	shalt  }
0x61: {  	_ =	shalt  }
0x62: {  	_ =	shalt  }
0x63: {  	_ =	shalt  }
0x64: {  	_ =	shalt  }
0x65: {  	_ =	shalt  }
0x66: {  	_ =	shalt  }
0x67: {  	_ =	shalt  }
0x68: {  	_ =	shalt  }
0x69: {  	_ =	shalt  }
0x6a: {  	_ =	shalt  }
0x6b: {  	_ =	shalt  }
0x6c: {  	_ =	shalt  }
0x6d: {  	_ =	shalt  }
0x6e: {  	_ =	shalt  }
0x6f: {  	_ =	shalt  }
0x70: {  	_ =	shalt  }
0x71: {  	_ =	shalt  }
0x72: {  	_ =	shalt  }
0x73: {  	_ =	shalt  }
0x74: {  	_ =	shalt  }
0x75: {  	_ =	shalt  }
0x76: {  	_ =	shalt  }
0x77: {  	_ =	shalt  }
0x78: {  	_ =	shalt  }
0x79: {  	_ =	shalt  }
0x7a: {  	_ =	shalt  }
0x7b: {  	_ =	shalt  }
0x7c: {  	_ =	shalt  }
0x7d: {  	_ =	shalt  }
0x7e: {  	_ =	shalt  }
0x7f: {  	_ =	shalt  }
0x80: {  	_ =	shalt  }
0x81: {  	_ =	shalt  }
0x82: {  	_ =	shalt  }
0x83: {  	_ =	shalt  }
0x84: {  	_ =	shalt  }
0x85: {  	_ =	shalt  }
0x86: {  	_ =	shalt  }
0x87: {  	_ =	shalt  }
.Lfunc_end0:
.L_simem_size_0:
called_computation.1_lowered:
.L_overlay_start_0:
0x88: {  	s2 =	sld [smem:$0x3FD9]  }
0x89: {  	s3 =	sld [smem:$0x3FFE];
	_ =	sdelay $0x1  }
0x8a: {  	s1 =	srdreg.scid  }
0x8b: {  	s0 =	sand.u32 $0x1, s1  }
0x8c: {  	s16 =	sshll.u32 s0, $0xA;
	s2 =	sadd.s32 s3, s2  }
0x8d: {  	s2 =	sadd.s32 s2, s16  }
0x8e: {  	[smem:$0x3FC2] =	sst s2  }
0x8f: {  	_ = 	snop  }
0x90: {  	(tm) =	ssettm $0x1  }
0x91: {  	s17 =	sld [smem:$0x3FFB];
	_ =	sdelay $0x3  }
0x92: {  	_ =	strace s17  }
0x93: {  	s2 =	sld [smem:$0x3FFC];
	_ =	sdelay $0x3  }
0x94: {  	_ =	strace s2  }
0x95: {  	s2 =	sld [smem:$0x3FFD];
	_ =	sdelay $0x3  }
0x96: {  	_ =	strace s2  }
0x97: {  	_ =	strace $0x8FFFFFFF  }
0x98: {  	s18 =	sld [smem:$0x3FDB];
	_ =	sdelay $0x1  }
0x99: {  	s19 =	simm.s32 $_scs_section_size  }
0x9a: {  	s4 =	simm.s32 $_size__tile_overlayer_lowered;
	s5 =	simm.s32 $_tile_overlayer_lowered  }
0x9b: {  	s22 =	simm.s32 $0x1BFF;
	s21 =	sshll.u32 s5, $0x1;
	s2 =	sadd.s32 s19, s18  }
0x9c: {  	s6 =	simm.s32 $0x0;
	s20 =	sshll.u32 s4, $0x1;
	s4 =	sadd.s32 s21, s2  }
0x9d: {  	[timem:s6], [sflag:s22] =	dma.local [hbm:s4], s20  }
0x9e: {  	_ =	swait.ge [sflag:s22], s20  }
0x9f: {  	s3 =	ssub.s32 $0x0, s20;
	[sflag:s22] =	ssyncset.done $0x0  }
0xa0: {  	[sflag:s22] =	ssyncadd.s32 s3;
	_ =	sdelay $0x1  }
0xa1: {  	s23 =	simm.s32 $0x1B8B  }
0xa2: {  	_ =	swait.ge [sflag:s23], $0x1  }
0xa3: {  	[sflag:s23] =	ssyncset.done $0x0  }
0xa4: {  	s25 =	simm.s32 $0x1B8E;
	s24 =	sld [smem:$0x3FFE];
	[sflag:s23] =	ssyncadd.s32 $0xFFFFFFFF  }
0xa5: {  	s26 =	simm.s32 $execute0_lowered;
	[smem:$0x3FD2] =	sst s25  }
0xa6: {  	s4 =	sshll.u32 s26, $0x1;
	_ =	strace $0x80000049;
	[dreg:$0x1] =	wrdreg $0xFFFFFFFF  }
0xa7: {  	s28 =	simm.s32 $_size_execute0_lowered;
	s2 =	sadd.s32 s2, s4;
	[dreg:$0x0] =	wrdreg $0x0  }
0xa8: {  	s4 =	sshll.u32 s28, $0x1;
	[dreg:$0x2] =	wrdreg s2  }
0xa9: {  	[dreg:$0x3] =	wrdreg s4  }
0xaa: {  	[dreg:$0x4] =	wrdreg $0xC0  }
0xab: {  	_ =	task [dreg:s6], $0x5FFFF  }
0xac: {  	[dreg:$0x1] =	wrdreg $0xFFFFFFFF  }
0xad: {  	[dreg:$0x0] =	wrdreg $0x60  }
0xae: {  	[dreg:$0x2] =	wrdreg s24  }
0xaf: {  	[dreg:$0x3] =	wrdreg $0x130000  }
0xb0: {  	[dreg:$0x4] =	wrdreg $0x90000  }
0xb1: {  	[dreg:$0x5] =	wrdreg $0x9  }
0xb2: {  	_ =	task.clear_ibuf [dreg:s6], $0x6FFFF;
	_ =	strace $0x90000049  }
0xb3: {  	s29 =	simm.s32 $0x9;
	_ =	strace $0x8000004B  }
0xb4: {  	_ =	swait.ge [sflag:s29], $0x1  }
0xb5: {  	[sflag:s29] =	ssyncadd.s32 $0xFFFFFFFF  }
0xb6: {  	_ =	strace $0x9000004B  }
0xb7: {  	_ =	sfence  }
0xb8: {  	s30 =	sld [smem:$0x0];
	_ =	sdelay $0x2  }
0xb9: {  	s31 =	sshll.u32 s1, $0xD;
	s1 =	sshrl.u32 s1, $0x2  }
0xba: {  	s3 =	sand.u32 $0x4000, s31;
	s1 =	sadd.s32 s1, s30  }
0xbb: {  	s0 =	sor.u32 s3, s0;
	s1 =	sshll.u32 s1, $0x11  }
0xbc: {  	s0 =	sor.u32 s1, s0  }
0xbd: {  	s0 =	sadd.s32 $0x8F2B, s0  }
0xbe: {  	[sflag:s0] =	ssyncadd.remote.s32 $0x1  }
0xbf: {  	_ =	sfence.sel $0xFFFF  }
0xc0: {  	[dreg:$0x0] =	wrdreg $0xFFFFFFFF;
	(pc) =	sbr.abs _section_cstart, $3  }
0xc1: {  	[dreg:$0x1] =	wrdreg $0xFFFFFFFF  }
0xc2: {  	_ =	task.clear_ibuf [dreg:s6], $0x2FFFF;
	_ =	strace $0x9FFFFFFF  }
0xc3: {  	(tm) =	ssettm $0x7FFFFFFF  }
tec
execute0_lowered:
.L_overlay_start_1:
0x0: {  	(tag) =	ssettag $0x1  }
0x1: {  	s0 =	rddreg [dreg:$0x0]  }
0x2: {  	s2 =	rddreg [dreg:$0x1]  }
0x3: {  	s3 =	rddreg [dreg:$0x2];
	s4 =	simm.s32 $0x0;
	s12 =	stileid.u32  }
0x4: {  	s1 =	srdreg.scid;
	s19 =	simm.s32 $0x1;
	s14 =	simm.s32 $0x80  }
0x5: {  	s15 =	simm.s32 $0x80;
	s16 =	simm.s32 $0x100;
	s17 =	simm.s32 $0x180  }
0x6: {  	s18 =	simm.s32 $0x200;
	s28 =	simm.s32 $0x7000;
	s29 =	simm.s32 $0x2  }
0x7: {  	s30 =	simm.s32 $0x0;
	[smem:$0x7FF] =	sst s4;
	s8 =	smul.u32 $0x9C40, s12  }
0x8: {  	s1 =	sand.u32 $0x1, s1;
	s9 =	smul.u32 $0xA000, s12;
	s10 =	sadd.s32 $0x1C00, s0  }
0x9: {  	_ =	strace $0x8000004A;
	s5 =	sshll.u32 s1, $0x4;
	s7 =	smul.u32 $0xA0000, s1  }
0xa: {  	s1 =	ssub.s32 $0x2, s1;
	s6 =	sshrl.u32 s8, $0x3;
	s24 =	sor.u32 s12, s5  }
0xb: {  	s22 =	sshrl.u32 s1, $0x1;
	s12 =	smul.u32 $0x28000, s12;
	s11 =	sadd.s32 s6, s0  }
0xc: {  	s5 =	smul.u32 $0x4E, s24;
	p0 =	seq.s32 s24, $0x1F;
	s20 =	smin.u32 s24, $0x4  }
0xd: {  	s7 =	sadd.s32 s9, s7;
	s1 =	ssub.s32 s1, s22;
	s9 =	sadd.s32 s9, s3  }
0xe: {  	s19 =	simm.s32 @!p0 $0x0;
	s21 =	sshrl.u32 s7, $0x3;
	s26 =	sshrl.u32 s12, $0x2  }
0xf: {  	s14 =	simm.s32 @!p0 $0x0;
	s16 =	simm.s32 @!p0 $0x80;
	s17 =	simm.s32 @!p0 $0x100  }
0x10: {  	s18 =	simm.s32 @!p0 $0x180;
	p0 =	sgt.u32 s24, $0x3;
	s5 =	sadd.s32 s20, s5  }
0x11: {  	s0 =	sadd.s32 s21, s0;
	s31 =	sadd.s32 s26, s3;
	s21 =	sshll.u32 s19, $0x7  }
0x12: {  	s20 =	smax.u32 s1, $0x1;
	s22 =	sadd.s32 $0x2880, s16;
	s26 =	simm.s32 $0x5000  }
0x13: {  	s5 =	ssub.s32 s5, s19;
	s12 =	sadd.s32 $0x6000, s31;
	s19 =	sadd.s32 $0x29000, s0  }
0x14: {  	s21 =	sadd.s32 $0x2880, s21;
	s23 =	sshll.u32 s5, $0x7;
	s5 =	simm.s32 $0x1  }
0x15: {  	s25 =	sadd.s32 $0x4E200, s23;
	s7 =	sshrl.u32 s23, $0x3;
	s23 =	simm.s32 $0x3  }
0x16: {  	s13 =	sshrl.u32 s25, $0x3;
	s6 =	sadd.s32 s10, s7;
	s25 =	sadd.s32 s8, s2  }
0x17: {  	s8 =	sadd.s32 $0x15600, s11;
	s11 =	sadd.s32 $0x4000, s31;
	s7 =	sadd.s32 s10, s13  }
0x18: {  	v0 =	vimm.s32 $0x0;
	v1 =	vimm.f32 $0.0e+00;
	s10 =	sadd.s32 $0x2000, s31;
	s13 =	sadd.s32 $0x8000, s31;
	s25 =	sshrl.u32 s25, $0x3  }
.LBB2_1:
0x19: {  	[tilespmem:s4], [sflag:$0x3] =	stream.linear.gather [hbm4b:s6+s4], $0x2780, $0x38;
	[tilespmem:$0x1CC40] =	vst v63  }
0x1a: {  	_ =	swait.ge [sflag:s23], $0x2780  }
0x1b: {  	[sflag:s23] =	ssyncset.done $0x0  }
0x1c: {  	s0 =	simm.s32 $0x2880;
	[sflag:s23] =	ssyncadd.s32 $0xFFFFD880  }
0x1d: {  	[tilespmem:s0], [sflag:$0x3] =	stream.linear.gather [hbm4b:s7+s4], $0x2780, $0x38;
	[tilespmem:$0x1CC40] =	vst v63  }
0x1e: {  	s24 =	stileid.u32;
	_ =	swait.ge [sflag:s23], $0x2780  }
0x1f: {  	s0 =	sshll.u32 s24, $0x6;
	[sflag:s23] =	ssyncset.done $0x0  }
0x20: {  	s31 =	sor.u32 $0x1C03, s0;
	[sflag:s23] =	ssyncadd.s32 $0xFFFFD880  }
0x21: {  	[spmem:s25], [sflag:s31] =	dma.local [hbm:s8], $0x1388  }
0x22: {  	_ =	swait.ge [sflag:s23], $0x1388  }
0x23: {  	[sflag:s23] =	ssyncset.done $0x0  }
0x24: {  	[sflag:s23] =	ssyncadd.s32 $0xFFFFEC78  }
0x25: {  	[tilespmem:$0x2780] =	vst v0  }
0x26: {  	[tilespmem:$0x2790] =	vst v0  }
0x27: {  	[tilespmem:$0x27A0] =	vst v0  }
0x28: {  	[tilespmem:$0x27B0] =	vst v0  }
0x29: {  	[tilespmem:$0x27C0] =	vst v0  }
0x2a: {  	[tilespmem:$0x27D0] =	vst v0  }
0x2b: {  	[tilespmem:$0x27E0] =	vst v0  }
0x2c: {  	[tilespmem:$0x27F0] =	vst v0  }
0x2d: {  	[tilespmem:$0x2800] =	vst v0  }
0x2e: {  	[tilespmem:$0x2810] =	vst v0  }
0x2f: {  	[tilespmem:$0x2820] =	vst v0  }
0x30: {  	[tilespmem:$0x2830] =	vst v0  }
0x31: {  	[tilespmem:$0x2840] =	vst v0  }
0x32: {  	[tilespmem:$0x2850] =	vst v0  }
0x33: {  	[tilespmem:$0x2860] =	vst v0  }
0x34: {  	s1 =	simm.s32 $0x100;
	s0 =	simm.s32 $0x0;
	[tilespmem:$0x2870] =	vst v0  }
.LBB2_2:
0x35: {  	p1 =	sne.s32 s1, $0x7F00;
	[tilespmem:s0+$0x5030] =	vst v1;
	s24 =	smov.u32 s1;
	s1 =	sadd.s32 $0x100, s1  }
.Ltmp0:
0x36: {  	[tilespmem:s0+$0x5020] =	vst v1;
	(pc) =	sbr.rel @p1 .LBB2_2-.Ltmp0, $3  }
0x37: {  	[tilespmem:s0+$0x5000] =	vst v1  }
0x38: {  	[tilespmem:s0+$0x5010] =	vst v1;
	_ =	sdelay $0x1  }
0x39: {  	s0 =	sshra.s32 s24, $0x2  }
0x3a: {  	[tilespmem:s0+$0x5030] =	vst v1  }
0x3b: {  	[tilespmem:s0+$0x5020] =	vst v1  }
0x3c: {  	[tilespmem:s0+$0x5000] =	vst v1  }
0x3d: {  	[tilespmem:s0+$0x5010] =	vst v1  }
0x3e: {  	[spmem:s9] =	stream.linear.scatter [tilespmem:s26], [sflag:$0x3], $0x2000, $0x38;
	[tilespmem:$0x1CC40] =	vst v63  }
0x3f: {  	_ =	swait.ge [sflag:s23], $0x2000  }
0x40: {  	[sflag:s23] =	ssyncset.done $0x0  }
0x41: {  	[sflag:s23] =	ssyncadd.s32 $0xFFFFE000  }
0x42: {  	[spmem:s10] =	stream.linear.scatter [tilespmem:s26], [sflag:$0x3], $0x2000, $0x38;
	[tilespmem:$0x1CC40] =	vst v63  }
0x43: {  	_ =	swait.ge [sflag:s23], $0x2000  }
0x44: {  	[sflag:s23] =	ssyncset.done $0x0  }
0x45: {  	[sflag:s23] =	ssyncadd.s32 $0xFFFFE000  }
0x46: {  	[spmem:s11] =	stream.linear.scatter [tilespmem:s26], [sflag:$0x3], $0x2000, $0x38;
	[tilespmem:$0x1CC40] =	vst v63  }
0x47: {  	_ =	swait.ge [sflag:s23], $0x2000  }
0x48: {  	[sflag:s23] =	ssyncset.done $0x0  }
0x49: {  	[sflag:s23] =	ssyncadd.s32 $0xFFFFE000  }
0x4a: {  	[spmem:s12] =	stream.linear.scatter [tilespmem:s26], [sflag:$0x3], $0x2000, $0x38;
	[tilespmem:$0x1CC40] =	vst v63  }
0x4b: {  	_ =	swait.ge [sflag:s23], $0x2000  }
0x4c: {  	[sflag:s23] =	ssyncset.done $0x0  }
0x4d: {  	[sflag:s23] =	ssyncadd.s32 $0xFFFFE000  }
0x4e: {  	[spmem:s13] =	stream.linear.scatter [tilespmem:s26], [sflag:$0x3], $0x2000, $0x38;
	[tilespmem:$0x1CC40] =	vst v63  }
0x4f: {  	_ =	swait.ge [sflag:s23], $0x2000  }
0x50: {  	[sflag:s23] =	ssyncset.done $0x0  }
0x51: {  	[sflag:s23] =	ssyncadd.s32 $0xFFFFE000  }
0x52: {  	[bflag:$0x0] =	sbarrier.arrive $0xFFFF  }
0x53: {  	[tilespmem:s26], [sflag:$0x1] =	stream.indirect.gather [spmem:s2], $0x40, s14, s15, $0xb8;
	[tilespmem:$0x1CC40] =	vst v63  }
0x54: {  	_ = 	snop  }
0x55: {  	[tilespmem:s28], [sflag:$0x2] =	stream.indirect.gather [spmem:s2], $0x40, s16, s15, $0xb8;
	[tilespmem:$0x1CC40] =	vst v63  }
0x56: {  	_ =	swait.ge [sflag:s5], $0x2000  }
0x57: {  	[sflag:s5] =	ssyncset.done $0x0  }
0x58: {  	s24 =	sadd.s32 $0x0, s21;
	[sflag:s5] =	ssyncadd.s32 $0xFFFFE000  }
0x59: {  	[spmem:s3] =	stream.indirect.scatter.add.f32 [tilespmem:s26], [sflag:$0x3], $0x40, s24, s15, $0xb8;
	[tilespmem:$0x1CC40] =	vst v63  }
0x5a: {  	_ =	swait.ge [sflag:s23], $0x2000  }
0x5b: {  	[sflag:s23] =	ssyncset.done $0x0  }
0x5c: {  	s1 =	sadd.s32 $0x0, s17;
	[sflag:s23] =	ssyncadd.s32 $0xFFFFE000  }
0x5d: {  	[tilespmem:s26], [sflag:$0x1] =	stream.indirect.gather [spmem:s2], $0x40, s1, s15, $0xb8;
	[tilespmem:$0x1CC40] =	vst v63  }
0x5e: {  	_ =	swait.ge [sflag:s29], $0x2000  }
0x5f: {  	[sflag:s29] =	ssyncset.done $0x0  }
0x60: {  	s24 =	sadd.s32 $0x0, s22;
	[sflag:s29] =	ssyncadd.s32 $0xFFFFE000  }
0x61: {  	[spmem:s3] =	stream.indirect.scatter.add.f32 [tilespmem:s28], [sflag:$0x3], $0x40, s24, s15, $0xb8;
	[tilespmem:$0x1CC40] =	vst v63  }
0x62: {  	_ =	swait.ge [sflag:s23], $0x2000  }
0x63: {  	[sflag:s23] =	ssyncset.done $0x0  }
0x64: {  	s0 =	simm.s32 $0x400;
	s1 =	sadd.s32 $0x0, s18;
	[sflag:s23] =	ssyncadd.s32 $0xFFFFE000  }
.LBB2_4:
0x65: {  	[tilespmem:s28], [sflag:$0x2] =	stream.indirect.gather [spmem:s2], $0x40, s1, s15, $0xb8;
	[tilespmem:$0x1CC40] =	vst v63  }
0x66: {  	s1 =	smov.u32 s0  }
0x67: {  	p1 =	sne.s32 s0, $0x9800;
	s0 =	sadd.s32 $0x400, s0;
	_ =	swait.ge [sflag:s5], $0x2000  }
0x68: {  	s1 =	sshra.s32 s1, $0x2;
	[sflag:s5] =	ssyncset.done $0x0  }
0x69: {  	s24 =	sadd.s32 s1, s21;
	[sflag:s5] =	ssyncadd.s32 $0xFFFFE000  }
0x6a: {  	[spmem:s3] =	stream.indirect.scatter.add.f32 [tilespmem:s26], [sflag:$0x3], $0x40, s24, s15, $0xb8;
	[tilespmem:$0x1CC40] =	vst v63  }
0x6b: {  	_ =	swait.ge [sflag:s23], $0x2000  }
0x6c: {  	[sflag:s23] =	ssyncset.done $0x0  }
0x6d: {  	s24 =	sadd.s32 s1, s17;
	[sflag:s23] =	ssyncadd.s32 $0xFFFFE000  }
0x6e: {  	[tilespmem:s26], [sflag:$0x1] =	stream.indirect.gather [spmem:s2], $0x40, s24, s15, $0xb8;
	[tilespmem:$0x1CC40] =	vst v63  }
0x6f: {  	_ =	swait.ge [sflag:s29], $0x2000  }
0x70: {  	[sflag:s29] =	ssyncset.done $0x0  }
.Ltmp1:
0x71: {  	s24 =	sadd.s32 s1, s22;
	[sflag:s29] =	ssyncadd.s32 $0xFFFFE000;
	(pc) =	sbr.rel @p1 .LBB2_4-.Ltmp1, $4  }
0x72: {  	[spmem:s3] =	stream.indirect.scatter.add.f32 [tilespmem:s28], [sflag:$0x3], $0x40, s24, s15, $0xb8;
	[tilespmem:$0x1CC40] =	vst v63  }
0x73: {  	_ =	swait.ge [sflag:s23], $0x2000  }
0x74: {  	[sflag:s23] =	ssyncset.done $0x0  }
0x75: {  	s1 =	sadd.s32 s1, s18;
	[sflag:s23] =	ssyncadd.s32 $0xFFFFE000  }
0x76: {  	[tilespmem:s28], [sflag:$0x2] =	stream.indirect.gather [spmem:s2], $0x40, s1, s15, $0xb8;
	[tilespmem:$0x1CC40] =	vst v63  }
0x77: {  	_ =	swait.ge [sflag:s5], $0x2000  }
0x78: {  	[sflag:s5] =	ssyncset.done $0x0  }
0x79: {  	[sflag:s5] =	ssyncadd.s32 $0xFFFFE000  }
0x7a: {  	_ =	swait.ge [sflag:s29], $0x2000  }
0x7b: {  	s0 =	simm.s32 @!p0 $0x80;
	[sflag:s29] =	ssyncset.done $0x0  }
0x7c: {  	s1 =	simm.s32 @!p0 $0x2700;
	s24 =	simm.s32 @!p0 $0x5000;
	[sflag:s29] =	ssyncadd.s32 $0xFFFFE000  }
0x7d: {  	[tilespmem:s24], [sflag:$0x1] =	stream.indirect.gather @!p0 [spmem:s2], $0x40, s1, s0, $0xb8;
	[tilespmem:$0x1CC40] =	vst v63  }
0x7e: {  	s1 =	simm.s32 @!p0 $0x1  }
0x7f: {  	_ =	swait.ge @!p0 [sflag:s1], $0x2000  }
0x80: {  	[sflag:s1] =	ssyncset.done @!p0 $0x0  }
0x81: {  	[sflag:s1] =	ssyncadd.s32 @!p0 $0xFFFFE000;
	s1 =	simm.s32 @!p0 $0x4F80  }
0x82: {  	[spmem:s3] =	stream.indirect.scatter.add.f32 @!p0 [tilespmem:s24], [sflag:$0x3], $0x40, s1, s0, $0xb8;
	[tilespmem:$0x1CC40] =	vst v63  }
0x83: {  	s0 =	simm.s32 @!p0 $0x3  }
0x84: {  	_ =	swait.ge @!p0 [sflag:s0], $0x2000  }
0x85: {  	s30 =	sadd.s32 $0x1, s30;
	[sflag:s0] =	ssyncset.done @!p0 $0x0  }
0x86: {  	p1 =	sne.s32 s30, s20;
	[sflag:s0] =	ssyncadd.s32 @!p0 $0xFFFFE000  }
.Ltmp2:
0x87: {  	s24 =	sshrl.u32 s9, $0x3;
	[bflag:$0x0] =	sbarrier.arrive $0xFFFF;
	(pc) =	sbr.rel @p1 .LBB2_1-.Ltmp2, $4  }
0x88: {  	[hbm:s19], [sflag:s31] =	dma.local [spmem:s24], $0x1400  }
0x89: {  	_ =	swait.ge [sflag:s23], $0x1400  }
0x8a: {  	[sflag:s23] =	ssyncset.done $0x0  }
0x8b: {  	[sflag:s23] =	ssyncadd.s32 $0xFFFFEC00  }
0x8c: {  	_ =	sfence.sel $0x180000  }
0x8d: {  	[bflag:$0x0] =	sbarrier.arrive $0xFFFF  }
0x8e: {  	_ =	strace $0x9000004A  }
0x8f: {  	s0 =	stileid.u32;
	[bflag:$0x2] =	sbarrier.arrive $0xFFFF  }
0x90: {  	p0 =	sne.s32 s0, $0x0;
	s0 =	rddreg [dreg:$0x3]  }
0x91: {  	s0 =	sadd.s32 @!p0 $0x100000, s0  }
0x92: {  	[sflag:s0] =	ssyncadd.tile.s32 @!p0 $0x1;
	_ =	shalt  }
.Lfunc_end2:
_tile_overlayer_lowered:
.L_overlay_start_2:
0x93: {  	(tag) =	ssettag $0x2  }
0x94: {  	s0 =	rddreg [dreg:$0x0];
	s2 =	stileid.u32  }
0x95: {  	s1 =	rddreg [dreg:$0x1];
	p0 =	sne.s32 s2, $0x0  }
0x96: {  	s3 =	rddreg [dreg:$0x2];
	[bflag:$0x3] =	sbarrier.arrive $0xFFFF;
	s2 =	simm.s32 @!p0 $0x1C03  }
0x97: {  	[timem:s3], [sflag:s2] =	dma.local @!p0 [hbm:s0], s1  }
0x98: {  	s0 =	simm.s32 @!p0 $0x3  }
0x99: {  	_ =	swait.ge @!p0 [sflag:s0], s1  }
0x9a: {  	s1 =	ssub.s32 @!p0 $0x0, s1;
	[sflag:s0] =	ssyncset.done @!p0 $0x0  }
0x9b: {  	[sflag:s0] =	ssyncadd.s32 @!p0 s1  }
0x9c: {  	[bflag:$0x3] =	sbarrier.arrive $0xFFFF  }
0x9d: {  	_ =	shalt  }

// kernel: kernel.14.cloned.1.call-start
scs
__scs_entry_jumppad:
0x0: {  	(pc) =	sbr.rel $0x88, $3  }
0x1: {  	(tag) =	ssettag $0x0;
	lr =	simm.s32 $0x1  }
0x2: {  	[smem:$0x3F9B] =	sst lr;
	_ =	strace $0xD0000000  }
0x3: {  	_ = 	snop  }
0x4: {  	_ = 	snop  }
0x5: {  	_ = 	snop  }
0x6: {  	_ = 	snop  }
0x7: {  	_ = 	snop  }
__scs_overlays_trampoline_lowered:
0x8: {  	[smem:$0x3FAA] =	sst s0  }
0x9: {  	[smem:$0x3FAB] =	sst s1  }
0xa: {  	[smem:$0x3FAC] =	sst s2  }
0xb: {  	[smem:$0x3FAD] =	sst s3  }
0xc: {  	[smem:$0x3FAE] =	sst s4  }
0xd: {  	[smem:$0x3FAF] =	sst s5  }
0xe: {  	[smem:$0x3FB0] =	sst s6  }
0xf: {  	[smem:$0x3FB1] =	sst s7  }
0x10: {  	[smem:$0x3FB2] =	sst s8  }
0x11: {  	[smem:$0x3FB3] =	sst s9;
	s0 =	simm.s32 @!p0 $0x0  }
0x12: {  	s1 =	sld [smem:$0x3F99];
	s0 =	simm.s32 @p0 $0x1  }
0x13: {  	[smem:$0x3FB4] =	sst s0;
	s0 =	simm.s32 @!p1 $0x0  }
0x14: {  	s2 =	sld [smem:$0x3F98];
	s0 =	simm.s32 @p1 $0x1  }
0x15: {  	[smem:$0x3FB5] =	sst s0;
	s0 =	simm.s32 @!p2 $0x0  }
0x16: {  	s3 =	sld [smem:$0x3FDB];
	s0 =	simm.s32 @p2 $0x1  }
0x17: {  	s4 =	simm.s32 $0x1BF5;
	[smem:$0x3FB7] =	sst s0  }
0x18: {  	s0 =	sld [smem:$0x3F9A];
	_ =	swait.ge [sflag:s4], $0x0  }
0x19: {  	s7 =	sld [smem:$0x3F9B]  }
0x1a: {  	s8 =	sadd.s32 $0xFFFFE003, lr  }
0x1b: {  	s9 =	sadd.s32 $0xFFFFFEF7, lr;
	s5 =	simm.s32 $0xFFFFFFFF;
	p2 =	slt.u32 s8, $0xFFFFF086  }
0x1c: {  	p1 =	slt.u32 s9, $0xF7A;
	s5 =	simm.s32 @!p2 $0x0  }
0x1d: {  	s5 =	simm.s32 @p1 $0x1;
	p0 =	seq.s32 s7, s2  }
0x1e: {  	s7 =	smul.u32 @!p0 $0xF7A, s2;
	p2 =	seq.s32 @!p0 s5, $0x0  }
0x1f: {  	s9 =	smul.u32 $0xF7A, s1;
	s8 =	simm.s32 @!p0 $0x1BF5;
	p2 =	por !p2, p0  }
0x20: {  	[sflag:s8] =	ssyncset.s32 @!p0 $0xFFFFF086;
	s6 =	sadd.s32 @!p0 s3, s7;
	s7 =	simm.s32 @!p0 $0x108  }
0x21: {  	s3 =	sadd.s32 s3, s9;
	s6 =	sadd.s32 @!p0 $0x88, s6;
	s7 =	simm.s32 @p2 $0x1082  }
0x22: {  	[simem:s7], [sflag:s8] =	dma.local @!p0 [hbm:s6], $0xF7A  }
0x23: {  	s9 =	sor.u32 $0xD0000000, s2;
	s6 =	simm.s32 $0x108;
	_ =	swait.ge @!p0 [sflag:s8], $0x0  }
0x24: {  	s3 =	sadd.s32 $0x88, s3;
	s6 =	simm.s32 @!p1 $0x1082;
	[sflag:s4] =	ssyncset.s32 $0xFFFFF086  }
0x25: {  	[simem:s6], [sflag:s4] =	dma.local [hbm:s3], $0xF7A  }
0x26: {  	[smem:$0x3F9B] =	sst s1;
	(tag) =	ssettag s2;
	_ =	strace s9  }
0x27: {  	s1 =	sld [smem:$0x3FAB]  }
0x28: {  	s2 =	sld [smem:$0x3FAC]  }
0x29: {  	s4 =	sld [smem:$0x3FAE]  }
0x2a: {  	p0 =	seq.s32 s5, $0x0;
	s5 =	sld [smem:$0x3FAF]  }
0x2b: {  	s6 =	sld [smem:$0x3FB0]  }
0x2c: {  	s7 =	sld [smem:$0x3FB1]  }
0x2d: {  	s3 =	simm.s32 $0x108;
	s8 =	sld [smem:$0x3FB2]  }
0x2e: {  	s3 =	simm.s32 @!p0 $0x1082;
	s9 =	sld [smem:$0x3FB3]  }
0x2f: {  	lr =	sadd.s32 s0, s3;
	s0 =	sld [smem:$0x3FAA]  }
0x30: {  	s3 =	sld [smem:$0x3FAD]  }
0x31: {  	[smem:$0x3FB6] =	sst s10  }
0x32: {  	s10 =	sld [smem:$0x3FB4];
	_ =	sdelay $0x3  }
0x33: {  	p0 =	seq.s32 s10, $0x1;
	s10 =	sld [smem:$0x3FB6];
	_ =	sdelay $0x3  }
0x34: {  	[smem:$0x3FB6] =	sst s10  }
0x35: {  	s10 =	sld [smem:$0x3FB5];
	_ =	sdelay $0x3  }
0x36: {  	p1 =	seq.s32 s10, $0x1;
	s10 =	sld [smem:$0x3FB6];
	_ =	sdelay $0x3  }
0x37: {  	[smem:$0x3FB6] =	sst s10  }
0x38: {  	s10 =	sld [smem:$0x3FB7]  }
0x39: {  	_ = 	snop;
	(pc) =	sbr.ind lr, $3  }
0x3a: {  	_ = 	snop  }
0x3b: {  	_ = 	snop  }
0x3c: {  	p2 =	seq.s32 s10, $0x1;
	s10 =	sld [smem:$0x3FB6]  }
0x3d: {  	_ =	shalt  }
0x3e: {  	_ =	shalt  }
0x3f: {  	_ =	shalt  }
0x40: {  	_ =	shalt  }
0x41: {  	_ =	shalt  }
0x42: {  	_ =	shalt  }
0x43: {  	_ =	shalt  }
0x44: {  	_ =	shalt  }
0x45: {  	_ =	shalt  }
0x46: {  	_ =	shalt  }
0x47: {  	_ =	shalt  }
0x48: {  	_ =	shalt  }
0x49: {  	_ =	shalt  }
0x4a: {  	_ =	shalt  }
0x4b: {  	_ =	shalt  }
0x4c: {  	_ =	shalt  }
0x4d: {  	_ =	shalt  }
0x4e: {  	_ =	shalt  }
0x4f: {  	_ =	shalt  }
0x50: {  	_ =	shalt  }
0x51: {  	_ =	shalt  }
0x52: {  	_ =	shalt  }
0x53: {  	_ =	shalt  }
0x54: {  	_ =	shalt  }
0x55: {  	_ =	shalt  }
0x56: {  	_ =	shalt  }
0x57: {  	_ =	shalt  }
0x58: {  	_ =	shalt  }
0x59: {  	_ =	shalt  }
0x5a: {  	_ =	shalt  }
0x5b: {  	_ =	shalt  }
0x5c: {  	_ =	shalt  }
0x5d: {  	_ =	shalt  }
0x5e: {  	_ =	shalt  }
0x5f: {  	_ =	shalt  }
0x60: {  	_ =	shalt  }
0x61: {  	_ =	shalt  }
0x62: {  	_ =	shalt  }
0x63: {  	_ =	shalt  }
0x64: {  	_ =	shalt  }
0x65: {  	_ =	shalt  }
0x66: {  	_ =	shalt  }
0x67: {  	_ =	shalt  }
0x68: {  	_ =	shalt  }
0x69: {  	_ =	shalt  }
0x6a: {  	_ =	shalt  }
0x6b: {  	_ =	shalt  }
0x6c: {  	_ =	shalt  }
0x6d: {  	_ =	shalt  }
0x6e: {  	_ =	shalt  }
0x6f: {  	_ =	shalt  }
0x70: {  	_ =	shalt  }
0x71: {  	_ =	shalt  }
0x72: {  	_ =	shalt  }
0x73: {  	_ =	shalt  }
0x74: {  	_ =	shalt  }
0x75: {  	_ =	shalt  }
0x76: {  	_ =	shalt  }
0x77: {  	_ =	shalt  }
0x78: {  	_ =	shalt  }
0x79: {  	_ =	shalt  }
0x7a: {  	_ =	shalt  }
0x7b: {  	_ =	shalt  }
0x7c: {  	_ =	shalt  }
0x7d: {  	_ =	shalt  }
0x7e: {  	_ =	shalt  }
0x7f: {  	_ =	shalt  }
0x80: {  	_ =	shalt  }
0x81: {  	_ =	shalt  }
0x82: {  	_ =	shalt  }
0x83: {  	_ =	shalt  }
0x84: {  	_ =	shalt  }
0x85: {  	_ =	shalt  }
0x86: {  	_ =	shalt  }
0x87: {  	_ =	shalt  }
.Lfunc_end0:
.L_simem_size_0:
called_computation.2_lowered:
.L_overlay_start_0:
0x88: {  	s2 =	sld [smem:$0x3FD9]  }
0x89: {  	s3 =	sld [smem:$0x3FFE];
	_ =	sdelay $0x1  }
0x8a: {  	s1 =	srdreg.scid  }
0x8b: {  	s0 =	sand.u32 $0x1, s1  }
0x8c: {  	s16 =	sshll.u32 s0, $0xA;
	s2 =	sadd.s32 s3, s2  }
0x8d: {  	s2 =	sadd.s32 s2, s16  }
0x8e: {  	[smem:$0x3FC2] =	sst s2  }
0x8f: {  	_ = 	snop  }
0x90: {  	(tm) =	ssettm $0x1  }
0x91: {  	s17 =	sld [smem:$0x3FFB];
	_ =	sdelay $0x3  }
0x92: {  	_ =	strace s17  }
0x93: {  	s2 =	sld [smem:$0x3FFC];
	_ =	sdelay $0x3  }
0x94: {  	_ =	strace s2  }
0x95: {  	s2 =	sld [smem:$0x3FFD];
	_ =	sdelay $0x3  }
0x96: {  	_ =	strace s2  }
0x97: {  	_ =	strace $0x8FFFFFFF  }
0x98: {  	s18 =	sld [smem:$0x3FDB];
	_ =	sdelay $0x1  }
0x99: {  	s19 =	simm.s32 $_scs_section_size  }
0x9a: {  	s4 =	simm.s32 $_size__tile_overlayer_lowered;
	s5 =	simm.s32 $_tile_overlayer_lowered  }
0x9b: {  	s22 =	simm.s32 $0x1BFF;
	s21 =	sshll.u32 s5, $0x1;
	s2 =	sadd.s32 s19, s18  }
0x9c: {  	s6 =	simm.s32 $0x0;
	s20 =	sshll.u32 s4, $0x1;
	s4 =	sadd.s32 s21, s2  }
0x9d: {  	[timem:s6], [sflag:s22] =	dma.local [hbm:s4], s20  }
0x9e: {  	_ =	swait.ge [sflag:s22], s20  }
0x9f: {  	s3 =	ssub.s32 $0x0, s20;
	[sflag:s22] =	ssyncset.done $0x0  }
0xa0: {  	[sflag:s22] =	ssyncadd.s32 s3;
	_ =	sdelay $0x1  }
0xa1: {  	s23 =	simm.s32 $0x1B8B  }
0xa2: {  	_ =	swait.ge [sflag:s23], $0x1  }
0xa3: {  	[sflag:s23] =	ssyncset.done $0x0  }
0xa4: {  	s25 =	simm.s32 $0x1B8E;
	s24 =	sld [smem:$0x3FFE];
	[sflag:s23] =	ssyncadd.s32 $0xFFFFFFFF  }
0xa5: {  	s26 =	simm.s32 $execute0_lowered;
	[smem:$0x3FD2] =	sst s25  }
0xa6: {  	s4 =	sshll.u32 s26, $0x1;
	_ =	strace $0x8000004C;
	[dreg:$0x1] =	wrdreg $0xFFFFFFFF  }
0xa7: {  	s28 =	simm.s32 $_size_execute0_lowered;
	s2 =	sadd.s32 s2, s4;
	[dreg:$0x0] =	wrdreg $0x0  }
0xa8: {  	s4 =	sshll.u32 s28, $0x1;
	[dreg:$0x2] =	wrdreg s2  }
0xa9: {  	[dreg:$0x3] =	wrdreg s4  }
0xaa: {  	[dreg:$0x4] =	wrdreg $0xC0  }
0xab: {  	_ =	task [dreg:s6], $0x5FFFF  }
0xac: {  	[dreg:$0x1] =	wrdreg $0xFFFFFFFF  }
0xad: {  	[dreg:$0x0] =	wrdreg $0x60  }
0xae: {  	[dreg:$0x2] =	wrdreg s24  }
0xaf: {  	[dreg:$0x3] =	wrdreg $0x88000  }
0xb0: {  	[dreg:$0x4] =	wrdreg $0x60000  }
0xb1: {  	[dreg:$0x5] =	wrdreg $0x9  }
0xb2: {  	_ =	task.clear_ibuf [dreg:s6], $0x6FFFF;
	_ =	strace $0x9000004C  }
0xb3: {  	s29 =	simm.s32 $0x9;
	_ =	strace $0x8000004E  }
0xb4: {  	_ =	swait.ge [sflag:s29], $0x1  }
0xb5: {  	[sflag:s29] =	ssyncadd.s32 $0xFFFFFFFF  }
0xb6: {  	_ =	strace $0x9000004E  }
0xb7: {  	_ =	sfence  }
0xb8: {  	s30 =	sld [smem:$0x0];
	_ =	sdelay $0x2  }
0xb9: {  	s31 =	sshll.u32 s1, $0xD;
	s1 =	sshrl.u32 s1, $0x2  }
0xba: {  	s3 =	sand.u32 $0x4000, s31;
	s1 =	sadd.s32 s1, s30  }
0xbb: {  	s0 =	sor.u32 s3, s0;
	s1 =	sshll.u32 s1, $0x11  }
0xbc: {  	s0 =	sor.u32 s1, s0  }
0xbd: {  	s0 =	sadd.s32 $0x8F2B, s0  }
0xbe: {  	[sflag:s0] =	ssyncadd.remote.s32 $0x1  }
0xbf: {  	_ =	sfence.sel $0xFFFF  }
0xc0: {  	[dreg:$0x0] =	wrdreg $0xFFFFFFFF;
	(pc) =	sbr.abs _section_cstart, $3  }
0xc1: {  	[dreg:$0x1] =	wrdreg $0xFFFFFFFF  }
0xc2: {  	_ =	task.clear_ibuf [dreg:s6], $0x2FFFF;
	_ =	strace $0x9FFFFFFF  }
0xc3: {  	(tm) =	ssettm $0x7FFFFFFF  }
tec
execute0_lowered:
.L_overlay_start_1:
0x0: {  	(tag) =	ssettag $0x1  }
0x1: {  	s0 =	rddreg [dreg:$0x0]  }
0x2: {  	s2 =	rddreg [dreg:$0x1]  }
0x3: {  	s3 =	rddreg [dreg:$0x2];
	s4 =	simm.s32 $0x0;
	s12 =	stileid.u32  }
0x4: {  	s1 =	srdreg.scid;
	s19 =	simm.s32 $0x1;
	s14 =	simm.s32 $0x80  }
0x5: {  	s15 =	simm.s32 $0x80;
	s16 =	simm.s32 $0x100;
	s17 =	simm.s32 $0x180  }
0x6: {  	s18 =	simm.s32 $0x200;
	s28 =	simm.s32 $0x5800;
	s29 =	simm.s32 $0x2  }
0x7: {  	s30 =	simm.s32 $0x0;
	[smem:$0x7FF] =	sst s4;
	s8 =	smul.u32 $0x2710, s12  }
0x8: {  	s1 =	sand.u32 $0x1, s1;
	s9 =	smul.u32 $0x2800, s12;
	s10 =	sadd.s32 $0x1C00, s0  }
0x9: {  	_ =	strace $0x8000004D;
	s5 =	sshll.u32 s1, $0x4;
	s7 =	smul.u32 $0x28000, s1  }
0xa: {  	s1 =	ssub.s32 $0x2, s1;
	s6 =	sshrl.u32 s8, $0x3;
	s24 =	sor.u32 s12, s5  }
0xb: {  	s22 =	sshrl.u32 s1, $0x1;
	s12 =	smul.u32 $0xA000, s12;
	s11 =	sadd.s32 s6, s0  }
0xc: {  	s5 =	smul.u32 $0x4E, s24;
	p0 =	seq.s32 s24, $0x1F;
	s20 =	smin.u32 s24, $0x4  }
0xd: {  	s7 =	sadd.s32 s9, s7;
	s1 =	ssub.s32 s1, s22;
	s9 =	sadd.s32 s9, s3  }
0xe: {  	s19 =	simm.s32 @!p0 $0x0;
	s21 =	sshrl.u32 s7, $0x3;
	s26 =	sshrl.u32 s12, $0x2  }
0xf: {  	s14 =	simm.s32 @!p0 $0x0;
	s16 =	simm.s32 @!p0 $0x80;
	s17 =	simm.s32 @!p0 $0x100  }
0x10: {  	s18 =	simm.s32 @!p0 $0x180;
	p0 =	sgt.u32 s24, $0x3;
	s5 =	sadd.s32 s20, s5  }
0x11: {  	s0 =	sadd.s32 s21, s0;
	s31 =	sadd.s32 s26, s3;
	s21 =	sshll.u32 s19, $0x7  }
0x12: {  	s20 =	smax.u32 s1, $0x1;
	s22 =	sadd.s32 $0x2880, s16;
	s26 =	simm.s32 $0x5000  }
0x13: {  	s5 =	ssub.s32 s5, s19;
	s12 =	sadd.s32 $0x1800, s31;
	s19 =	sadd.s32 $0x1A600, s0  }
0x14: {  	s21 =	sadd.s32 $0x2880, s21;
	s23 =	sshll.u32 s5, $0x7;
	s5 =	simm.s32 $0x1  }
0x15: {  	s25 =	sadd.s32 $0x4E200, s23;
	s7 =	sshrl.u32 s23, $0x3;
	s23 =	simm.s32 $0x3  }
0x16: {  	s13 =	sshrl.u32 s25, $0x3;
	s6 =	sadd.s32 s10, s7;
	s25 =	sadd.s32 s8, s2  }
0x17: {  	s8 =	sadd.s32 $0x15600, s11;
	s11 =	sadd.s32 $0x1000, s31;
	s7 =	sadd.s32 s10, s13  }
0x18: {  	v0 =	vimm.s32 $0x0;
	v1 =	vimm.f32 $0.0e+00;
	s10 =	sadd.s32 $0x800, s31;
	s13 =	sadd.s32 $0x2000, s31;
	s25 =	sshrl.u32 s25, $0x3  }
.LBB2_1:
0x19: {  	[tilespmem:s4], [sflag:$0x3] =	stream.linear.gather [hbm4b:s6+s4], $0x2780, $0x38;
	[tilespmem:$0xAF10] =	vst v63  }
0x1a: {  	_ =	swait.ge [sflag:s23], $0x2780  }
0x1b: {  	[sflag:s23] =	ssyncset.done $0x0  }
0x1c: {  	s0 =	simm.s32 $0x2880;
	[sflag:s23] =	ssyncadd.s32 $0xFFFFD880  }
0x1d: {  	[tilespmem:s0], [sflag:$0x3] =	stream.linear.gather [hbm4b:s7+s4], $0x2780, $0x38;
	[tilespmem:$0xAF10] =	vst v63  }
0x1e: {  	s24 =	stileid.u32;
	_ =	swait.ge [sflag:s23], $0x2780  }
0x1f: {  	s0 =	sshll.u32 s24, $0x6;
	[sflag:s23] =	ssyncset.done $0x0  }
0x20: {  	s31 =	sor.u32 $0x1C03, s0;
	[sflag:s23] =	ssyncadd.s32 $0xFFFFD880  }
0x21: {  	[spmem:s25], [sflag:s31] =	dma.local [hbm:s8], $0x4E2  }
0x22: {  	_ =	swait.ge [sflag:s23], $0x4E2  }
0x23: {  	[sflag:s23] =	ssyncset.done $0x0  }
0x24: {  	[sflag:s23] =	ssyncadd.s32 $0xFFFFFB1E  }
0x25: {  	[tilespmem:$0x2780] =	vst v0  }
0x26: {  	[tilespmem:$0x2790] =	vst v0  }
0x27: {  	[tilespmem:$0x27A0] =	vst v0  }
0x28: {  	[tilespmem:$0x27B0] =	vst v0  }
0x29: {  	[tilespmem:$0x27C0] =	vst v0  }
0x2a: {  	[tilespmem:$0x27D0] =	vst v0  }
0x2b: {  	[tilespmem:$0x27E0] =	vst v0  }
0x2c: {  	[tilespmem:$0x27F0] =	vst v0  }
0x2d: {  	[tilespmem:$0x2800] =	vst v0  }
0x2e: {  	[tilespmem:$0x2810] =	vst v0  }
0x2f: {  	[tilespmem:$0x2820] =	vst v0  }
0x30: {  	[tilespmem:$0x2830] =	vst v0  }
0x31: {  	[tilespmem:$0x2840] =	vst v0  }
0x32: {  	[tilespmem:$0x2850] =	vst v0  }
0x33: {  	[tilespmem:$0x2860] =	vst v0  }
0x34: {  	s1 =	simm.s32 $0x0;
	s0 =	simm.s32 $0x40;
	[tilespmem:$0x2870] =	vst v0  }
.LBB2_2:
0x35: {  	p1 =	sne.s32 s0, $0x1FC0;
	[tilespmem:s1+$0x5000] =	vst v1;
	s1 =	smov.u32 s0;
	s0 =	sadd.s32 $0x40, s0  }
.Ltmp0:
0x36: {  	(pc) =	sbr.rel @p1 .LBB2_2-.Ltmp0, $2  }
0x37: {  	_ =	sdelay $0x2  }
0x38: {  	s1 =	sshra.s32 s1, $0x2  }
0x39: {  	[tilespmem:s1+$0x5000] =	vst v1  }
0x3a: {  	[spmem:s9] =	stream.linear.scatter [tilespmem:s26], [sflag:$0x3], $0x800, $0x38;
	[tilespmem:$0xAF10] =	vst v63  }
0x3b: {  	_ =	swait.ge [sflag:s23], $0x800  }
0x3c: {  	[sflag:s23] =	ssyncset.done $0x0  }
0x3d: {  	[sflag:s23] =	ssyncadd.s32 $0xFFFFF800  }
0x3e: {  	[spmem:s10] =	stream.linear.scatter [tilespmem:s26], [sflag:$0x3], $0x800, $0x38;
	[tilespmem:$0xAF10] =	vst v63  }
0x3f: {  	_ =	swait.ge [sflag:s23], $0x800  }
0x40: {  	[sflag:s23] =	ssyncset.done $0x0  }
0x41: {  	[sflag:s23] =	ssyncadd.s32 $0xFFFFF800  }
0x42: {  	[spmem:s11] =	stream.linear.scatter [tilespmem:s26], [sflag:$0x3], $0x800, $0x38;
	[tilespmem:$0xAF10] =	vst v63  }
0x43: {  	_ =	swait.ge [sflag:s23], $0x800  }
0x44: {  	[sflag:s23] =	ssyncset.done $0x0  }
0x45: {  	[sflag:s23] =	ssyncadd.s32 $0xFFFFF800  }
0x46: {  	[spmem:s12] =	stream.linear.scatter [tilespmem:s26], [sflag:$0x3], $0x800, $0x38;
	[tilespmem:$0xAF10] =	vst v63  }
0x47: {  	_ =	swait.ge [sflag:s23], $0x800  }
0x48: {  	[sflag:s23] =	ssyncset.done $0x0  }
0x49: {  	[sflag:s23] =	ssyncadd.s32 $0xFFFFF800  }
0x4a: {  	[spmem:s13] =	stream.linear.scatter [tilespmem:s26], [sflag:$0x3], $0x800, $0x38;
	[tilespmem:$0xAF10] =	vst v63  }
0x4b: {  	_ =	swait.ge [sflag:s23], $0x800  }
0x4c: {  	[sflag:s23] =	ssyncset.done $0x0  }
0x4d: {  	[sflag:s23] =	ssyncadd.s32 $0xFFFFF800  }
0x4e: {  	[bflag:$0x0] =	sbarrier.arrive $0xFFFF  }
0x4f: {  	[tilespmem:s26], [sflag:$0x1] =	stream.indirect.gather [spmem:s2], $0x10, s14, s15, $0xb8;
	[tilespmem:$0xAF10] =	vst v63  }
0x50: {  	_ = 	snop  }
0x51: {  	[tilespmem:s28], [sflag:$0x2] =	stream.indirect.gather [spmem:s2], $0x10, s16, s15, $0xb8;
	[tilespmem:$0xAF10] =	vst v63  }
0x52: {  	_ =	swait.ge [sflag:s5], $0x800  }
0x53: {  	[sflag:s5] =	ssyncset.done $0x0  }
0x54: {  	s0 =	sadd.s32 $0x0, s21;
	[sflag:s5] =	ssyncadd.s32 $0xFFFFF800  }
0x55: {  	[spmem:s3] =	stream.indirect.scatter.add.f32 [tilespmem:s26], [sflag:$0x3], $0x10, s0, s15, $0xb8;
	[tilespmem:$0xAF10] =	vst v63  }
0x56: {  	_ =	swait.ge [sflag:s23], $0x800  }
0x57: {  	[sflag:s23] =	ssyncset.done $0x0  }
0x58: {  	s1 =	sadd.s32 $0x0, s17;
	[sflag:s23] =	ssyncadd.s32 $0xFFFFF800  }
0x59: {  	[tilespmem:s26], [sflag:$0x1] =	stream.indirect.gather [spmem:s2], $0x10, s1, s15, $0xb8;
	[tilespmem:$0xAF10] =	vst v63  }
0x5a: {  	_ =	swait.ge [sflag:s29], $0x800  }
0x5b: {  	[sflag:s29] =	ssyncset.done $0x0  }
0x5c: {  	s24 =	sadd.s32 $0x0, s22;
	[sflag:s29] =	ssyncadd.s32 $0xFFFFF800  }
0x5d: {  	[spmem:s3] =	stream.indirect.scatter.add.f32 [tilespmem:s28], [sflag:$0x3], $0x10, s24, s15, $0xb8;
	[tilespmem:$0xAF10] =	vst v63  }
0x5e: {  	_ =	swait.ge [sflag:s23], $0x800  }
0x5f: {  	[sflag:s23] =	ssyncset.done $0x0  }
0x60: {  	s0 =	simm.s32 $0x400;
	s1 =	sadd.s32 $0x0, s18;
	[sflag:s23] =	ssyncadd.s32 $0xFFFFF800  }
.LBB2_4:
0x61: {  	[tilespmem:s28], [sflag:$0x2] =	stream.indirect.gather [spmem:s2], $0x10, s1, s15, $0xb8;
	[tilespmem:$0xAF10] =	vst v63  }
0x62: {  	s1 =	smov.u32 s0  }
0x63: {  	p1 =	sne.s32 s0, $0x9800;
	s0 =	sadd.s32 $0x400, s0;
	_ =	swait.ge [sflag:s5], $0x800  }
0x64: {  	s1 =	sshra.s32 s1, $0x2;
	[sflag:s5] =	ssyncset.done $0x0  }
0x65: {  	s24 =	sadd.s32 s1, s21;
	[sflag:s5] =	ssyncadd.s32 $0xFFFFF800  }
0x66: {  	[spmem:s3] =	stream.indirect.scatter.add.f32 [tilespmem:s26], [sflag:$0x3], $0x10, s24, s15, $0xb8;
	[tilespmem:$0xAF10] =	vst v63  }
0x67: {  	_ =	swait.ge [sflag:s23], $0x800  }
0x68: {  	[sflag:s23] =	ssyncset.done $0x0  }
0x69: {  	s24 =	sadd.s32 s1, s17;
	[sflag:s23] =	ssyncadd.s32 $0xFFFFF800  }
0x6a: {  	[tilespmem:s26], [sflag:$0x1] =	stream.indirect.gather [spmem:s2], $0x10, s24, s15, $0xb8;
	[tilespmem:$0xAF10] =	vst v63  }
0x6b: {  	_ =	swait.ge [sflag:s29], $0x800  }
0x6c: {  	[sflag:s29] =	ssyncset.done $0x0  }
.Ltmp1:
0x6d: {  	s24 =	sadd.s32 s1, s22;
	[sflag:s29] =	ssyncadd.s32 $0xFFFFF800;
	(pc) =	sbr.rel @p1 .LBB2_4-.Ltmp1, $4  }
0x6e: {  	[spmem:s3] =	stream.indirect.scatter.add.f32 [tilespmem:s28], [sflag:$0x3], $0x10, s24, s15, $0xb8;
	[tilespmem:$0xAF10] =	vst v63  }
0x6f: {  	_ =	swait.ge [sflag:s23], $0x800  }
0x70: {  	[sflag:s23] =	ssyncset.done $0x0  }
0x71: {  	s1 =	sadd.s32 s1, s18;
	[sflag:s23] =	ssyncadd.s32 $0xFFFFF800  }
0x72: {  	[tilespmem:s28], [sflag:$0x2] =	stream.indirect.gather [spmem:s2], $0x10, s1, s15, $0xb8;
	[tilespmem:$0xAF10] =	vst v63  }
0x73: {  	_ =	swait.ge [sflag:s5], $0x800  }
0x74: {  	[sflag:s5] =	ssyncset.done $0x0  }
0x75: {  	[sflag:s5] =	ssyncadd.s32 $0xFFFFF800  }
0x76: {  	_ =	swait.ge [sflag:s29], $0x800  }
0x77: {  	s0 =	simm.s32 @!p0 $0x80;
	[sflag:s29] =	ssyncset.done $0x0  }
0x78: {  	s1 =	simm.s32 @!p0 $0x2700;
	s24 =	simm.s32 @!p0 $0x5000;
	[sflag:s29] =	ssyncadd.s32 $0xFFFFF800  }
0x79: {  	[tilespmem:s24], [sflag:$0x1] =	stream.indirect.gather @!p0 [spmem:s2], $0x10, s1, s0, $0xb8;
	[tilespmem:$0xAF10] =	vst v63  }
0x7a: {  	s1 =	simm.s32 @!p0 $0x1  }
0x7b: {  	_ =	swait.ge @!p0 [sflag:s1], $0x800  }
0x7c: {  	[sflag:s1] =	ssyncset.done @!p0 $0x0  }
0x7d: {  	[sflag:s1] =	ssyncadd.s32 @!p0 $0xFFFFF800;
	s1 =	simm.s32 @!p0 $0x4F80  }
0x7e: {  	[spmem:s3] =	stream.indirect.scatter.add.f32 @!p0 [tilespmem:s24], [sflag:$0x3], $0x10, s1, s0, $0xb8;
	[tilespmem:$0xAF10] =	vst v63  }
0x7f: {  	s0 =	simm.s32 @!p0 $0x3  }
0x80: {  	_ =	swait.ge @!p0 [sflag:s0], $0x800  }
0x81: {  	s30 =	sadd.s32 $0x1, s30;
	[sflag:s0] =	ssyncset.done @!p0 $0x0  }
0x82: {  	p1 =	sne.s32 s30, s20;
	[sflag:s0] =	ssyncadd.s32 @!p0 $0xFFFFF800  }
.Ltmp2:
0x83: {  	s24 =	sshrl.u32 s9, $0x3;
	[bflag:$0x0] =	sbarrier.arrive $0xFFFF;
	(pc) =	sbr.rel @p1 .LBB2_1-.Ltmp2, $4  }
0x84: {  	[hbm:s19], [sflag:s31] =	dma.local [spmem:s24], $0x500  }
0x85: {  	_ =	swait.ge [sflag:s23], $0x500  }
0x86: {  	[sflag:s23] =	ssyncset.done $0x0  }
0x87: {  	[sflag:s23] =	ssyncadd.s32 $0xFFFFFB00  }
0x88: {  	_ =	sfence.sel $0x180000  }
0x89: {  	[bflag:$0x0] =	sbarrier.arrive $0xFFFF  }
0x8a: {  	_ =	strace $0x9000004D  }
0x8b: {  	s0 =	stileid.u32;
	[bflag:$0x2] =	sbarrier.arrive $0xFFFF  }
0x8c: {  	p0 =	sne.s32 s0, $0x0;
	s0 =	rddreg [dreg:$0x3]  }
0x8d: {  	s0 =	sadd.s32 @!p0 $0x100000, s0  }
0x8e: {  	[sflag:s0] =	ssyncadd.tile.s32 @!p0 $0x1;
	_ =	shalt  }
.Lfunc_end2:
_tile_overlayer_lowered:
.L_overlay_start_2:
0x8f: {  	(tag) =	ssettag $0x2  }
0x90: {  	s0 =	rddreg [dreg:$0x0];
	s2 =	stileid.u32  }
0x91: {  	s1 =	rddreg [dreg:$0x1];
	p0 =	sne.s32 s2, $0x0  }
0x92: {  	s3 =	rddreg [dreg:$0x2];
	[bflag:$0x3] =	sbarrier.arrive $0xFFFF;
	s2 =	simm.s32 @!p0 $0x1C03  }
0x93: {  	[timem:s3], [sflag:s2] =	dma.local @!p0 [hbm:s0], s1  }
0x94: {  	s0 =	simm.s32 @!p0 $0x3  }
0x95: {  	_ =	swait.ge @!p0 [sflag:s0], s1  }
0x96: {  	s1 =	ssub.s32 @!p0 $0x0, s1;
	[sflag:s0] =	ssyncset.done @!p0 $0x0  }
0x97: {  	[sflag:s0] =	ssyncadd.s32 @!p0 s1  }
0x98: {  	[bflag:$0x3] =	sbarrier.arrive $0xFFFF  }
0x99: {  	_ =	shalt  }

// kernel: kernel.8.cloned.1.call-start
scs
__scs_entry_jumppad:
0x0: {  	(pc) =	sbr.rel $0x88, $3  }
0x1: {  	(tag) =	ssettag $0x0;
	lr =	simm.s32 $0x1  }
0x2: {  	[smem:$0x3F9B] =	sst lr;
	_ =	strace $0xD0000000  }
0x3: {  	_ = 	snop  }
0x4: {  	_ = 	snop  }
0x5: {  	_ = 	snop  }
0x6: {  	_ = 	snop  }
0x7: {  	_ = 	snop  }
__scs_overlays_trampoline_lowered:
0x8: {  	[smem:$0x3FAA] =	sst s0  }
0x9: {  	[smem:$0x3FAB] =	sst s1  }
0xa: {  	[smem:$0x3FAC] =	sst s2  }
0xb: {  	[smem:$0x3FAD] =	sst s3  }
0xc: {  	[smem:$0x3FAE] =	sst s4  }
0xd: {  	[smem:$0x3FAF] =	sst s5  }
0xe: {  	[smem:$0x3FB0] =	sst s6  }
0xf: {  	[smem:$0x3FB1] =	sst s7  }
0x10: {  	[smem:$0x3FB2] =	sst s8  }
0x11: {  	[smem:$0x3FB3] =	sst s9;
	s0 =	simm.s32 @!p0 $0x0  }
0x12: {  	s1 =	sld [smem:$0x3F99];
	s0 =	simm.s32 @p0 $0x1  }
0x13: {  	[smem:$0x3FB4] =	sst s0;
	s0 =	simm.s32 @!p1 $0x0  }
0x14: {  	s2 =	sld [smem:$0x3F98];
	s0 =	simm.s32 @p1 $0x1  }
0x15: {  	[smem:$0x3FB5] =	sst s0;
	s0 =	simm.s32 @!p2 $0x0  }
0x16: {  	s3 =	sld [smem:$0x3FDB];
	s0 =	simm.s32 @p2 $0x1  }
0x17: {  	s4 =	simm.s32 $0x1BF5;
	[smem:$0x3FB7] =	sst s0  }
0x18: {  	s0 =	sld [smem:$0x3F9A];
	_ =	swait.ge [sflag:s4], $0x0  }
0x19: {  	s7 =	sld [smem:$0x3F9B]  }
0x1a: {  	s8 =	sadd.s32 $0xFFFFE003, lr  }
0x1b: {  	s9 =	sadd.s32 $0xFFFFFEF7, lr;
	s5 =	simm.s32 $0xFFFFFFFF;
	p2 =	slt.u32 s8, $0xFFFFF086  }
0x1c: {  	p1 =	slt.u32 s9, $0xF7A;
	s5 =	simm.s32 @!p2 $0x0  }
0x1d: {  	s5 =	simm.s32 @p1 $0x1;
	p0 =	seq.s32 s7, s2  }
0x1e: {  	s7 =	smul.u32 @!p0 $0xF7A, s2;
	p2 =	seq.s32 @!p0 s5, $0x0  }
0x1f: {  	s9 =	smul.u32 $0xF7A, s1;
	s8 =	simm.s32 @!p0 $0x1BF5;
	p2 =	por !p2, p0  }
0x20: {  	[sflag:s8] =	ssyncset.s32 @!p0 $0xFFFFF086;
	s6 =	sadd.s32 @!p0 s3, s7;
	s7 =	simm.s32 @!p0 $0x108  }
0x21: {  	s3 =	sadd.s32 s3, s9;
	s6 =	sadd.s32 @!p0 $0x88, s6;
	s7 =	simm.s32 @p2 $0x1082  }
0x22: {  	[simem:s7], [sflag:s8] =	dma.local @!p0 [hbm:s6], $0xF7A  }
0x23: {  	s9 =	sor.u32 $0xD0000000, s2;
	s6 =	simm.s32 $0x108;
	_ =	swait.ge @!p0 [sflag:s8], $0x0  }
0x24: {  	s3 =	sadd.s32 $0x88, s3;
	s6 =	simm.s32 @!p1 $0x1082;
	[sflag:s4] =	ssyncset.s32 $0xFFFFF086  }
0x25: {  	[simem:s6], [sflag:s4] =	dma.local [hbm:s3], $0xF7A  }
0x26: {  	[smem:$0x3F9B] =	sst s1;
	(tag) =	ssettag s2;
	_ =	strace s9  }
0x27: {  	s1 =	sld [smem:$0x3FAB]  }
0x28: {  	s2 =	sld [smem:$0x3FAC]  }
0x29: {  	s4 =	sld [smem:$0x3FAE]  }
0x2a: {  	p0 =	seq.s32 s5, $0x0;
	s5 =	sld [smem:$0x3FAF]  }
0x2b: {  	s6 =	sld [smem:$0x3FB0]  }
0x2c: {  	s7 =	sld [smem:$0x3FB1]  }
0x2d: {  	s3 =	simm.s32 $0x108;
	s8 =	sld [smem:$0x3FB2]  }
0x2e: {  	s3 =	simm.s32 @!p0 $0x1082;
	s9 =	sld [smem:$0x3FB3]  }
0x2f: {  	lr =	sadd.s32 s0, s3;
	s0 =	sld [smem:$0x3FAA]  }
0x30: {  	s3 =	sld [smem:$0x3FAD]  }
0x31: {  	[smem:$0x3FB6] =	sst s10  }
0x32: {  	s10 =	sld [smem:$0x3FB4];
	_ =	sdelay $0x3  }
0x33: {  	p0 =	seq.s32 s10, $0x1;
	s10 =	sld [smem:$0x3FB6];
	_ =	sdelay $0x3  }
0x34: {  	[smem:$0x3FB6] =	sst s10  }
0x35: {  	s10 =	sld [smem:$0x3FB5];
	_ =	sdelay $0x3  }
0x36: {  	p1 =	seq.s32 s10, $0x1;
	s10 =	sld [smem:$0x3FB6];
	_ =	sdelay $0x3  }
0x37: {  	[smem:$0x3FB6] =	sst s10  }
0x38: {  	s10 =	sld [smem:$0x3FB7]  }
0x39: {  	_ = 	snop;
	(pc) =	sbr.ind lr, $3  }
0x3a: {  	_ = 	snop  }
0x3b: {  	_ = 	snop  }
0x3c: {  	p2 =	seq.s32 s10, $0x1;
	s10 =	sld [smem:$0x3FB6]  }
0x3d: {  	_ =	shalt  }
0x3e: {  	_ =	shalt  }
0x3f: {  	_ =	shalt  }
0x40: {  	_ =	shalt  }
0x41: {  	_ =	shalt  }
0x42: {  	_ =	shalt  }
0x43: {  	_ =	shalt  }
0x44: {  	_ =	shalt  }
0x45: {  	_ =	shalt  }
0x46: {  	_ =	shalt  }
0x47: {  	_ =	shalt  }
0x48: {  	_ =	shalt  }
0x49: {  	_ =	shalt  }
0x4a: {  	_ =	shalt  }
0x4b: {  	_ =	shalt  }
0x4c: {  	_ =	shalt  }
0x4d: {  	_ =	shalt  }
0x4e: {  	_ =	shalt  }
0x4f: {  	_ =	shalt  }
0x50: {  	_ =	shalt  }
0x51: {  	_ =	shalt  }
0x52: {  	_ =	shalt  }
0x53: {  	_ =	shalt  }
0x54: {  	_ =	shalt  }
0x55: {  	_ =	shalt  }
0x56: {  	_ =	shalt  }
0x57: {  	_ =	shalt  }
0x58: {  	_ =	shalt  }
0x59: {  	_ =	shalt  }
0x5a: {  	_ =	shalt  }
0x5b: {  	_ =	shalt  }
0x5c: {  	_ =	shalt  }
0x5d: {  	_ =	shalt  }
0x5e: {  	_ =	shalt  }
0x5f: {  	_ =	shalt  }
0x60: {  	_ =	shalt  }
0x61: {  	_ =	shalt  }
0x62: {  	_ =	shalt  }
0x63: {  	_ =	shalt  }
0x64: {  	_ =	shalt  }
0x65: {  	_ =	shalt  }
0x66: {  	_ =	shalt  }
0x67: {  	_ =	shalt  }
0x68: {  	_ =	shalt  }
0x69: {  	_ =	shalt  }
0x6a: {  	_ =	shalt  }
0x6b: {  	_ =	shalt  }
0x6c: {  	_ =	shalt  }
0x6d: {  	_ =	shalt  }
0x6e: {  	_ =	shalt  }
0x6f: {  	_ =	shalt  }
0x70: {  	_ =	shalt  }
0x71: {  	_ =	shalt  }
0x72: {  	_ =	shalt  }
0x73: {  	_ =	shalt  }
0x74: {  	_ =	shalt  }
0x75: {  	_ =	shalt  }
0x76: {  	_ =	shalt  }
0x77: {  	_ =	shalt  }
0x78: {  	_ =	shalt  }
0x79: {  	_ =	shalt  }
0x7a: {  	_ =	shalt  }
0x7b: {  	_ =	shalt  }
0x7c: {  	_ =	shalt  }
0x7d: {  	_ =	shalt  }
0x7e: {  	_ =	shalt  }
0x7f: {  	_ =	shalt  }
0x80: {  	_ =	shalt  }
0x81: {  	_ =	shalt  }
0x82: {  	_ =	shalt  }
0x83: {  	_ =	shalt  }
0x84: {  	_ =	shalt  }
0x85: {  	_ =	shalt  }
0x86: {  	_ =	shalt  }
0x87: {  	_ =	shalt  }
.Lfunc_end0:
.L_simem_size_0:
called_computation_lowered:
.L_overlay_start_0:
0x88: {  	s2 =	sld [smem:$0x3FD9]  }
0x89: {  	s3 =	sld [smem:$0x3FFE];
	_ =	sdelay $0x1  }
0x8a: {  	s1 =	srdreg.scid  }
0x8b: {  	s0 =	sand.u32 $0x1, s1  }
0x8c: {  	s16 =	sshll.u32 s0, $0xA;
	s2 =	sadd.s32 s3, s2  }
0x8d: {  	s2 =	sadd.s32 s2, s16  }
0x8e: {  	[smem:$0x3FC2] =	sst s2  }
0x8f: {  	_ = 	snop  }
0x90: {  	(tm) =	ssettm $0x1  }
0x91: {  	s17 =	sld [smem:$0x3FFB];
	_ =	sdelay $0x3  }
0x92: {  	_ =	strace s17  }
0x93: {  	s2 =	sld [smem:$0x3FFC];
	_ =	sdelay $0x3  }
0x94: {  	_ =	strace s2  }
0x95: {  	s2 =	sld [smem:$0x3FFD];
	_ =	sdelay $0x3  }
0x96: {  	_ =	strace s2  }
0x97: {  	_ =	strace $0x8FFFFFFF  }
0x98: {  	s18 =	sld [smem:$0x3FDB];
	_ =	sdelay $0x1  }
0x99: {  	s19 =	simm.s32 $_scs_section_size  }
0x9a: {  	s4 =	simm.s32 $_size__tile_overlayer_lowered;
	s5 =	simm.s32 $_tile_overlayer_lowered  }
0x9b: {  	s22 =	simm.s32 $0x1BFF;
	s21 =	sshll.u32 s5, $0x1;
	s2 =	sadd.s32 s19, s18  }
0x9c: {  	s6 =	simm.s32 $0x0;
	s20 =	sshll.u32 s4, $0x1;
	s4 =	sadd.s32 s21, s2  }
0x9d: {  	[timem:s6], [sflag:s22] =	dma.local [hbm:s4], s20  }
0x9e: {  	_ =	swait.ge [sflag:s22], s20  }
0x9f: {  	s3 =	ssub.s32 $0x0, s20;
	[sflag:s22] =	ssyncset.done $0x0  }
0xa0: {  	[sflag:s22] =	ssyncadd.s32 s3;
	_ =	sdelay $0x1  }
0xa1: {  	s23 =	simm.s32 $0x1B8B  }
0xa2: {  	_ =	swait.ge [sflag:s23], $0x1  }
0xa3: {  	[sflag:s23] =	ssyncset.done $0x0  }
0xa4: {  	s25 =	simm.s32 $0x1B8E;
	s24 =	sld [smem:$0x3FFE];
	[sflag:s23] =	ssyncadd.s32 $0xFFFFFFFF  }
0xa5: {  	s26 =	simm.s32 $execute0_lowered;
	[smem:$0x3FD2] =	sst s25  }
0xa6: {  	s4 =	sshll.u32 s26, $0x1;
	_ =	strace $0x80000046;
	[dreg:$0x1] =	wrdreg $0xFFFFFFFF  }
0xa7: {  	s28 =	simm.s32 $_size_execute0_lowered;
	s2 =	sadd.s32 s2, s4;
	[dreg:$0x0] =	wrdreg $0x0  }
0xa8: {  	s4 =	sshll.u32 s28, $0x1;
	[dreg:$0x2] =	wrdreg s2  }
0xa9: {  	[dreg:$0x3] =	wrdreg s4  }
0xaa: {  	[dreg:$0x4] =	wrdreg $0xC0  }
0xab: {  	_ =	task [dreg:s6], $0x5FFFF  }
0xac: {  	[dreg:$0x1] =	wrdreg $0xFFFFFFFF  }
0xad: {  	[dreg:$0x0] =	wrdreg $0x60  }
0xae: {  	[dreg:$0x2] =	wrdreg s24  }
0xaf: {  	[dreg:$0x3] =	wrdreg $0x28000  }
0xb0: {  	[dreg:$0x4] =	wrdreg $0x9  }
0xb1: {  	_ =	task.clear_ibuf [dreg:s6], $0x5FFFF;
	_ =	strace $0x90000046  }
0xb2: {  	s29 =	simm.s32 $0x9;
	_ =	strace $0x80000048  }
0xb3: {  	_ =	swait.ge [sflag:s29], $0x1  }
0xb4: {  	[sflag:s29] =	ssyncadd.s32 $0xFFFFFFFF  }
0xb5: {  	_ =	strace $0x90000048  }
0xb6: {  	_ =	sfence  }
0xb7: {  	s30 =	sld [smem:$0x0];
	_ =	sdelay $0x2  }
0xb8: {  	s31 =	sshll.u32 s1, $0xD;
	s1 =	sshrl.u32 s1, $0x2  }
0xb9: {  	s3 =	sand.u32 $0x4000, s31;
	s1 =	sadd.s32 s1, s30  }
0xba: {  	s0 =	sor.u32 s3, s0;
	s1 =	sshll.u32 s1, $0x11  }
0xbb: {  	s0 =	sor.u32 s1, s0  }
0xbc: {  	s0 =	sadd.s32 $0x8F2B, s0  }
0xbd: {  	[sflag:s0] =	ssyncadd.remote.s32 $0x1  }
0xbe: {  	_ =	sfence.sel $0xFFFF  }
0xbf: {  	[dreg:$0x0] =	wrdreg $0xFFFFFFFF;
	(pc) =	sbr.abs _section_cstart, $3  }
0xc0: {  	[dreg:$0x1] =	wrdreg $0xFFFFFFFF  }
0xc1: {  	_ =	task.clear_ibuf [dreg:s6], $0x2FFFF;
	_ =	strace $0x9FFFFFFF  }
0xc2: {  	(tm) =	ssettm $0x7FFFFFFF  }
0xc3: {  	_ =	shalt  }
tec
execute0_lowered:
.L_overlay_start_1:
0x0: {  	(tag) =	ssettag $0x1  }
0x1: {  	s0 =	srdreg.scid;
	s6 =	rddreg [dreg:$0x0]  }
0x2: {  	s2 =	rddreg [dreg:$0x1];
	s14 =	simm.s32 $0x1;
	s15 =	simm.s32 $0x2  }
0x3: {  	s16 =	simm.s32 $0x2780;
	s5 =	sand.u32 $0x1, s0;
	s0 =	stileid.u32  }
0x4: {  	s17 =	simm.s32 $0x80;
	s20 =	simm.s32 $0x0;
	s8 =	smul.u32 $0x280, s0  }
0x5: {  	s1 =	sshll.u32 s5, $0x4;
	s9 =	smul.u32 $0x2800, s5;
	s30 =	ssub.s32 $0x2, s5  }
0x6: {  	s5 =	simm.s32 $0x4F;
	s18 =	sshll.u32 s0, $0x6;
	s7 =	sor.u32 s0, s1  }
0x7: {  	s1 =	rddreg [dreg:$0x2];
	s31 =	sshrl.u32 s30, $0x1;
	s18 =	sor.u32 $0x1C02, s18  }
0x8: {  	s3 =	smul.u32 $0x4E, s7;
	p0 =	seq.s32 s7, $0x1F;
	s4 =	smin.u32 s7, $0x4  }
0x9: {  	s9 =	sadd.s32 s8, s9;
	s13 =	ssub.s32 s30, s31;
	s14 =	simm.s32 @!p0 $0x0  }
0xa: {  	s9 =	sshrl.u32 s9, $0x3;
	p0 =	slt.u32 s7, $0x4;
	s4 =	sadd.s32 s4, s3  }
0xb: {  	s13 =	smax.u32 s13, $0x1;
	s3 =	simm.s32 $0x0;
	s4 =	ssub.s32 s4, s14  }
0xc: {  	s12 =	sadd.s32 s9, s6;
	s5 =	simm.s32 @!p0 $0x4E;
	s4 =	sshll.u32 s4, $0x7  }
0xd: {  	[smem:$0x7FF] =	sst s3;
	s12 =	sadd.s32 $0x15600, s12;
	s10 =	sadd.s32 $0x4E200, s4  }
0xe: {  	s14 =	sshll.u32 s14, $0x7;
	_ =	strace $0x80000047;
	s10 =	sshrl.u32 s10, $0x3  }
0xf: {  	s4 =	simm.s32 $0x1;
	s10 =	sadd.s32 s10, s6;
	s6 =	sadd.s32 s8, s2  }
0x10: {  	s7 =	sadd.s32 $0x1C00, s10;
	s8 =	sadd.s32 $0x80, s6;
	s9 =	sadd.s32 $0x100, s6  }
0x11: {  	v0 =	vimm.f32 $0.0e+00;
	v1 =	vimm.f32 $1.000000000e+00;
	s10 =	sadd.s32 $0x180, s6;
	s11 =	sadd.s32 $0x200, s6;
	s19 =	sshrl.u32 s6, $0x3  }
.LBB2_1:
0x12: {  	[tilespmem:s3], [sflag:$0x2] =	stream.linear.gather [hbm4b:s7+s3], $0x2780, $0x38;
	[tilespmem:$0x2A80] =	vst v63  }
0x13: {  	_ =	swait.ge [sflag:s15], $0x2780  }
0x14: {  	[sflag:s15] =	ssyncset.done $0x0  }
0x15: {  	[sflag:s15] =	ssyncadd.s32 $0xFFFFD880  }
0x16: {  	[tilespmem:$0x2780] =	vst v0  }
0x17: {  	[tilespmem:$0x2790] =	vst v0  }
0x18: {  	[tilespmem:$0x27A0] =	vst v0  }
0x19: {  	[tilespmem:$0x27B0] =	vst v0  }
0x1a: {  	[tilespmem:$0x27C0] =	vst v0  }
0x1b: {  	[tilespmem:$0x27D0] =	vst v0  }
0x1c: {  	[tilespmem:$0x27E0] =	vst v0  }
0x1d: {  	[tilespmem:$0x27F0] =	vst v0  }
0x1e: {  	[spmem:s6] =	stream.linear.scatter [tilespmem:s16], [sflag:$0x2], $0x80, $0x38;
	[tilespmem:$0x2A80] =	vst v63  }
0x1f: {  	_ =	swait.ge [sflag:s15], $0x80  }
0x20: {  	[sflag:s15] =	ssyncset.done $0x0  }
0x21: {  	[sflag:s15] =	ssyncadd.s32 $0xFFFFFF80  }
0x22: {  	[spmem:s8] =	stream.linear.scatter [tilespmem:s16], [sflag:$0x2], $0x80, $0x38;
	[tilespmem:$0x2A80] =	vst v63  }
0x23: {  	_ =	swait.ge [sflag:s15], $0x80  }
0x24: {  	[sflag:s15] =	ssyncset.done $0x0  }
0x25: {  	[sflag:s15] =	ssyncadd.s32 $0xFFFFFF80  }
0x26: {  	[spmem:s9] =	stream.linear.scatter [tilespmem:s16], [sflag:$0x2], $0x80, $0x38;
	[tilespmem:$0x2A80] =	vst v63  }
0x27: {  	_ =	swait.ge [sflag:s15], $0x80  }
0x28: {  	[sflag:s15] =	ssyncset.done $0x0  }
0x29: {  	[sflag:s15] =	ssyncadd.s32 $0xFFFFFF80  }
0x2a: {  	[spmem:s10] =	stream.linear.scatter [tilespmem:s16], [sflag:$0x2], $0x80, $0x38;
	[tilespmem:$0x2A80] =	vst v63  }
0x2b: {  	_ =	swait.ge [sflag:s15], $0x80  }
0x2c: {  	[sflag:s15] =	ssyncset.done $0x0  }
0x2d: {  	[sflag:s15] =	ssyncadd.s32 $0xFFFFFF80  }
0x2e: {  	[spmem:s11] =	stream.linear.scatter [tilespmem:s16], [sflag:$0x2], $0x80, $0x38;
	[tilespmem:$0x2A80] =	vst v63  }
0x2f: {  	_ =	swait.ge [sflag:s15], $0x80  }
0x30: {  	[sflag:s15] =	ssyncset.done $0x0  }
0x31: {  	[sflag:s15] =	ssyncadd.s32 $0xFFFFFF80  }
0x32: {  	[tilespmem:$0x2780] =	vst v1  }
0x33: {  	[tilespmem:$0x2790] =	vst v1  }
0x34: {  	[tilespmem:$0x27A0] =	vst v1  }
0x35: {  	[tilespmem:$0x27B0] =	vst v1  }
0x36: {  	p0 =	sne.s32 s5, $0x1;
	[tilespmem:$0x27C0] =	vst v1  }
.Ltmp0:
0x37: {  	[tilespmem:$0x27D0] =	vst v1;
	(pc) =	sbr.rel @!p0 .LBB2_3-.Ltmp0, $4  }
0x38: {  	[tilespmem:$0x27E0] =	vst v1  }
0x39: {  	[tilespmem:$0x27F0] =	vst v1  }
0x3a: {  	s21 =	sadd.s32 $0xFFFFFFFF, s5;
	s22 =	smov.u32 s14;
	[bflag:$0x0] =	sbarrier.arrive $0xFFFF  }
0x3b: {  	[spmem:s2] =	stream.indirect.scatter.add.f32 [tilespmem:s16], [sflag:$0x1], $0x1, s14, s17, $0xb8;
	[tilespmem:$0x2A80] =	vst v63  }
.LBB2_2:
0x3c: {  	p1 =	sne.s32 s21, $0x1  }
.Ltmp1:
0x3d: {  	_ = 	snop;
	(pc) =	sbr.rel @p1 .LBB2_2-.Ltmp1, $3  }
0x3e: {  	_ = 	snop  }
0x3f: {  	s21 =	sadd.s32 $0xFFFFFFFF, s21;
	s22 =	sadd.s32 $0x80, s22;
	_ =	sdelay $0x1  }
0x40: {  	[spmem:s2] =	stream.indirect.scatter.add.f32 [tilespmem:s16], [sflag:$0x1], $0x1, s22, s17, $0xb8;
	[tilespmem:$0x2A80] =	vst v63  }
.LBB2_3:
.Ltmp2:
0x41: {  	(pc) =	sbr.rel @!p0 .LBB2_5-.Ltmp2, $3  }
0x42: {  	_ =	sdelay $0x1  }
0x43: {  	_ =	swait.ge [sflag:s4], $0x80  }
0x44: {  	s21 =	sadd.s32 $0xFFFFFFFF, s5;
	[sflag:s4] =	ssyncset.done $0x0  }
.LBB2_4:
0x45: {  	p0 =	sne.s32 s21, $0x1;
	s21 =	sadd.s32 $0xFFFFFFFF, s21;
	[sflag:s4] =	ssyncadd.s32 $0xFFFFFF80  }
.Ltmp3:
0x46: {  	(pc) =	sbr.rel @p0 .LBB2_4-.Ltmp3, $3  }
0x47: {  	_ =	sdelay $0x1  }
0x48: {  	_ =	swait.ge [sflag:s4], $0x80  }
0x49: {  	[sflag:s4] =	ssyncset.done $0x0  }
.LBB2_5:
0x4a: {  	s20 =	sadd.s32 $0x1, s20  }
0x4b: {  	[sflag:s4] =	ssyncadd.s32 $0xFFFFFF80;
	p0 =	sne.s32 s20, s13  }
.Ltmp4:
0x4c: {  	[bflag:$0x0] =	sbarrier.arrive $0xFFFF;
	(pc) =	sbr.rel @p0 .LBB2_1-.Ltmp4, $4  }
0x4d: {  	[hbm:s12], [sflag:s18] =	dma.local [spmem:s19], $0x50  }
0x4e: {  	_ =	swait.ge [sflag:s15], $0x50  }
0x4f: {  	[sflag:s15] =	ssyncset.done $0x0  }
0x50: {  	[sflag:s15] =	ssyncadd.s32 $0xFFFFFFB0  }
0x51: {  	_ =	sfence.sel $0x180000  }
0x52: {  	[bflag:$0x0] =	sbarrier.arrive $0xFFFF  }
0x53: {  	p0 =	sne.s32 s0, $0x0;
	_ =	strace $0x90000047  }
0x54: {  	s0 =	sadd.s32 @!p0 $0x100000, s1;
	[bflag:$0x2] =	sbarrier.arrive $0xFFFF  }
0x55: {  	[sflag:s0] =	ssyncadd.tile.s32 @!p0 $0x1;
	_ =	shalt  }
.Lfunc_end2:
_tile_overlayer_lowered:
.L_overlay_start_2:
0x56: {  	(tag) =	ssettag $0x2  }
0x57: {  	s0 =	rddreg [dreg:$0x0];
	s2 =	stileid.u32  }
0x58: {  	s1 =	rddreg [dreg:$0x1];
	p0 =	sne.s32 s2, $0x0  }
0x59: {  	s3 =	rddreg [dreg:$0x2];
	[bflag:$0x3] =	sbarrier.arrive $0xFFFF;
	s2 =	simm.s32 @!p0 $0x1C02  }
0x5a: {  	[timem:s3], [sflag:s2] =	dma.local @!p0 [hbm:s0], s1  }
0x5b: {  	s0 =	simm.s32 @!p0 $0x2  }
0x5c: {  	_ =	swait.ge @!p0 [sflag:s0], s1  }
0x5d: {  	s1 =	ssub.s32 @!p0 $0x0, s1;
	[sflag:s0] =	ssyncset.done @!p0 $0x0  }
0x5e: {  	[sflag:s0] =	ssyncadd.s32 @!p0 s1  }
0x5f: {  	[bflag:$0x3] =	sbarrier.arrive $0xFFFF  }
0x60: {  	_ =	shalt  }

</sc_bundles>
